<compile_context>
chip_gen: v7x
topology: tpu7x:2x2x1
jax: 0.10.2.dev20260603
libtpu: 0.0.44.dev20260713+nightly
codegen_flags: <defaults>
</compile_context>

<pallas_src>
import functools

import jax
import jax.numpy as jnp
from jax import lax
from jax.experimental import pallas as pl
from jax.experimental.pallas import tpu as pltpu
from jax.experimental.pallas import tpu_sc as plsc

N_EDGES = 320000
D = 128
N_NODES = 10000
N_PAD = 10240
NC = 2
NS = 16
L = 16
NW = NC * NS
EPT = N_EDGES // NW
B = 80
NCHUNK = EPT // B
NBUF = 4
RPT = N_PAD // NS
R2 = N_PAD // NW
NBLK = R2 // B

_mesh = plsc.VectorSubcoreMesh(core_axis_name="c", subcore_axis_name="s")


def _zero_vmem(ref, nwords):
    def body(j, _):
        ref[pl.ds(j * L, L)] = jnp.zeros((L,), jnp.float32)
        return 0
    lax.fori_loop(0, nwords // L, body, 0)


@functools.partial(
    pl.kernel,
    out_type=(
        jax.ShapeDtypeStruct((N_NODES, D), jnp.float32),
        jax.ShapeDtypeStruct((NC, N_PAD, D), jnp.float32),
        jax.ShapeDtypeStruct((NC * N_PAD,), jnp.float32),
        jax.ShapeDtypeStruct((NC * L,), jnp.float32),
    ),
    mesh=_mesh,
    scratch_types=[
        pltpu.VMEM_SHARED((N_PAD, D), jnp.float32),
        pltpu.VMEM_SHARED((N_PAD,), jnp.float32),
        pltpu.VMEM((NBUF, B), jnp.int32),
        pltpu.VMEM((B, D), jnp.float32),
        pltpu.VMEM((B, D), jnp.float32),
        pltpu.VMEM((B, D), jnp.float32),
        pltpu.VMEM((B, D), jnp.float32),
        pltpu.VMEM((B,), jnp.float32),
        pltpu.VMEM((RPT,), jnp.float32),
        pltpu.VMEM((R2,), jnp.float32),
        pltpu.VMEM((R2,), jnp.float32),
        pltpu.VMEM((B + L,), jnp.float32),
        pltpu.VMEM((L,), jnp.float32),
        pltpu.SemaphoreType.DMA,
        pltpu.SemaphoreType.DMA,
        pltpu.SemaphoreType.DMA,
        pltpu.SemaphoreType.DMA,
        pltpu.SemaphoreType.DMA,
        pltpu.SemaphoreType.DMA,
    ],
)
def _fused_stage(msg_hbm, idx_hbm, out_hbm, psum_hbm, pcnt_hbm, flag_hbm,
                 acc_sh, cnt_sh, idx_ring, rows0, rows1, rows2, rows3,
                 ones_v, zvec_v, ca, cb, rcpb, fbuf,
                 fsem0, fsem1, fsem2, fsem3, ssem, csem):
    cid = lax.axis_index("c")
    sid = lax.axis_index("s")
    wid = cid * NS + sid
    ebase = wid * EPT
    bufs = (rows0, rows1, rows2, rows3)
    fsems = (fsem0, fsem1, fsem2, fsem3)

    def zrow(r, _):
        def zcol(j, _):
            rows0[r, pl.ds(j * L, L)] = jnp.zeros((L,), jnp.float32)
            return 0
        lax.fori_loop(0, D // L, zcol, 0)
        return 0
    lax.fori_loop(0, B, zrow, 0)
    _zero_vmem(zvec_v, RPT)

    def one(j, _):
        ones_v[pl.ds(j * L, L)] = jnp.ones((L,), jnp.float32)
        return 0
    lax.fori_loop(0, B // L, one, 0)

    @pl.when(sid == 0)
    def _():
        pltpu.sync_copy(zvec_v.at[pl.ds(0, L)], flag_hbm.at[pl.ds(cid * L, L)])

    base_r = sid * RPT

    def fetch_start(c, k):
        pltpu.async_copy(msg_hbm.at[pl.ds(ebase + c * B, B), :],
                         bufs[k], fsems[k])
        pltpu.async_copy(idx_hbm.at[pl.ds(ebase + c * B, B)],
                         idx_ring.at[k], fsems[k])

    def fetch_wait(c, k):
        pltpu.make_async_copy(msg_hbm.at[pl.ds(ebase + c * B, B), :],
                              bufs[k], fsems[k]).wait()
        pltpu.make_async_copy(idx_hbm.at[pl.ds(ebase + c * B, B)],
                              idx_ring.at[k], fsems[k]).wait()

    def scat(c, k):
        pltpu.async_copy(bufs[k], acc_sh.at[idx_ring.at[k]], ssem, add=True)
        pltpu.async_copy(ones_v, cnt_sh.at[idx_ring.at[k]], csem, add=True)
        pltpu.make_async_copy(bufs[k], acc_sh.at[idx_ring.at[k]], ssem).wait()

    for k in range(1, NBUF):
        fetch_start(k, k)
    for k in range(RPT // B):
        pltpu.sync_copy(rows0, acc_sh.at[pl.ds(base_r + k * B, B), :])
    pltpu.sync_copy(zvec_v, cnt_sh.at[pl.ds(base_r, RPT)])
    fetch_start(0, 0)
    plsc.subcore_barrier()

    def quad(g, _):
        for k in range(NBUF):
            c = NBUF * g + k
            fetch_wait(c, k)
            scat(c, k)

            def refill(c=c, k=k):
                fetch_start(c + NBUF, k)
            pl.when(c + NBUF <= NCHUNK - 1)(refill)
        return 0
    lax.fori_loop(0, (NCHUNK - 1) // NBUF, quad, 0)

    fetch_wait(NCHUNK - 1, 0)
    scat(NCHUNK - 1, 0)

    def drain(i, _):
        pltpu.make_async_copy(ones_v, cnt_sh.at[idx_ring.at[0]], csem).wait()
        return 0
    lax.fori_loop(0, NCHUNK, drain, 0)
    plsc.subcore_barrier()

    hbase = (1 - cid) * (N_PAD // NC) + sid * (N_PAD // NC // NS)
    pltpu.sync_copy(acc_sh.at[pl.ds(hbase, N_PAD // NC // NS), :],
                    psum_hbm.at[cid, pl.ds(hbase, N_PAD // NC // NS), :])
    pltpu.sync_copy(cnt_sh.at[pl.ds(base_r, RPT)],
                    pcnt_hbm.at[pl.ds(cid * N_PAD + base_r, RPT)])
    plsc.subcore_barrier()

    @pl.when(sid == 0)
    def _():
        pltpu.sync_copy(ones_v.at[pl.ds(0, L)],
                        flag_hbm.at[pl.ds(cid * L, L)])
        fbuf[...] = jnp.zeros((L,), jnp.float32)

        def poll(i, found):
            def do_poll():
                pltpu.sync_copy(flag_hbm.at[pl.ds((1 - cid) * L, L)], fbuf)
            pl.when(found < 0.5)(do_poll)
            return jnp.maximum(found, fbuf[...][0])
        found = lax.fori_loop(0, 64, poll, jnp.float32(0.0))

        @pl.when(found < 0.5)
        def _():
            lax.fori_loop(0, 4096, poll, jnp.float32(0.0))
    plsc.subcore_barrier()

    row0 = wid * R2
    ocid = 1 - cid
    pltpu.sync_copy(cnt_sh.at[pl.ds(row0, R2)], ca)
    pltpu.sync_copy(pcnt_hbm.at[pl.ds(ocid * N_PAD + row0, R2)], cb)

    def rd_start(k, pair):
        rb = row0 + k * B
        pltpu.async_copy(acc_sh.at[pl.ds(rb, B), :],
                         bufs[2 * pair], fsems[2 + pair])
        pltpu.async_copy(psum_hbm.at[ocid, pl.ds(rb, B), :],
                         bufs[2 * pair + 1], fsems[pair])

    def rd_wait(k, pair):
        rb = row0 + k * B
        pltpu.make_async_copy(acc_sh.at[pl.ds(rb, B), :],
                              bufs[2 * pair], fsems[2 + pair]).wait()
        pltpu.make_async_copy(psum_hbm.at[ocid, pl.ds(rb, B), :],
                              bufs[2 * pair + 1], fsems[pair]).wait()

    pl.when(row0 < N_NODES)(lambda: rd_start(0, 0))
    for k in range(NBLK):
        rbase = row0 + k * B

        def block(rbase=rbase, k=k, pair=k % 2):
            rd_wait(k, pair)
            if k + 1 < NBLK:
                def pre():
                    rd_start(k + 1, 1 - pair)
                pl.when(row0 + (k + 1) * B < N_NODES)(pre)

            def group(g, _):
                i0 = k * B + g * L
                cv = ca[pl.ds(i0, L)] + cb[pl.ds(i0, L)]
                rcpb[pl.ds(g * L, L)] = 1.0 / jnp.maximum(cv, 1.0)
                return 0
            lax.fori_loop(0, B // L, group, 0)
            rcpb[pl.ds(B, L)] = jnp.ones((L,), jnp.float32)

            def row(r, _):
                s = rcpb[pl.ds(r, L)][0]
                for j in range(D // L):
                    sl = pl.ds(j * L, L)
                    bufs[2 * pair][r, sl] = (
                        bufs[2 * pair][r, sl] + bufs[2 * pair + 1][r, sl]) * s
                return 0
            lax.fori_loop(0, B, row, 0)
            pltpu.sync_copy(bufs[2 * pair], out_hbm.at[pl.ds(rbase, B), :])
        pl.when(rbase < N_NODES)(block)


def kernel(msg, index, t, dim_size):
    del t, dim_size
    idx32 = index.astype(jnp.int32)
    out, _, _, _ = _fused_stage(msg, idx32)
    return out

# --- scband reference (transcript-rebuilt; emitter-appended) ---
"""Pipeline reference for scband-mean-aggregator-29850022707226 (READ-ONLY COPY).

The authoritative reference and input builder live on the scoring server;
editing this copy changes nothing except your own understanding.
"""

import jax, jax.numpy as jnp
import numpy as np


def setup_inputs(seed: int = 0) -> dict:
    key = jax.random.key(seed)
    k_msg, k_idx, k_t = jax.random.split(key, 3)
    n_edges = 320000
    d_feat = 128
    n_nodes = 10000
    msg = jax.random.normal(k_msg, (n_edges, d_feat), dtype=jnp.float32)
    index = jax.random.randint(k_idx, (n_edges,), 0, n_nodes, dtype=jnp.int64)
    t = jax.random.uniform(k_t, (n_edges,), dtype=jnp.float32)
    return {"msg": msg, "index": index, "t": t, "dim_size": int(n_nodes)}


def reference(msg, index, t, dim_size):
    # scatter_mean(msg, index, dim=0, dim_size=dim_size)
    num_segments = 10000
    sums = jax.ops.segment_sum(msg, index, num_segments=num_segments)
    counts = jax.ops.segment_sum(jnp.ones((msg.shape[0],), dtype=msg.dtype), index, num_segments=num_segments)
    counts = jnp.clip(counts, 1.0, None)
    zero_fold = jnp.zeros((), dtype=msg.dtype) * jnp.asarray(dim_size, dtype=msg.dtype)
    return sums / counts[:, None] + zero_fold

if __name__ == "__main__":
    import jax
    _d = setup_inputs()
    print(jax.jit(kernel)(*tuple(_d.values())))

</pallas_src>

<mosaic_0001>
#map = affine_map<(d0, d1) -> (0, 0)>
#map1 = affine_map<(d0, d1) -> (0)>
#map2 = affine_map<(d0, d1) -> (0, 0, 0)>
module attributes {stable_mosaic.version = 14 : i64} {
  func.func @_fused_stage(%arg0: i32, %arg1: i32, %arg2: memref<320000x128xf32, #tpu.memory_space<hbm>>, %arg3: memref<320000xi32, #tpu.memory_space<hbm>>, %arg4: memref<10000x128xf32, #tpu.memory_space<hbm>>, %arg5: memref<2x10240x128xf32, #tpu.memory_space<hbm>>, %arg6: memref<20480xf32, #tpu.memory_space<hbm>>, %arg7: memref<32xf32, #tpu.memory_space<hbm>>, %arg8: memref<10240x128xf32, #tpu.memory_space<vmem_shared>>, %arg9: memref<10240xf32, #tpu.memory_space<vmem_shared>>, %arg10: memref<4x80xi32, #tpu.memory_space<vmem>>, %arg11: memref<80x128xf32, #tpu.memory_space<vmem>>, %arg12: memref<80x128xf32, #tpu.memory_space<vmem>>, %arg13: memref<80x128xf32, #tpu.memory_space<vmem>>, %arg14: memref<80x128xf32, #tpu.memory_space<vmem>>, %arg15: memref<80xf32, #tpu.memory_space<vmem>>, %arg16: memref<640xf32, #tpu.memory_space<vmem>>, %arg17: memref<320xf32, #tpu.memory_space<vmem>>, %arg18: memref<320xf32, #tpu.memory_space<vmem>>, %arg19: memref<96xf32, #tpu.memory_space<vmem>>, %arg20: memref<16xf32, #tpu.memory_space<vmem>>, %arg21: memref<!tpu.dma_semaphore, #tpu.memory_space<semaphore_mem>>, %arg22: memref<!tpu.dma_semaphore, #tpu.memory_space<semaphore_mem>>, %arg23: memref<!tpu.dma_semaphore, #tpu.memory_space<semaphore_mem>>, %arg24: memref<!tpu.dma_semaphore, #tpu.memory_space<semaphore_mem>>, %arg25: memref<!tpu.dma_semaphore, #tpu.memory_space<semaphore_mem>>, %arg26: memref<!tpu.dma_semaphore, #tpu.memory_space<semaphore_mem>>) attributes {dimension_semantics = [#tpu.dimension_semantics<core_parallel>, #tpu.dimension_semantics<subcore_parallel>], iteration_bounds = array<i64: 2, 16>, scalar_prefetch = 0 : i64, scratch_operands = 19 : i64, tpu.core_type = #tpu.core_type<sc_vector_subcore>, window_params = [{transform_indices = #map}, {transform_indices = #map1}, {transform_indices = #map}, {transform_indices = #map2}, {transform_indices = #map1}, {transform_indices = #map1}]} {
    %mul3A = arith.constant 16 : i32
    %mul3A_0 = arith.muli %arg0, %mul3A : i32
    %add3A = arith.addi %mul3A_0, %arg1 : i32
    %mul3A_1 = arith.constant 10000 : i32
    %mul3A_2 = arith.muli %add3A, %mul3A_1 : i32
    %scan3A = arith.constant 0 : i32
    %scan3A_3 = arith.constant 0 : i32
    %scan3A_4 = arith.constant 80 : i32
    %scan3A_5 = arith.addi %scan3A_3, %scan3A_4 : i32
    %scan3A_6 = arith.constant 1 : i32
    %scan3A_7 = scf.for %scan3A_216 = %scan3A_3 to %scan3A_5 step %scan3A_6 iter_args(%scan3A_217 = %scan3A) -> (i32)  : i32 {
      %scan3A_218 = arith.constant 0 : i32
      %scan3A_219 = arith.constant 0 : i32
      %scan3A_220 = arith.constant 8 : i32
      %scan3A_221 = arith.addi %scan3A_219, %scan3A_220 : i32
      %scan3A_222 = arith.constant 1 : i32
      %scan3A_223 = scf.for %scan3A_226 = %scan3A_219 to %scan3A_221 step %scan3A_222 iter_args(%scan3A_227 = %scan3A_218) -> (i32)  : i32 {
        %broadcast_in_dim3A = arith.constant 0.000000e+00 : f32
        %broadcast_in_dim3A_228 = vector.broadcast %broadcast_in_dim3A : f32 to vector<16xf32>
        %mul3A_229 = arith.constant 16 : i32
        %mul3A_230 = arith.muli %scan3A_226, %mul3A_229 : i32
        %swap3A = arith.index_cast %scan3A_216 : i32 to index
        %swap3A_231 = arith.index_cast %mul3A_230 : i32 to index
        %swap3A_232 = tpu.vector_load %arg11[%swap3A, %swap3A_231] {strides = array<i32>} : memref<80x128xf32, #tpu.memory_space<vmem>>, vector<1x16xf32>,
        %swap3A_233 = vector.shape_cast %swap3A_232 : vector<1x16xf32> to vector<16xf32>
        %swap3A_234 = vector.shape_cast %broadcast_in_dim3A_228 : vector<16xf32> to vector<1x16xf32>
        tpu.vector_store %arg11[%swap3A, %swap3A_231], %swap3A_234 {strides = array<i32>} : memref<80x128xf32, #tpu.memory_space<vmem>>, vector<1x16xf32>,
        %scan3A_235 = arith.constant 0 : i32
        scf.yield %scan3A_235 : i32
      }
      %scan3A_224 = arith.constant 8 : i32
      %scan3A_225 = arith.constant 0 : i32
      scf.yield %scan3A_225 : i32
    }
    %scan3A_8 = arith.constant 80 : i32
    %scan3A_9 = arith.constant 0 : i32
    %scan3A_10 = arith.constant 0 : i32
    %scan3A_11 = arith.constant 40 : i32
    %scan3A_12 = arith.addi %scan3A_10, %scan3A_11 : i32
    %scan3A_13 = arith.constant 1 : i32
    %scan3A_14 = scf.for %scan3A_216 = %scan3A_10 to %scan3A_12 step %scan3A_13 iter_args(%scan3A_217 = %scan3A_9) -> (i32)  : i32 {
      %broadcast_in_dim3A = arith.constant 0.000000e+00 : f32
      %broadcast_in_dim3A_218 = vector.broadcast %broadcast_in_dim3A : f32 to vector<16xf32>
      %mul3A_219 = arith.constant 16 : i32
      %mul3A_220 = arith.muli %scan3A_216, %mul3A_219 : i32
      %swap3A = arith.index_cast %mul3A_220 : i32 to index
      %swap3A_221 = tpu.vector_load %arg16[%swap3A] {strides = array<i32>} : memref<640xf32, #tpu.memory_space<vmem>>, vector<16xf32>,
      %swap3A_222 = vector.shape_cast %swap3A_221 : vector<16xf32> to vector<16xf32>
      %swap3A_223 = vector.shape_cast %broadcast_in_dim3A_218 : vector<16xf32> to vector<16xf32>
      tpu.vector_store %arg16[%swap3A], %swap3A_223 {strides = array<i32>} : memref<640xf32, #tpu.memory_space<vmem>>, vector<16xf32>,
      %scan3A_224 = arith.constant 0 : i32
      scf.yield %scan3A_224 : i32
    }
    %scan3A_15 = arith.constant 40 : i32
    %scan3A_16 = arith.constant 0 : i32
    %scan3A_17 = arith.constant 0 : i32
    %scan3A_18 = arith.constant 5 : i32
    %scan3A_19 = arith.addi %scan3A_17, %scan3A_18 : i32
    %scan3A_20 = arith.constant 1 : i32
    %scan3A_21 = scf.for %scan3A_216 = %scan3A_17 to %scan3A_19 step %scan3A_20 iter_args(%scan3A_217 = %scan3A_16) -> (i32)  : i32 {
      %broadcast_in_dim3A = arith.constant 1.000000e+00 : f32
      %broadcast_in_dim3A_218 = vector.broadcast %broadcast_in_dim3A : f32 to vector<16xf32>
      %mul3A_219 = arith.constant 16 : i32
      %mul3A_220 = arith.muli %scan3A_216, %mul3A_219 : i32
      %swap3A = arith.index_cast %mul3A_220 : i32 to index
      %swap3A_221 = tpu.vector_load %arg15[%swap3A] {strides = array<i32>} : memref<80xf32, #tpu.memory_space<vmem>>, vector<16xf32>,
      %swap3A_222 = vector.shape_cast %swap3A_221 : vector<16xf32> to vector<16xf32>
      %swap3A_223 = vector.shape_cast %broadcast_in_dim3A_218 : vector<16xf32> to vector<16xf32>
      tpu.vector_store %arg15[%swap3A], %swap3A_223 {strides = array<i32>} : memref<80xf32, #tpu.memory_space<vmem>>, vector<16xf32>,
      %scan3A_224 = arith.constant 0 : i32
      scf.yield %scan3A_224 : i32
    }
    %scan3A_22 = arith.constant 5 : i32
    %eq3A = arith.constant 0 : i32
    %eq3A_23 = arith.cmpi eq, %arg1, %eq3A : i32
    %convert_element_type3A = arith.extui %eq3A_23 : i1 to i32
    %cond3A = arith.constant 0 : i32
    %cond3A_24 = arith.cmpi ne, %convert_element_type3A, %cond3A : i32
    scf.if %cond3A_24 {
      %mul3A_216 = arith.constant 16 : i32
      %mul3A_217 = arith.muli %arg0, %mul3A_216 : i32
      "tpu.region"() ({
        %run_scoped3A = tpu.sem_alloc : memref<!tpu.dma_semaphore, #tpu.memory_space<semaphore_mem>>
        %dma_start3A_218 = arith.constant 0 : i32
        %dma_start3A_219 = tpu.memref_slice %arg16[%dma_start3A_218] : memref<640xf32, #tpu.memory_space<vmem>> -> memref<16xf32, #tpu.memory_space<vmem>>
        %dma_start3A_220 = tpu.memref_slice %arg7[%mul3A_217] : memref<32xf32, #tpu.memory_space<hbm>> -> memref<16xf32, #tpu.memory_space<hbm>>
        %dma_start3A_221 = tpu.memref_slice %arg7[%mul3A_217] : memref<32xf32, #tpu.memory_space<hbm>> -> memref<16xf32, #tpu.memory_space<hbm>>
        %dma_start3A_222 = arith.constant 0 : i32
        %dma_start3A_223 = tpu.memref_slice %arg16[%dma_start3A_222] : memref<640xf32, #tpu.memory_space<vmem>> -> memref<16xf32, #tpu.memory_space<vmem>>
        tpu.enqueue_dma source(%dma_start3A_223 : memref<16xf32, #tpu.memory_space<vmem>>) target(%dma_start3A_221 : memref<16xf32, #tpu.memory_space<hbm>>) target_semaphore(%run_scoped3A : memref<!tpu.dma_semaphore, #tpu.memory_space<semaphore_mem>>)
        %dma_wait3A_224 = arith.constant 0 : i32
        %dma_wait3A_225 = tpu.memref_slice %arg16[%dma_wait3A_224] : memref<640xf32, #tpu.memory_space<vmem>> -> memref<16xf32, #tpu.memory_space<vmem>>
        %dma_wait3A_226 = tpu.memref_slice %arg7[%mul3A_217] : memref<32xf32, #tpu.memory_space<hbm>> -> memref<16xf32, #tpu.memory_space<hbm>>
        %dma_wait3A_227 = tpu.memref_slice %arg7[%mul3A_217] : memref<32xf32, #tpu.memory_space<hbm>> -> memref<16xf32, #tpu.memory_space<hbm>>
        %dma_wait3A_228 = arith.constant 0 : i32
        %dma_wait3A_229 = tpu.memref_slice %arg16[%dma_wait3A_228] : memref<640xf32, #tpu.memory_space<vmem>> -> memref<16xf32, #tpu.memory_space<vmem>>
        tpu.wait_dma2 semaphore(%run_scoped3A : memref<!tpu.dma_semaphore, #tpu.memory_space<semaphore_mem>>) src(%dma_wait3A_229 : memref<16xf32, #tpu.memory_space<vmem>>) dst(%dma_wait3A_227 : memref<16xf32, #tpu.memory_space<hbm>>)
        tpu.yield
      }) : () -> ()
    } else {
    }
    %mul3A_25 = arith.constant 640 : i32
    %mul3A_26 = arith.muli %arg1, %mul3A_25 : i32
    %add3A_27 = arith.constant 80 : i32
    %add3A_28 = arith.addi %mul3A_2, %add3A_27 : i32
    %dma_start3A = arith.constant 0 : i32
    %dma_start3A_29 = tpu.memref_slice %arg2[%add3A_28, %dma_start3A] : memref<320000x128xf32, #tpu.memory_space<hbm>> -> memref<80x128xf32, #tpu.memory_space<hbm>>
    %dma_start3A_30 = arith.constant 0 : i32
    %dma_start3A_31 = tpu.memref_slice %arg2[%add3A_28, %dma_start3A_30] : memref<320000x128xf32, #tpu.memory_space<hbm>> -> memref<80x128xf32, #tpu.memory_space<hbm>>
    tpu.enqueue_dma source(%dma_start3A_31 : memref<80x128xf32, #tpu.memory_space<hbm>>) target(%arg12 : memref<80x128xf32, #tpu.memory_space<vmem>>) target_semaphore(%arg22 : memref<!tpu.dma_semaphore, #tpu.memory_space<semaphore_mem>>)
    %add3A_32 = arith.constant 80 : i32
    %add3A_33 = arith.addi %mul3A_2, %add3A_32 : i32
    %dma_start3A_34 = arith.constant 1 : i32
    %dma_start3A_35 = arith.constant 0 : i32
    %dma_start3A_36 = tpu.memref_slice %arg10[%dma_start3A_34, %dma_start3A_35] : memref<4x80xi32, #tpu.memory_space<vmem>> -> memref<1x80xi32, #tpu.memory_space<vmem>>
    %dma_start3A_37 = tpu.memref_squeeze %dma_start3A_36 : memref<1x80xi32, #tpu.memory_space<vmem>> -> memref<80xi32, #tpu.memory_space<vmem>>
    %dma_start3A_38 = tpu.memref_slice %arg3[%add3A_33] : memref<320000xi32, #tpu.memory_space<hbm>> -> memref<80xi32, #tpu.memory_space<hbm>>
    %dma_start3A_39 = arith.constant 0 : i32
    %dma_start3A_40 = tpu.memref_slice %arg10[%dma_start3A_34, %dma_start3A_39] : memref<4x80xi32, #tpu.memory_space<vmem>> -> memref<1x80xi32, #tpu.memory_space<vmem>>
    %dma_start3A_41 = tpu.memref_squeeze %dma_start3A_40 : memref<1x80xi32, #tpu.memory_space<vmem>> -> memref<80xi32, #tpu.memory_space<vmem>>
    %dma_start3A_42 = tpu.memref_slice %arg3[%add3A_33] : memref<320000xi32, #tpu.memory_space<hbm>> -> memref<80xi32, #tpu.memory_space<hbm>>
    tpu.enqueue_dma source(%dma_start3A_42 : memref<80xi32, #tpu.memory_space<hbm>>) target(%dma_start3A_41 : memref<80xi32, #tpu.memory_space<vmem>>) target_semaphore(%arg22 : memref<!tpu.dma_semaphore, #tpu.memory_space<semaphore_mem>>)
    %add3A_43 = arith.constant 160 : i32
    %add3A_44 = arith.addi %mul3A_2, %add3A_43 : i32
    %dma_start3A_45 = arith.constant 0 : i32
    %dma_start3A_46 = tpu.memref_slice %arg2[%add3A_44, %dma_start3A_45] : memref<320000x128xf32, #tpu.memory_space<hbm>> -> memref<80x128xf32, #tpu.memory_space<hbm>>
    %dma_start3A_47 = arith.constant 0 : i32
    %dma_start3A_48 = tpu.memref_slice %arg2[%add3A_44, %dma_start3A_47] : memref<320000x128xf32, #tpu.memory_space<hbm>> -> memref<80x128xf32, #tpu.memory_space<hbm>>
    tpu.enqueue_dma source(%dma_start3A_48 : memref<80x128xf32, #tpu.memory_space<hbm>>) target(%arg13 : memref<80x128xf32, #tpu.memory_space<vmem>>) target_semaphore(%arg23 : memref<!tpu.dma_semaphore, #tpu.memory_space<semaphore_mem>>)
    %add3A_49 = arith.constant 160 : i32
    %add3A_50 = arith.addi %mul3A_2, %add3A_49 : i32
    %dma_start3A_51 = arith.constant 2 : i32
    %dma_start3A_52 = arith.constant 0 : i32
    %dma_start3A_53 = tpu.memref_slice %arg10[%dma_start3A_51, %dma_start3A_52] : memref<4x80xi32, #tpu.memory_space<vmem>> -> memref<1x80xi32, #tpu.memory_space<vmem>>
    %dma_start3A_54 = tpu.memref_squeeze %dma_start3A_53 : memref<1x80xi32, #tpu.memory_space<vmem>> -> memref<80xi32, #tpu.memory_space<vmem>>
    %dma_start3A_55 = tpu.memref_slice %arg3[%add3A_50] : memref<320000xi32, #tpu.memory_space<hbm>> -> memref<80xi32, #tpu.memory_space<hbm>>
    %dma_start3A_56 = arith.constant 0 : i32
    %dma_start3A_57 = tpu.memref_slice %arg10[%dma_start3A_51, %dma_start3A_56] : memref<4x80xi32, #tpu.memory_space<vmem>> -> memref<1x80xi32, #tpu.memory_space<vmem>>
    %dma_start3A_58 = tpu.memref_squeeze %dma_start3A_57 : memref<1x80xi32, #tpu.memory_space<vmem>> -> memref<80xi32, #tpu.memory_space<vmem>>
    %dma_start3A_59 = tpu.memref_slice %arg3[%add3A_50] : memref<320000xi32, #tpu.memory_space<hbm>> -> memref<80xi32, #tpu.memory_space<hbm>>
    tpu.enqueue_dma source(%dma_start3A_59 : memref<80xi32, #tpu.memory_space<hbm>>) target(%dma_start3A_58 : memref<80xi32, #tpu.memory_space<vmem>>) target_semaphore(%arg23 : memref<!tpu.dma_semaphore, #tpu.memory_space<semaphore_mem>>)
    %add3A_60 = arith.constant 240 : i32
    %add3A_61 = arith.addi %mul3A_2, %add3A_60 : i32
    %dma_start3A_62 = arith.constant 0 : i32
    %dma_start3A_63 = tpu.memref_slice %arg2[%add3A_61, %dma_start3A_62] : memref<320000x128xf32, #tpu.memory_space<hbm>> -> memref<80x128xf32, #tpu.memory_space<hbm>>
    %dma_start3A_64 = arith.constant 0 : i32
    %dma_start3A_65 = tpu.memref_slice %arg2[%add3A_61, %dma_start3A_64] : memref<320000x128xf32, #tpu.memory_space<hbm>> -> memref<80x128xf32, #tpu.memory_space<hbm>>
    tpu.enqueue_dma source(%dma_start3A_65 : memref<80x128xf32, #tpu.memory_space<hbm>>) target(%arg14 : memref<80x128xf32, #tpu.memory_space<vmem>>) target_semaphore(%arg24 : memref<!tpu.dma_semaphore, #tpu.memory_space<semaphore_mem>>)
    %add3A_66 = arith.constant 240 : i32
    %add3A_67 = arith.addi %mul3A_2, %add3A_66 : i32
    %dma_start3A_68 = arith.constant 3 : i32
    %dma_start3A_69 = arith.constant 0 : i32
    %dma_start3A_70 = tpu.memref_slice %arg10[%dma_start3A_68, %dma_start3A_69] : memref<4x80xi32, #tpu.memory_space<vmem>> -> memref<1x80xi32, #tpu.memory_space<vmem>>
    %dma_start3A_71 = tpu.memref_squeeze %dma_start3A_70 : memref<1x80xi32, #tpu.memory_space<vmem>> -> memref<80xi32, #tpu.memory_space<vmem>>
    %dma_start3A_72 = tpu.memref_slice %arg3[%add3A_67] : memref<320000xi32, #tpu.memory_space<hbm>> -> memref<80xi32, #tpu.memory_space<hbm>>
    %dma_start3A_73 = arith.constant 0 : i32
    %dma_start3A_74 = tpu.memref_slice %arg10[%dma_start3A_68, %dma_start3A_73] : memref<4x80xi32, #tpu.memory_space<vmem>> -> memref<1x80xi32, #tpu.memory_space<vmem>>
    %dma_start3A_75 = tpu.memref_squeeze %dma_start3A_74 : memref<1x80xi32, #tpu.memory_space<vmem>> -> memref<80xi32, #tpu.memory_space<vmem>>
    %dma_start3A_76 = tpu.memref_slice %arg3[%add3A_67] : memref<320000xi32, #tpu.memory_space<hbm>> -> memref<80xi32, #tpu.memory_space<hbm>>
    tpu.enqueue_dma source(%dma_start3A_76 : memref<80xi32, #tpu.memory_space<hbm>>) target(%dma_start3A_75 : memref<80xi32, #tpu.memory_space<vmem>>) target_semaphore(%arg24 : memref<!tpu.dma_semaphore, #tpu.memory_space<semaphore_mem>>)
    %add3A_77 = arith.constant 0 : i32
    %add3A_78 = arith.addi %mul3A_26, %add3A_77 : i32
    "tpu.region"() ({
      %run_scoped3A = tpu.sem_alloc : memref<!tpu.dma_semaphore, #tpu.memory_space<semaphore_mem>>
      %dma_start3A_216 = arith.constant 0 : i32
      %dma_start3A_217 = tpu.memref_slice %arg8[%add3A_78, %dma_start3A_216] : memref<10240x128xf32, #tpu.memory_space<vmem_shared>> -> memref<80x128xf32, #tpu.memory_space<vmem_shared>>
      %dma_start3A_218 = arith.constant 0 : i32
      %dma_start3A_219 = tpu.memref_slice %arg8[%add3A_78, %dma_start3A_218] : memref<10240x128xf32, #tpu.memory_space<vmem_shared>> -> memref<80x128xf32, #tpu.memory_space<vmem_shared>>
      tpu.enqueue_dma source(%arg11 : memref<80x128xf32, #tpu.memory_space<vmem>>) target(%dma_start3A_219 : memref<80x128xf32, #tpu.memory_space<vmem_shared>>) target_semaphore(%run_scoped3A : memref<!tpu.dma_semaphore, #tpu.memory_space<semaphore_mem>>)
      %dma_wait3A_220 = arith.constant 0 : i32
      %dma_wait3A_221 = tpu.memref_slice %arg8[%add3A_78, %dma_wait3A_220] : memref<10240x128xf32, #tpu.memory_space<vmem_shared>> -> memref<80x128xf32, #tpu.memory_space<vmem_shared>>
      %dma_wait3A_222 = arith.constant 0 : i32
      %dma_wait3A_223 = tpu.memref_slice %arg8[%add3A_78, %dma_wait3A_222] : memref<10240x128xf32, #tpu.memory_space<vmem_shared>> -> memref<80x128xf32, #tpu.memory_space<vmem_shared>>
      tpu.wait_dma2 semaphore(%run_scoped3A : memref<!tpu.dma_semaphore, #tpu.memory_space<semaphore_mem>>) src(%arg11 : memref<80x128xf32, #tpu.memory_space<vmem>>) dst(%dma_wait3A_223 : memref<80x128xf32, #tpu.memory_space<vmem_shared>>)
      tpu.yield
    }) : () -> ()
    %add3A_79 = arith.constant 80 : i32
    %add3A_80 = arith.addi %mul3A_26, %add3A_79 : i32
    "tpu.region"() ({
      %run_scoped3A = tpu.sem_alloc : memref<!tpu.dma_semaphore, #tpu.memory_space<semaphore_mem>>
      %dma_start3A_216 = arith.constant 0 : i32
      %dma_start3A_217 = tpu.memref_slice %arg8[%add3A_80, %dma_start3A_216] : memref<10240x128xf32, #tpu.memory_space<vmem_shared>> -> memref<80x128xf32, #tpu.memory_space<vmem_shared>>
      %dma_start3A_218 = arith.constant 0 : i32
      %dma_start3A_219 = tpu.memref_slice %arg8[%add3A_80, %dma_start3A_218] : memref<10240x128xf32, #tpu.memory_space<vmem_shared>> -> memref<80x128xf32, #tpu.memory_space<vmem_shared>>
      tpu.enqueue_dma source(%arg11 : memref<80x128xf32, #tpu.memory_space<vmem>>) target(%dma_start3A_219 : memref<80x128xf32, #tpu.memory_space<vmem_shared>>) target_semaphore(%run_scoped3A : memref<!tpu.dma_semaphore, #tpu.memory_space<semaphore_mem>>)
      %dma_wait3A_220 = arith.constant 0 : i32
      %dma_wait3A_221 = tpu.memref_slice %arg8[%add3A_80, %dma_wait3A_220] : memref<10240x128xf32, #tpu.memory_space<vmem_shared>> -> memref<80x128xf32, #tpu.memory_space<vmem_shared>>
      %dma_wait3A_222 = arith.constant 0 : i32
      %dma_wait3A_223 = tpu.memref_slice %arg8[%add3A_80, %dma_wait3A_222] : memref<10240x128xf32, #tpu.memory_space<vmem_shared>> -> memref<80x128xf32, #tpu.memory_space<vmem_shared>>
      tpu.wait_dma2 semaphore(%run_scoped3A : memref<!tpu.dma_semaphore, #tpu.memory_space<semaphore_mem>>) src(%arg11 : memref<80x128xf32, #tpu.memory_space<vmem>>) dst(%dma_wait3A_223 : memref<80x128xf32, #tpu.memory_space<vmem_shared>>)
      tpu.yield
    }) : () -> ()
    %add3A_81 = arith.constant 160 : i32
    %add3A_82 = arith.addi %mul3A_26, %add3A_81 : i32
    "tpu.region"() ({
      %run_scoped3A = tpu.sem_alloc : memref<!tpu.dma_semaphore, #tpu.memory_space<semaphore_mem>>
      %dma_start3A_216 = arith.constant 0 : i32
      %dma_start3A_217 = tpu.memref_slice %arg8[%add3A_82, %dma_start3A_216] : memref<10240x128xf32, #tpu.memory_space<vmem_shared>> -> memref<80x128xf32, #tpu.memory_space<vmem_shared>>
      %dma_start3A_218 = arith.constant 0 : i32
      %dma_start3A_219 = tpu.memref_slice %arg8[%add3A_82, %dma_start3A_218] : memref<10240x128xf32, #tpu.memory_space<vmem_shared>> -> memref<80x128xf32, #tpu.memory_space<vmem_shared>>
      tpu.enqueue_dma source(%arg11 : memref<80x128xf32, #tpu.memory_space<vmem>>) target(%dma_start3A_219 : memref<80x128xf32, #tpu.memory_space<vmem_shared>>) target_semaphore(%run_scoped3A : memref<!tpu.dma_semaphore, #tpu.memory_space<semaphore_mem>>)
      %dma_wait3A_220 = arith.constant 0 : i32
      %dma_wait3A_221 = tpu.memref_slice %arg8[%add3A_82, %dma_wait3A_220] : memref<10240x128xf32, #tpu.memory_space<vmem_shared>> -> memref<80x128xf32, #tpu.memory_space<vmem_shared>>
      %dma_wait3A_222 = arith.constant 0 : i32
      %dma_wait3A_223 = tpu.memref_slice %arg8[%add3A_82, %dma_wait3A_222] : memref<10240x128xf32, #tpu.memory_space<vmem_shared>> -> memref<80x128xf32, #tpu.memory_space<vmem_shared>>
      tpu.wait_dma2 semaphore(%run_scoped3A : memref<!tpu.dma_semaphore, #tpu.memory_space<semaphore_mem>>) src(%arg11 : memref<80x128xf32, #tpu.memory_space<vmem>>) dst(%dma_wait3A_223 : memref<80x128xf32, #tpu.memory_space<vmem_shared>>)
      tpu.yield
    }) : () -> ()
    %add3A_83 = arith.constant 240 : i32
    %add3A_84 = arith.addi %mul3A_26, %add3A_83 : i32
    "tpu.region"() ({
      %run_scoped3A = tpu.sem_alloc : memref<!tpu.dma_semaphore, #tpu.memory_space<semaphore_mem>>
      %dma_start3A_216 = arith.constant 0 : i32
      %dma_start3A_217 = tpu.memref_slice %arg8[%add3A_84, %dma_start3A_216] : memref<10240x128xf32, #tpu.memory_space<vmem_shared>> -> memref<80x128xf32, #tpu.memory_space<vmem_shared>>
      %dma_start3A_218 = arith.constant 0 : i32
      %dma_start3A_219 = tpu.memref_slice %arg8[%add3A_84, %dma_start3A_218] : memref<10240x128xf32, #tpu.memory_space<vmem_shared>> -> memref<80x128xf32, #tpu.memory_space<vmem_shared>>
      tpu.enqueue_dma source(%arg11 : memref<80x128xf32, #tpu.memory_space<vmem>>) target(%dma_start3A_219 : memref<80x128xf32, #tpu.memory_space<vmem_shared>>) target_semaphore(%run_scoped3A : memref<!tpu.dma_semaphore, #tpu.memory_space<semaphore_mem>>)
      %dma_wait3A_220 = arith.constant 0 : i32
      %dma_wait3A_221 = tpu.memref_slice %arg8[%add3A_84, %dma_wait3A_220] : memref<10240x128xf32, #tpu.memory_space<vmem_shared>> -> memref<80x128xf32, #tpu.memory_space<vmem_shared>>
      %dma_wait3A_222 = arith.constant 0 : i32
      %dma_wait3A_223 = tpu.memref_slice %arg8[%add3A_84, %dma_wait3A_222] : memref<10240x128xf32, #tpu.memory_space<vmem_shared>> -> memref<80x128xf32, #tpu.memory_space<vmem_shared>>
      tpu.wait_dma2 semaphore(%run_scoped3A : memref<!tpu.dma_semaphore, #tpu.memory_space<semaphore_mem>>) src(%arg11 : memref<80x128xf32, #tpu.memory_space<vmem>>) dst(%dma_wait3A_223 : memref<80x128xf32, #tpu.memory_space<vmem_shared>>)
      tpu.yield
    }) : () -> ()
    %add3A_85 = arith.constant 320 : i32
    %add3A_86 = arith.addi %mul3A_26, %add3A_85 : i32
    "tpu.region"() ({
      %run_scoped3A = tpu.sem_alloc : memref<!tpu.dma_semaphore, #tpu.memory_space<semaphore_mem>>
      %dma_start3A_216 = arith.constant 0 : i32
      %dma_start3A_217 = tpu.memref_slice %arg8[%add3A_86, %dma_start3A_216] : memref<10240x128xf32, #tpu.memory_space<vmem_shared>> -> memref<80x128xf32, #tpu.memory_space<vmem_shared>>
      %dma_start3A_218 = arith.constant 0 : i32
      %dma_start3A_219 = tpu.memref_slice %arg8[%add3A_86, %dma_start3A_218] : memref<10240x128xf32, #tpu.memory_space<vmem_shared>> -> memref<80x128xf32, #tpu.memory_space<vmem_shared>>
      tpu.enqueue_dma source(%arg11 : memref<80x128xf32, #tpu.memory_space<vmem>>) target(%dma_start3A_219 : memref<80x128xf32, #tpu.memory_space<vmem_shared>>) target_semaphore(%run_scoped3A : memref<!tpu.dma_semaphore, #tpu.memory_space<semaphore_mem>>)
      %dma_wait3A_220 = arith.constant 0 : i32
      %dma_wait3A_221 = tpu.memref_slice %arg8[%add3A_86, %dma_wait3A_220] : memref<10240x128xf32, #tpu.memory_space<vmem_shared>> -> memref<80x128xf32, #tpu.memory_space<vmem_shared>>
      %dma_wait3A_222 = arith.constant 0 : i32
      %dma_wait3A_223 = tpu.memref_slice %arg8[%add3A_86, %dma_wait3A_222] : memref<10240x128xf32, #tpu.memory_space<vmem_shared>> -> memref<80x128xf32, #tpu.memory_space<vmem_shared>>
      tpu.wait_dma2 semaphore(%run_scoped3A : memref<!tpu.dma_semaphore, #tpu.memory_space<semaphore_mem>>) src(%arg11 : memref<80x128xf32, #tpu.memory_space<vmem>>) dst(%dma_wait3A_223 : memref<80x128xf32, #tpu.memory_space<vmem_shared>>)
      tpu.yield
    }) : () -> ()
    %add3A_87 = arith.constant 400 : i32
    %add3A_88 = arith.addi %mul3A_26, %add3A_87 : i32
    "tpu.region"() ({
      %run_scoped3A = tpu.sem_alloc : memref<!tpu.dma_semaphore, #tpu.memory_space<semaphore_mem>>
      %dma_start3A_216 = arith.constant 0 : i32
      %dma_start3A_217 = tpu.memref_slice %arg8[%add3A_88, %dma_start3A_216] : memref<10240x128xf32, #tpu.memory_space<vmem_shared>> -> memref<80x128xf32, #tpu.memory_space<vmem_shared>>
      %dma_start3A_218 = arith.constant 0 : i32
      %dma_start3A_219 = tpu.memref_slice %arg8[%add3A_88, %dma_start3A_218] : memref<10240x128xf32, #tpu.memory_space<vmem_shared>> -> memref<80x128xf32, #tpu.memory_space<vmem_shared>>
      tpu.enqueue_dma source(%arg11 : memref<80x128xf32, #tpu.memory_space<vmem>>) target(%dma_start3A_219 : memref<80x128xf32, #tpu.memory_space<vmem_shared>>) target_semaphore(%run_scoped3A : memref<!tpu.dma_semaphore, #tpu.memory_space<semaphore_mem>>)
      %dma_wait3A_220 = arith.constant 0 : i32
      %dma_wait3A_221 = tpu.memref_slice %arg8[%add3A_88, %dma_wait3A_220] : memref<10240x128xf32, #tpu.memory_space<vmem_shared>> -> memref<80x128xf32, #tpu.memory_space<vmem_shared>>
      %dma_wait3A_222 = arith.constant 0 : i32
      %dma_wait3A_223 = tpu.memref_slice %arg8[%add3A_88, %dma_wait3A_222] : memref<10240x128xf32, #tpu.memory_space<vmem_shared>> -> memref<80x128xf32, #tpu.memory_space<vmem_shared>>
      tpu.wait_dma2 semaphore(%run_scoped3A : memref<!tpu.dma_semaphore, #tpu.memory_space<semaphore_mem>>) src(%arg11 : memref<80x128xf32, #tpu.memory_space<vmem>>) dst(%dma_wait3A_223 : memref<80x128xf32, #tpu.memory_space<vmem_shared>>)
      tpu.yield
    }) : () -> ()
    %add3A_89 = arith.constant 480 : i32
    %add3A_90 = arith.addi %mul3A_26, %add3A_89 : i32
    "tpu.region"() ({
      %run_scoped3A = tpu.sem_alloc : memref<!tpu.dma_semaphore, #tpu.memory_space<semaphore_mem>>
      %dma_start3A_216 = arith.constant 0 : i32
      %dma_start3A_217 = tpu.memref_slice %arg8[%add3A_90, %dma_start3A_216] : memref<10240x128xf32, #tpu.memory_space<vmem_shared>> -> memref<80x128xf32, #tpu.memory_space<vmem_shared>>
      %dma_start3A_218 = arith.constant 0 : i32
      %dma_start3A_219 = tpu.memref_slice %arg8[%add3A_90, %dma_start3A_218] : memref<10240x128xf32, #tpu.memory_space<vmem_shared>> -> memref<80x128xf32, #tpu.memory_space<vmem_shared>>
      tpu.enqueue_dma source(%arg11 : memref<80x128xf32, #tpu.memory_space<vmem>>) target(%dma_start3A_219 : memref<80x128xf32, #tpu.memory_space<vmem_shared>>) target_semaphore(%run_scoped3A : memref<!tpu.dma_semaphore, #tpu.memory_space<semaphore_mem>>)
      %dma_wait3A_220 = arith.constant 0 : i32
      %dma_wait3A_221 = tpu.memref_slice %arg8[%add3A_90, %dma_wait3A_220] : memref<10240x128xf32, #tpu.memory_space<vmem_shared>> -> memref<80x128xf32, #tpu.memory_space<vmem_shared>>
      %dma_wait3A_222 = arith.constant 0 : i32
      %dma_wait3A_223 = tpu.memref_slice %arg8[%add3A_90, %dma_wait3A_222] : memref<10240x128xf32, #tpu.memory_space<vmem_shared>> -> memref<80x128xf32, #tpu.memory_space<vmem_shared>>
      tpu.wait_dma2 semaphore(%run_scoped3A : memref<!tpu.dma_semaphore, #tpu.memory_space<semaphore_mem>>) src(%arg11 : memref<80x128xf32, #tpu.memory_space<vmem>>) dst(%dma_wait3A_223 : memref<80x128xf32, #tpu.memory_space<vmem_shared>>)
      tpu.yield
    }) : () -> ()
    %add3A_91 = arith.constant 560 : i32
    %add3A_92 = arith.addi %mul3A_26, %add3A_91 : i32
    "tpu.region"() ({
      %run_scoped3A = tpu.sem_alloc : memref<!tpu.dma_semaphore, #tpu.memory_space<semaphore_mem>>
      %dma_start3A_216 = arith.constant 0 : i32
      %dma_start3A_217 = tpu.memref_slice %arg8[%add3A_92, %dma_start3A_216] : memref<10240x128xf32, #tpu.memory_space<vmem_shared>> -> memref<80x128xf32, #tpu.memory_space<vmem_shared>>
      %dma_start3A_218 = arith.constant 0 : i32
      %dma_start3A_219 = tpu.memref_slice %arg8[%add3A_92, %dma_start3A_218] : memref<10240x128xf32, #tpu.memory_space<vmem_shared>> -> memref<80x128xf32, #tpu.memory_space<vmem_shared>>
      tpu.enqueue_dma source(%arg11 : memref<80x128xf32, #tpu.memory_space<vmem>>) target(%dma_start3A_219 : memref<80x128xf32, #tpu.memory_space<vmem_shared>>) target_semaphore(%run_scoped3A : memref<!tpu.dma_semaphore, #tpu.memory_space<semaphore_mem>>)
      %dma_wait3A_220 = arith.constant 0 : i32
      %dma_wait3A_221 = tpu.memref_slice %arg8[%add3A_92, %dma_wait3A_220] : memref<10240x128xf32, #tpu.memory_space<vmem_shared>> -> memref<80x128xf32, #tpu.memory_space<vmem_shared>>
      %dma_wait3A_222 = arith.constant 0 : i32
      %dma_wait3A_223 = tpu.memref_slice %arg8[%add3A_92, %dma_wait3A_222] : memref<10240x128xf32, #tpu.memory_space<vmem_shared>> -> memref<80x128xf32, #tpu.memory_space<vmem_shared>>
      tpu.wait_dma2 semaphore(%run_scoped3A : memref<!tpu.dma_semaphore, #tpu.memory_space<semaphore_mem>>) src(%arg11 : memref<80x128xf32, #tpu.memory_space<vmem>>) dst(%dma_wait3A_223 : memref<80x128xf32, #tpu.memory_space<vmem_shared>>)
      tpu.yield
    }) : () -> ()
    "tpu.region"() ({
      %run_scoped3A = tpu.sem_alloc : memref<!tpu.dma_semaphore, #tpu.memory_space<semaphore_mem>>
      %dma_start3A_216 = tpu.memref_slice %arg9[%mul3A_26] : memref<10240xf32, #tpu.memory_space<vmem_shared>> -> memref<640xf32, #tpu.memory_space<vmem_shared>>
      %dma_start3A_217 = tpu.memref_slice %arg9[%mul3A_26] : memref<10240xf32, #tpu.memory_space<vmem_shared>> -> memref<640xf32, #tpu.memory_space<vmem_shared>>
      tpu.enqueue_dma source(%arg16 : memref<640xf32, #tpu.memory_space<vmem>>) target(%dma_start3A_217 : memref<640xf32, #tpu.memory_space<vmem_shared>>) target_semaphore(%run_scoped3A : memref<!tpu.dma_semaphore, #tpu.memory_space<semaphore_mem>>)
      %dma_wait3A_218 = tpu.memref_slice %arg9[%mul3A_26] : memref<10240xf32, #tpu.memory_space<vmem_shared>> -> memref<640xf32, #tpu.memory_space<vmem_shared>>
      %dma_wait3A_219 = tpu.memref_slice %arg9[%mul3A_26] : memref<10240xf32, #tpu.memory_space<vmem_shared>> -> memref<640xf32, #tpu.memory_space<vmem_shared>>
      tpu.wait_dma2 semaphore(%run_scoped3A : memref<!tpu.dma_semaphore, #tpu.memory_space<semaphore_mem>>) src(%arg16 : memref<640xf32, #tpu.memory_space<vmem>>) dst(%dma_wait3A_219 : memref<640xf32, #tpu.memory_space<vmem_shared>>)
      tpu.yield
    }) : () -> ()
    %add3A_93 = arith.constant 0 : i32
    %add3A_94 = arith.addi %mul3A_2, %add3A_93 : i32
    %dma_start3A_95 = arith.constant 0 : i32
    %dma_start3A_96 = tpu.memref_slice %arg2[%add3A_94, %dma_start3A_95] : memref<320000x128xf32, #tpu.memory_space<hbm>> -> memref<80x128xf32, #tpu.memory_space<hbm>>
    %dma_start3A_97 = arith.constant 0 : i32
    %dma_start3A_98 = tpu.memref_slice %arg2[%add3A_94, %dma_start3A_97] : memref<320000x128xf32, #tpu.memory_space<hbm>> -> memref<80x128xf32, #tpu.memory_space<hbm>>
    tpu.enqueue_dma source(%dma_start3A_98 : memref<80x128xf32, #tpu.memory_space<hbm>>) target(%arg11 : memref<80x128xf32, #tpu.memory_space<vmem>>) target_semaphore(%arg21 : memref<!tpu.dma_semaphore, #tpu.memory_space<semaphore_mem>>)
    %add3A_99 = arith.constant 0 : i32
    %add3A_100 = arith.addi %mul3A_2, %add3A_99 : i32
    %dma_start3A_101 = arith.constant 0 : i32
    %dma_start3A_102 = arith.constant 0 : i32
    %dma_start3A_103 = tpu.memref_slice %arg10[%dma_start3A_101, %dma_start3A_102] : memref<4x80xi32, #tpu.memory_space<vmem>> -> memref<1x80xi32, #tpu.memory_space<vmem>>
    %dma_start3A_104 = tpu.memref_squeeze %dma_start3A_103 : memref<1x80xi32, #tpu.memory_space<vmem>> -> memref<80xi32, #tpu.memory_space<vmem>>
    %dma_start3A_105 = tpu.memref_slice %arg3[%add3A_100] : memref<320000xi32, #tpu.memory_space<hbm>> -> memref<80xi32, #tpu.memory_space<hbm>>
    %dma_start3A_106 = arith.constant 0 : i32
    %dma_start3A_107 = tpu.memref_slice %arg10[%dma_start3A_101, %dma_start3A_106] : memref<4x80xi32, #tpu.memory_space<vmem>> -> memref<1x80xi32, #tpu.memory_space<vmem>>
    %dma_start3A_108 = tpu.memref_squeeze %dma_start3A_107 : memref<1x80xi32, #tpu.memory_space<vmem>> -> memref<80xi32, #tpu.memory_space<vmem>>
    %dma_start3A_109 = tpu.memref_slice %arg3[%add3A_100] : memref<320000xi32, #tpu.memory_space<hbm>> -> memref<80xi32, #tpu.memory_space<hbm>>
    tpu.enqueue_dma source(%dma_start3A_109 : memref<80xi32, #tpu.memory_space<hbm>>) target(%dma_start3A_108 : memref<80xi32, #tpu.memory_space<vmem>>) target_semaphore(%arg21 : memref<!tpu.dma_semaphore, #tpu.memory_space<semaphore_mem>>)
    %barrier3A = arith.constant 0 : index
    tpu.barrier barrier_id(%barrier3A)
    %scan3A_110 = arith.constant 0 : i32
    %scan3A_111 = arith.constant 0 : i32
    %scan3A_112 = arith.constant 31 : i32
    %scan3A_113 = arith.addi %scan3A_111, %scan3A_112 : i32
    %scan3A_114 = arith.constant 1 : i32
    %scan3A_115 = scf.for %scan3A_216 = %scan3A_111 to %scan3A_113 step %scan3A_114 iter_args(%scan3A_217 = %scan3A_110) -> (i32)  : i32 {
      %mul3A_218 = arith.constant 4 : i32
      %mul3A_219 = arith.muli %mul3A_218, %scan3A_216 : i32
      %add3A_220 = arith.constant 0 : i32
      %add3A_221 = arith.addi %mul3A_219, %add3A_220 : i32
      %mul3A_222 = arith.constant 80 : i32
      %mul3A_223 = arith.muli %add3A_221, %mul3A_222 : i32
      %add3A_224 = arith.addi %mul3A_2, %mul3A_223 : i32
      %dma_wait3A_225 = arith.constant 0 : i32
      %dma_wait3A_226 = tpu.memref_slice %arg2[%add3A_224, %dma_wait3A_225] : memref<320000x128xf32, #tpu.memory_space<hbm>> -> memref<80x128xf32, #tpu.memory_space<hbm>>
      %dma_wait3A_227 = arith.constant 0 : i32
      %dma_wait3A_228 = tpu.memref_slice %arg2[%add3A_224, %dma_wait3A_227] : memref<320000x128xf32, #tpu.memory_space<hbm>> -> memref<80x128xf32, #tpu.memory_space<hbm>>
      tpu.wait_dma2 semaphore(%arg21 : memref<!tpu.dma_semaphore, #tpu.memory_space<semaphore_mem>>) src(%dma_wait3A_228 : memref<80x128xf32, #tpu.memory_space<hbm>>) dst(%arg11 : memref<80x128xf32, #tpu.memory_space<vmem>>)
      %mul3A_229 = arith.constant 80 : i32
      %mul3A_230 = arith.muli %add3A_221, %mul3A_229 : i32
      %add3A_231 = arith.addi %mul3A_2, %mul3A_230 : i32
      %dma_wait3A_232 = arith.constant 0 : i32
      %dma_wait3A_233 = arith.constant 0 : i32
      %dma_wait3A_234 = tpu.memref_slice %arg10[%dma_wait3A_232, %dma_wait3A_233] : memref<4x80xi32, #tpu.memory_space<vmem>> -> memref<1x80xi32, #tpu.memory_space<vmem>>
      %dma_wait3A_235 = tpu.memref_squeeze %dma_wait3A_234 : memref<1x80xi32, #tpu.memory_space<vmem>> -> memref<80xi32, #tpu.memory_space<vmem>>
      %dma_wait3A_236 = tpu.memref_slice %arg3[%add3A_231] : memref<320000xi32, #tpu.memory_space<hbm>> -> memref<80xi32, #tpu.memory_space<hbm>>
      %dma_wait3A_237 = arith.constant 0 : i32
      %dma_wait3A_238 = tpu.memref_slice %arg10[%dma_wait3A_232, %dma_wait3A_237] : memref<4x80xi32, #tpu.memory_space<vmem>> -> memref<1x80xi32, #tpu.memory_space<vmem>>
      %dma_wait3A_239 = tpu.memref_squeeze %dma_wait3A_238 : memref<1x80xi32, #tpu.memory_space<vmem>> -> memref<80xi32, #tpu.memory_space<vmem>>
      %dma_wait3A_240 = tpu.memref_slice %arg3[%add3A_231] : memref<320000xi32, #tpu.memory_space<hbm>> -> memref<80xi32, #tpu.memory_space<hbm>>
      tpu.wait_dma2 semaphore(%arg21 : memref<!tpu.dma_semaphore, #tpu.memory_space<semaphore_mem>>) src(%dma_wait3A_240 : memref<80xi32, #tpu.memory_space<hbm>>) dst(%dma_wait3A_239 : memref<80xi32, #tpu.memory_space<vmem>>)
      %dma_start3A_241 = arith.constant 0 : i32
      %dma_start3A_242 = arith.constant 0 : i32
      %dma_start3A_243 = tpu.memref_slice %arg10[%dma_start3A_241, %dma_start3A_242] : memref<4x80xi32, #tpu.memory_space<vmem>> -> memref<1x80xi32, #tpu.memory_space<vmem>>
      %dma_start3A_244 = tpu.memref_squeeze %dma_start3A_243 : memref<1x80xi32, #tpu.memory_space<vmem>> -> memref<80xi32, #tpu.memory_space<vmem>>
      %dma_start3A_245 = arith.constant 0 : i32
      %dma_start3A_246 = arith.constant 0 : i32
      %dma_start3A_247 = tpu.memref_slice %arg8[%dma_start3A_245, %dma_start3A_246] : memref<10240x128xf32, #tpu.memory_space<vmem_shared>> -> memref<10240x128xf32, #tpu.memory_space<vmem_shared>>
      tpu.enqueue_indirect_dma source(%arg11 : memref<80x128xf32, #tpu.memory_space<vmem>>) target(%dma_start3A_247 : memref<10240x128xf32, #tpu.memory_space<vmem_shared>>) offsets(%dma_start3A_244 : memref<80xi32, #tpu.memory_space<vmem>>) semaphore(%arg25 : memref<!tpu.dma_semaphore, #tpu.memory_space<semaphore_mem>>) {add = true}
      %dma_start3A_248 = arith.constant 0 : i32
      %dma_start3A_249 = arith.constant 0 : i32
      %dma_start3A_250 = tpu.memref_slice %arg10[%dma_start3A_248, %dma_start3A_249] : memref<4x80xi32, #tpu.memory_space<vmem>> -> memref<1x80xi32, #tpu.memory_space<vmem>>
      %dma_start3A_251 = tpu.memref_squeeze %dma_start3A_250 : memref<1x80xi32, #tpu.memory_space<vmem>> -> memref<80xi32, #tpu.memory_space<vmem>>
      %dma_start3A_252 = arith.constant 0 : i32
      %dma_start3A_253 = tpu.memref_slice %arg9[%dma_start3A_252] : memref<10240xf32, #tpu.memory_space<vmem_shared>> -> memref<10240xf32, #tpu.memory_space<vmem_shared>>
      tpu.enqueue_indirect_dma source(%arg15 : memref<80xf32, #tpu.memory_space<vmem>>) target(%dma_start3A_253 : memref<10240xf32, #tpu.memory_space<vmem_shared>>) offsets(%dma_start3A_251 : memref<80xi32, #tpu.memory_space<vmem>>) semaphore(%arg26 : memref<!tpu.dma_semaphore, #tpu.memory_space<semaphore_mem>>) {add = true}
      %dma_wait3A_254 = arith.constant 0 : i32
      %dma_wait3A_255 = arith.constant 0 : i32
      %dma_wait3A_256 = tpu.memref_slice %arg10[%dma_wait3A_254, %dma_wait3A_255] : memref<4x80xi32, #tpu.memory_space<vmem>> -> memref<1x80xi32, #tpu.memory_space<vmem>>
      %dma_wait3A_257 = tpu.memref_squeeze %dma_wait3A_256 : memref<1x80xi32, #tpu.memory_space<vmem>> -> memref<80xi32, #tpu.memory_space<vmem>>
      %dma_wait3A_258 = arith.constant 0 : i32
      %dma_wait3A_259 = arith.constant 0 : i32
      %dma_wait3A_260 = tpu.memref_slice %arg8[%dma_wait3A_258, %dma_wait3A_259] : memref<10240x128xf32, #tpu.memory_space<vmem_shared>> -> memref<10240x128xf32, #tpu.memory_space<vmem_shared>>
      tpu.wait_indirect_dma semaphore(%arg25 : memref<!tpu.dma_semaphore, #tpu.memory_space<semaphore_mem>>) src(%arg11 : memref<80x128xf32, #tpu.memory_space<vmem>>) dst(%dma_wait3A_260 : memref<10240x128xf32, #tpu.memory_space<vmem_shared>>)
      %add3A_261 = arith.constant 4 : i32
      %add3A_262 = arith.addi %add3A_221, %add3A_261 : i32
      %le3A = arith.constant 124 : i32
      %le3A_263 = arith.cmpi sle, %add3A_262, %le3A : i32
      %convert_element_type3A_264 = arith.extui %le3A_263 : i1 to i32
      %cond3A_265 = arith.constant 0 : i32
      %cond3A_266 = arith.cmpi ne, %convert_element_type3A_264, %cond3A_265 : i32
      scf.if %cond3A_266 {
        %add3A_418 = arith.constant 4 : i32
        %add3A_419 = arith.addi %add3A_221, %add3A_418 : i32
        %mul3A_420 = arith.constant 80 : i32
        %mul3A_421 = arith.muli %add3A_419, %mul3A_420 : i32
        %add3A_422 = arith.addi %mul3A_2, %mul3A_421 : i32
        %dma_start3A_423 = arith.constant 0 : i32
        %dma_start3A_424 = tpu.memref_slice %arg2[%add3A_422, %dma_start3A_423] : memref<320000x128xf32, #tpu.memory_space<hbm>> -> memref<80x128xf32, #tpu.memory_space<hbm>>
        %dma_start3A_425 = arith.constant 0 : i32
        %dma_start3A_426 = tpu.memref_slice %arg2[%add3A_422, %dma_start3A_425] : memref<320000x128xf32, #tpu.memory_space<hbm>> -> memref<80x128xf32, #tpu.memory_space<hbm>>
        tpu.enqueue_dma source(%dma_start3A_426 : memref<80x128xf32, #tpu.memory_space<hbm>>) target(%arg11 : memref<80x128xf32, #tpu.memory_space<vmem>>) target_semaphore(%arg21 : memref<!tpu.dma_semaphore, #tpu.memory_space<semaphore_mem>>)
        %mul3A_427 = arith.constant 80 : i32
        %mul3A_428 = arith.muli %add3A_419, %mul3A_427 : i32
        %add3A_429 = arith.addi %mul3A_2, %mul3A_428 : i32
        %dma_start3A_430 = arith.constant 0 : i32
        %dma_start3A_431 = arith.constant 0 : i32
        %dma_start3A_432 = tpu.memref_slice %arg10[%dma_start3A_430, %dma_start3A_431] : memref<4x80xi32, #tpu.memory_space<vmem>> -> memref<1x80xi32, #tpu.memory_space<vmem>>
        %dma_start3A_433 = tpu.memref_squeeze %dma_start3A_432 : memref<1x80xi32, #tpu.memory_space<vmem>> -> memref<80xi32, #tpu.memory_space<vmem>>
        %dma_start3A_434 = tpu.memref_slice %arg3[%add3A_429] : memref<320000xi32, #tpu.memory_space<hbm>> -> memref<80xi32, #tpu.memory_space<hbm>>
        %dma_start3A_435 = arith.constant 0 : i32
        %dma_start3A_436 = tpu.memref_slice %arg10[%dma_start3A_430, %dma_start3A_435] : memref<4x80xi32, #tpu.memory_space<vmem>> -> memref<1x80xi32, #tpu.memory_space<vmem>>
        %dma_start3A_437 = tpu.memref_squeeze %dma_start3A_436 : memref<1x80xi32, #tpu.memory_space<vmem>> -> memref<80xi32, #tpu.memory_space<vmem>>
        %dma_start3A_438 = tpu.memref_slice %arg3[%add3A_429] : memref<320000xi32, #tpu.memory_space<hbm>> -> memref<80xi32, #tpu.memory_space<hbm>>
        tpu.enqueue_dma source(%dma_start3A_438 : memref<80xi32, #tpu.memory_space<hbm>>) target(%dma_start3A_437 : memref<80xi32, #tpu.memory_space<vmem>>) target_semaphore(%arg21 : memref<!tpu.dma_semaphore, #tpu.memory_space<semaphore_mem>>)
      } else {
      }
      %mul3A_267 = arith.constant 4 : i32
      %mul3A_268 = arith.muli %mul3A_267, %scan3A_216 : i32
      %add3A_269 = arith.constant 1 : i32
      %add3A_270 = arith.addi %mul3A_268, %add3A_269 : i32
      %mul3A_271 = arith.constant 80 : i32
      %mul3A_272 = arith.muli %add3A_270, %mul3A_271 : i32
      %add3A_273 = arith.addi %mul3A_2, %mul3A_272 : i32
      %dma_wait3A_274 = arith.constant 0 : i32
      %dma_wait3A_275 = tpu.memref_slice %arg2[%add3A_273, %dma_wait3A_274] : memref<320000x128xf32, #tpu.memory_space<hbm>> -> memref<80x128xf32, #tpu.memory_space<hbm>>
      %dma_wait3A_276 = arith.constant 0 : i32
      %dma_wait3A_277 = tpu.memref_slice %arg2[%add3A_273, %dma_wait3A_276] : memref<320000x128xf32, #tpu.memory_space<hbm>> -> memref<80x128xf32, #tpu.memory_space<hbm>>
      tpu.wait_dma2 semaphore(%arg22 : memref<!tpu.dma_semaphore, #tpu.memory_space<semaphore_mem>>) src(%dma_wait3A_277 : memref<80x128xf32, #tpu.memory_space<hbm>>) dst(%arg12 : memref<80x128xf32, #tpu.memory_space<vmem>>)
      %mul3A_278 = arith.constant 80 : i32
      %mul3A_279 = arith.muli %add3A_270, %mul3A_278 : i32
      %add3A_280 = arith.addi %mul3A_2, %mul3A_279 : i32
      %dma_wait3A_281 = arith.constant 1 : i32
      %dma_wait3A_282 = arith.constant 0 : i32
      %dma_wait3A_283 = tpu.memref_slice %arg10[%dma_wait3A_281, %dma_wait3A_282] : memref<4x80xi32, #tpu.memory_space<vmem>> -> memref<1x80xi32, #tpu.memory_space<vmem>>
      %dma_wait3A_284 = tpu.memref_squeeze %dma_wait3A_283 : memref<1x80xi32, #tpu.memory_space<vmem>> -> memref<80xi32, #tpu.memory_space<vmem>>
      %dma_wait3A_285 = tpu.memref_slice %arg3[%add3A_280] : memref<320000xi32, #tpu.memory_space<hbm>> -> memref<80xi32, #tpu.memory_space<hbm>>
      %dma_wait3A_286 = arith.constant 0 : i32
      %dma_wait3A_287 = tpu.memref_slice %arg10[%dma_wait3A_281, %dma_wait3A_286] : memref<4x80xi32, #tpu.memory_space<vmem>> -> memref<1x80xi32, #tpu.memory_space<vmem>>
      %dma_wait3A_288 = tpu.memref_squeeze %dma_wait3A_287 : memref<1x80xi32, #tpu.memory_space<vmem>> -> memref<80xi32, #tpu.memory_space<vmem>>
      %dma_wait3A_289 = tpu.memref_slice %arg3[%add3A_280] : memref<320000xi32, #tpu.memory_space<hbm>> -> memref<80xi32, #tpu.memory_space<hbm>>
      tpu.wait_dma2 semaphore(%arg22 : memref<!tpu.dma_semaphore, #tpu.memory_space<semaphore_mem>>) src(%dma_wait3A_289 : memref<80xi32, #tpu.memory_space<hbm>>) dst(%dma_wait3A_288 : memref<80xi32, #tpu.memory_space<vmem>>)
      %dma_start3A_290 = arith.constant 1 : i32
      %dma_start3A_291 = arith.constant 0 : i32
      %dma_start3A_292 = tpu.memref_slice %arg10[%dma_start3A_290, %dma_start3A_291] : memref<4x80xi32, #tpu.memory_space<vmem>> -> memref<1x80xi32, #tpu.memory_space<vmem>>
      %dma_start3A_293 = tpu.memref_squeeze %dma_start3A_292 : memref<1x80xi32, #tpu.memory_space<vmem>> -> memref<80xi32, #tpu.memory_space<vmem>>
      %dma_start3A_294 = arith.constant 0 : i32
      %dma_start3A_295 = arith.constant 0 : i32
      %dma_start3A_296 = tpu.memref_slice %arg8[%dma_start3A_294, %dma_start3A_295] : memref<10240x128xf32, #tpu.memory_space<vmem_shared>> -> memref<10240x128xf32, #tpu.memory_space<vmem_shared>>
      tpu.enqueue_indirect_dma source(%arg12 : memref<80x128xf32, #tpu.memory_space<vmem>>) target(%dma_start3A_296 : memref<10240x128xf32, #tpu.memory_space<vmem_shared>>) offsets(%dma_start3A_293 : memref<80xi32, #tpu.memory_space<vmem>>) semaphore(%arg25 : memref<!tpu.dma_semaphore, #tpu.memory_space<semaphore_mem>>) {add = true}
      %dma_start3A_297 = arith.constant 1 : i32
      %dma_start3A_298 = arith.constant 0 : i32
      %dma_start3A_299 = tpu.memref_slice %arg10[%dma_start3A_297, %dma_start3A_298] : memref<4x80xi32, #tpu.memory_space<vmem>> -> memref<1x80xi32, #tpu.memory_space<vmem>>
      %dma_start3A_300 = tpu.memref_squeeze %dma_start3A_299 : memref<1x80xi32, #tpu.memory_space<vmem>> -> memref<80xi32, #tpu.memory_space<vmem>>
      %dma_start3A_301 = arith.constant 0 : i32
      %dma_start3A_302 = tpu.memref_slice %arg9[%dma_start3A_301] : memref<10240xf32, #tpu.memory_space<vmem_shared>> -> memref<10240xf32, #tpu.memory_space<vmem_shared>>
      tpu.enqueue_indirect_dma source(%arg15 : memref<80xf32, #tpu.memory_space<vmem>>) target(%dma_start3A_302 : memref<10240xf32, #tpu.memory_space<vmem_shared>>) offsets(%dma_start3A_300 : memref<80xi32, #tpu.memory_space<vmem>>) semaphore(%arg26 : memref<!tpu.dma_semaphore, #tpu.memory_space<semaphore_mem>>) {add = true}
      %dma_wait3A_303 = arith.constant 1 : i32
      %dma_wait3A_304 = arith.constant 0 : i32
      %dma_wait3A_305 = tpu.memref_slice %arg10[%dma_wait3A_303, %dma_wait3A_304] : memref<4x80xi32, #tpu.memory_space<vmem>> -> memref<1x80xi32, #tpu.memory_space<vmem>>
      %dma_wait3A_306 = tpu.memref_squeeze %dma_wait3A_305 : memref<1x80xi32, #tpu.memory_space<vmem>> -> memref<80xi32, #tpu.memory_space<vmem>>
      %dma_wait3A_307 = arith.constant 0 : i32
      %dma_wait3A_308 = arith.constant 0 : i32
      %dma_wait3A_309 = tpu.memref_slice %arg8[%dma_wait3A_307, %dma_wait3A_308] : memref<10240x128xf32, #tpu.memory_space<vmem_shared>> -> memref<10240x128xf32, #tpu.memory_space<vmem_shared>>
      tpu.wait_indirect_dma semaphore(%arg25 : memref<!tpu.dma_semaphore, #tpu.memory_space<semaphore_mem>>) src(%arg12 : memref<80x128xf32, #tpu.memory_space<vmem>>) dst(%dma_wait3A_309 : memref<10240x128xf32, #tpu.memory_space<vmem_shared>>)
      %add3A_310 = arith.constant 4 : i32
      %add3A_311 = arith.addi %add3A_270, %add3A_310 : i32
      %le3A_312 = arith.constant 124 : i32
      %le3A_313 = arith.cmpi sle, %add3A_311, %le3A_312 : i32
      %convert_element_type3A_314 = arith.extui %le3A_313 : i1 to i32
      %cond3A_315 = arith.constant 0 : i32
      %cond3A_316 = arith.cmpi ne, %convert_element_type3A_314, %cond3A_315 : i32
      scf.if %cond3A_316 {
        %add3A_418 = arith.constant 4 : i32
        %add3A_419 = arith.addi %add3A_270, %add3A_418 : i32
        %mul3A_420 = arith.constant 80 : i32
        %mul3A_421 = arith.muli %add3A_419, %mul3A_420 : i32
        %add3A_422 = arith.addi %mul3A_2, %mul3A_421 : i32
        %dma_start3A_423 = arith.constant 0 : i32
        %dma_start3A_424 = tpu.memref_slice %arg2[%add3A_422, %dma_start3A_423] : memref<320000x128xf32, #tpu.memory_space<hbm>> -> memref<80x128xf32, #tpu.memory_space<hbm>>
        %dma_start3A_425 = arith.constant 0 : i32
        %dma_start3A_426 = tpu.memref_slice %arg2[%add3A_422, %dma_start3A_425] : memref<320000x128xf32, #tpu.memory_space<hbm>> -> memref<80x128xf32, #tpu.memory_space<hbm>>
        tpu.enqueue_dma source(%dma_start3A_426 : memref<80x128xf32, #tpu.memory_space<hbm>>) target(%arg12 : memref<80x128xf32, #tpu.memory_space<vmem>>) target_semaphore(%arg22 : memref<!tpu.dma_semaphore, #tpu.memory_space<semaphore_mem>>)
        %mul3A_427 = arith.constant 80 : i32
        %mul3A_428 = arith.muli %add3A_419, %mul3A_427 : i32
        %add3A_429 = arith.addi %mul3A_2, %mul3A_428 : i32
        %dma_start3A_430 = arith.constant 1 : i32
        %dma_start3A_431 = arith.constant 0 : i32
        %dma_start3A_432 = tpu.memref_slice %arg10[%dma_start3A_430, %dma_start3A_431] : memref<4x80xi32, #tpu.memory_space<vmem>> -> memref<1x80xi32, #tpu.memory_space<vmem>>
        %dma_start3A_433 = tpu.memref_squeeze %dma_start3A_432 : memref<1x80xi32, #tpu.memory_space<vmem>> -> memref<80xi32, #tpu.memory_space<vmem>>
        %dma_start3A_434 = tpu.memref_slice %arg3[%add3A_429] : memref<320000xi32, #tpu.memory_space<hbm>> -> memref<80xi32, #tpu.memory_space<hbm>>
        %dma_start3A_435 = arith.constant 0 : i32
        %dma_start3A_436 = tpu.memref_slice %arg10[%dma_start3A_430, %dma_start3A_435] : memref<4x80xi32, #tpu.memory_space<vmem>> -> memref<1x80xi32, #tpu.memory_space<vmem>>
        %dma_start3A_437 = tpu.memref_squeeze %dma_start3A_436 : memref<1x80xi32, #tpu.memory_space<vmem>> -> memref<80xi32, #tpu.memory_space<vmem>>
        %dma_start3A_438 = tpu.memref_slice %arg3[%add3A_429] : memref<320000xi32, #tpu.memory_space<hbm>> -> memref<80xi32, #tpu.memory_space<hbm>>
        tpu.enqueue_dma source(%dma_start3A_438 : memref<80xi32, #tpu.memory_space<hbm>>) target(%dma_start3A_437 : memref<80xi32, #tpu.memory_space<vmem>>) target_semaphore(%arg22 : memref<!tpu.dma_semaphore, #tpu.memory_space<semaphore_mem>>)
      } else {
      }
      %mul3A_317 = arith.constant 4 : i32
      %mul3A_318 = arith.muli %mul3A_317, %scan3A_216 : i32
      %add3A_319 = arith.constant 2 : i32
      %add3A_320 = arith.addi %mul3A_318, %add3A_319 : i32
      %mul3A_321 = arith.constant 80 : i32
      %mul3A_322 = arith.muli %add3A_320, %mul3A_321 : i32
      %add3A_323 = arith.addi %mul3A_2, %mul3A_322 : i32
      %dma_wait3A_324 = arith.constant 0 : i32
      %dma_wait3A_325 = tpu.memref_slice %arg2[%add3A_323, %dma_wait3A_324] : memref<320000x128xf32, #tpu.memory_space<hbm>> -> memref<80x128xf32, #tpu.memory_space<hbm>>
      %dma_wait3A_326 = arith.constant 0 : i32
      %dma_wait3A_327 = tpu.memref_slice %arg2[%add3A_323, %dma_wait3A_326] : memref<320000x128xf32, #tpu.memory_space<hbm>> -> memref<80x128xf32, #tpu.memory_space<hbm>>
      tpu.wait_dma2 semaphore(%arg23 : memref<!tpu.dma_semaphore, #tpu.memory_space<semaphore_mem>>) src(%dma_wait3A_327 : memref<80x128xf32, #tpu.memory_space<hbm>>) dst(%arg13 : memref<80x128xf32, #tpu.memory_space<vmem>>)
      %mul3A_328 = arith.constant 80 : i32
      %mul3A_329 = arith.muli %add3A_320, %mul3A_328 : i32
      %add3A_330 = arith.addi %mul3A_2, %mul3A_329 : i32
      %dma_wait3A_331 = arith.constant 2 : i32
      %dma_wait3A_332 = arith.constant 0 : i32
      %dma_wait3A_333 = tpu.memref_slice %arg10[%dma_wait3A_331, %dma_wait3A_332] : memref<4x80xi32, #tpu.memory_space<vmem>> -> memref<1x80xi32, #tpu.memory_space<vmem>>
      %dma_wait3A_334 = tpu.memref_squeeze %dma_wait3A_333 : memref<1x80xi32, #tpu.memory_space<vmem>> -> memref<80xi32, #tpu.memory_space<vmem>>
      %dma_wait3A_335 = tpu.memref_slice %arg3[%add3A_330] : memref<320000xi32, #tpu.memory_space<hbm>> -> memref<80xi32, #tpu.memory_space<hbm>>
      %dma_wait3A_336 = arith.constant 0 : i32
      %dma_wait3A_337 = tpu.memref_slice %arg10[%dma_wait3A_331, %dma_wait3A_336] : memref<4x80xi32, #tpu.memory_space<vmem>> -> memref<1x80xi32, #tpu.memory_space<vmem>>
      %dma_wait3A_338 = tpu.memref_squeeze %dma_wait3A_337 : memref<1x80xi32, #tpu.memory_space<vmem>> -> memref<80xi32, #tpu.memory_space<vmem>>
      %dma_wait3A_339 = tpu.memref_slice %arg3[%add3A_330] : memref<320000xi32, #tpu.memory_space<hbm>> -> memref<80xi32, #tpu.memory_space<hbm>>
      tpu.wait_dma2 semaphore(%arg23 : memref<!tpu.dma_semaphore, #tpu.memory_space<semaphore_mem>>) src(%dma_wait3A_339 : memref<80xi32, #tpu.memory_space<hbm>>) dst(%dma_wait3A_338 : memref<80xi32, #tpu.memory_space<vmem>>)
      %dma_start3A_340 = arith.constant 2 : i32
      %dma_start3A_341 = arith.constant 0 : i32
      %dma_start3A_342 = tpu.memref_slice %arg10[%dma_start3A_340, %dma_start3A_341] : memref<4x80xi32, #tpu.memory_space<vmem>> -> memref<1x80xi32, #tpu.memory_space<vmem>>
      %dma_start3A_343 = tpu.memref_squeeze %dma_start3A_342 : memref<1x80xi32, #tpu.memory_space<vmem>> -> memref<80xi32, #tpu.memory_space<vmem>>
      %dma_start3A_344 = arith.constant 0 : i32
      %dma_start3A_345 = arith.constant 0 : i32
      %dma_start3A_346 = tpu.memref_slice %arg8[%dma_start3A_344, %dma_start3A_345] : memref<10240x128xf32, #tpu.memory_space<vmem_shared>> -> memref<10240x128xf32, #tpu.memory_space<vmem_shared>>
      tpu.enqueue_indirect_dma source(%arg13 : memref<80x128xf32, #tpu.memory_space<vmem>>) target(%dma_start3A_346 : memref<10240x128xf32, #tpu.memory_space<vmem_shared>>) offsets(%dma_start3A_343 : memref<80xi32, #tpu.memory_space<vmem>>) semaphore(%arg25 : memref<!tpu.dma_semaphore, #tpu.memory_space<semaphore_mem>>) {add = true}
      %dma_start3A_347 = arith.constant 2 : i32
      %dma_start3A_348 = arith.constant 0 : i32
      %dma_start3A_349 = tpu.memref_slice %arg10[%dma_start3A_347, %dma_start3A_348] : memref<4x80xi32, #tpu.memory_space<vmem>> -> memref<1x80xi32, #tpu.memory_space<vmem>>
      %dma_start3A_350 = tpu.memref_squeeze %dma_start3A_349 : memref<1x80xi32, #tpu.memory_space<vmem>> -> memref<80xi32, #tpu.memory_space<vmem>>
      %dma_start3A_351 = arith.constant 0 : i32
      %dma_start3A_352 = tpu.memref_slice %arg9[%dma_start3A_351] : memref<10240xf32, #tpu.memory_space<vmem_shared>> -> memref<10240xf32, #tpu.memory_space<vmem_shared>>
      tpu.enqueue_indirect_dma source(%arg15 : memref<80xf32, #tpu.memory_space<vmem>>) target(%dma_start3A_352 : memref<10240xf32, #tpu.memory_space<vmem_shared>>) offsets(%dma_start3A_350 : memref<80xi32, #tpu.memory_space<vmem>>) semaphore(%arg26 : memref<!tpu.dma_semaphore, #tpu.memory_space<semaphore_mem>>) {add = true}
      %dma_wait3A_353 = arith.constant 2 : i32
      %dma_wait3A_354 = arith.constant 0 : i32
      %dma_wait3A_355 = tpu.memref_slice %arg10[%dma_wait3A_353, %dma_wait3A_354] : memref<4x80xi32, #tpu.memory_space<vmem>> -> memref<1x80xi32, #tpu.memory_space<vmem>>
      %dma_wait3A_356 = tpu.memref_squeeze %dma_wait3A_355 : memref<1x80xi32, #tpu.memory_space<vmem>> -> memref<80xi32, #tpu.memory_space<vmem>>
      %dma_wait3A_357 = arith.constant 0 : i32
      %dma_wait3A_358 = arith.constant 0 : i32
      %dma_wait3A_359 = tpu.memref_slice %arg8[%dma_wait3A_357, %dma_wait3A_358] : memref<10240x128xf32, #tpu.memory_space<vmem_shared>> -> memref<10240x128xf32, #tpu.memory_space<vmem_shared>>
      tpu.wait_indirect_dma semaphore(%arg25 : memref<!tpu.dma_semaphore, #tpu.memory_space<semaphore_mem>>) src(%arg13 : memref<80x128xf32, #tpu.memory_space<vmem>>) dst(%dma_wait3A_359 : memref<10240x128xf32, #tpu.memory_space<vmem_shared>>)
      %add3A_360 = arith.constant 4 : i32
      %add3A_361 = arith.addi %add3A_320, %add3A_360 : i32
      %le3A_362 = arith.constant 124 : i32
      %le3A_363 = arith.cmpi sle, %add3A_361, %le3A_362 : i32
      %convert_element_type3A_364 = arith.extui %le3A_363 : i1 to i32
      %cond3A_365 = arith.constant 0 : i32
      %cond3A_366 = arith.cmpi ne, %convert_element_type3A_364, %cond3A_365 : i32
      scf.if %cond3A_366 {
        %add3A_418 = arith.constant 4 : i32
        %add3A_419 = arith.addi %add3A_320, %add3A_418 : i32
        %mul3A_420 = arith.constant 80 : i32
        %mul3A_421 = arith.muli %add3A_419, %mul3A_420 : i32
        %add3A_422 = arith.addi %mul3A_2, %mul3A_421 : i32
        %dma_start3A_423 = arith.constant 0 : i32
        %dma_start3A_424 = tpu.memref_slice %arg2[%add3A_422, %dma_start3A_423] : memref<320000x128xf32, #tpu.memory_space<hbm>> -> memref<80x128xf32, #tpu.memory_space<hbm>>
        %dma_start3A_425 = arith.constant 0 : i32
        %dma_start3A_426 = tpu.memref_slice %arg2[%add3A_422, %dma_start3A_425] : memref<320000x128xf32, #tpu.memory_space<hbm>> -> memref<80x128xf32, #tpu.memory_space<hbm>>
        tpu.enqueue_dma source(%dma_start3A_426 : memref<80x128xf32, #tpu.memory_space<hbm>>) target(%arg13 : memref<80x128xf32, #tpu.memory_space<vmem>>) target_semaphore(%arg23 : memref<!tpu.dma_semaphore, #tpu.memory_space<semaphore_mem>>)
        %mul3A_427 = arith.constant 80 : i32
        %mul3A_428 = arith.muli %add3A_419, %mul3A_427 : i32
        %add3A_429 = arith.addi %mul3A_2, %mul3A_428 : i32
        %dma_start3A_430 = arith.constant 2 : i32
        %dma_start3A_431 = arith.constant 0 : i32
        %dma_start3A_432 = tpu.memref_slice %arg10[%dma_start3A_430, %dma_start3A_431] : memref<4x80xi32, #tpu.memory_space<vmem>> -> memref<1x80xi32, #tpu.memory_space<vmem>>
        %dma_start3A_433 = tpu.memref_squeeze %dma_start3A_432 : memref<1x80xi32, #tpu.memory_space<vmem>> -> memref<80xi32, #tpu.memory_space<vmem>>
        %dma_start3A_434 = tpu.memref_slice %arg3[%add3A_429] : memref<320000xi32, #tpu.memory_space<hbm>> -> memref<80xi32, #tpu.memory_space<hbm>>
        %dma_start3A_435 = arith.constant 0 : i32
        %dma_start3A_436 = tpu.memref_slice %arg10[%dma_start3A_430, %dma_start3A_435] : memref<4x80xi32, #tpu.memory_space<vmem>> -> memref<1x80xi32, #tpu.memory_space<vmem>>
        %dma_start3A_437 = tpu.memref_squeeze %dma_start3A_436 : memref<1x80xi32, #tpu.memory_space<vmem>> -> memref<80xi32, #tpu.memory_space<vmem>>
        %dma_start3A_438 = tpu.memref_slice %arg3[%add3A_429] : memref<320000xi32, #tpu.memory_space<hbm>> -> memref<80xi32, #tpu.memory_space<hbm>>
        tpu.enqueue_dma source(%dma_start3A_438 : memref<80xi32, #tpu.memory_space<hbm>>) target(%dma_start3A_437 : memref<80xi32, #tpu.memory_space<vmem>>) target_semaphore(%arg23 : memref<!tpu.dma_semaphore, #tpu.memory_space<semaphore_mem>>)
      } else {
      }
      %mul3A_367 = arith.constant 4 : i32
      %mul3A_368 = arith.muli %mul3A_367, %scan3A_216 : i32
      %add3A_369 = arith.constant 3 : i32
      %add3A_370 = arith.addi %mul3A_368, %add3A_369 : i32
      %mul3A_371 = arith.constant 80 : i32
      %mul3A_372 = arith.muli %add3A_370, %mul3A_371 : i32
      %add3A_373 = arith.addi %mul3A_2, %mul3A_372 : i32
      %dma_wait3A_374 = arith.constant 0 : i32
      %dma_wait3A_375 = tpu.memref_slice %arg2[%add3A_373, %dma_wait3A_374] : memref<320000x128xf32, #tpu.memory_space<hbm>> -> memref<80x128xf32, #tpu.memory_space<hbm>>
      %dma_wait3A_376 = arith.constant 0 : i32
      %dma_wait3A_377 = tpu.memref_slice %arg2[%add3A_373, %dma_wait3A_376] : memref<320000x128xf32, #tpu.memory_space<hbm>> -> memref<80x128xf32, #tpu.memory_space<hbm>>
      tpu.wait_dma2 semaphore(%arg24 : memref<!tpu.dma_semaphore, #tpu.memory_space<semaphore_mem>>) src(%dma_wait3A_377 : memref<80x128xf32, #tpu.memory_space<hbm>>) dst(%arg14 : memref<80x128xf32, #tpu.memory_space<vmem>>)
      %mul3A_378 = arith.constant 80 : i32
      %mul3A_379 = arith.muli %add3A_370, %mul3A_378 : i32
      %add3A_380 = arith.addi %mul3A_2, %mul3A_379 : i32
      %dma_wait3A_381 = arith.constant 3 : i32
      %dma_wait3A_382 = arith.constant 0 : i32
      %dma_wait3A_383 = tpu.memref_slice %arg10[%dma_wait3A_381, %dma_wait3A_382] : memref<4x80xi32, #tpu.memory_space<vmem>> -> memref<1x80xi32, #tpu.memory_space<vmem>>
      %dma_wait3A_384 = tpu.memref_squeeze %dma_wait3A_383 : memref<1x80xi32, #tpu.memory_space<vmem>> -> memref<80xi32, #tpu.memory_space<vmem>>
      %dma_wait3A_385 = tpu.memref_slice %arg3[%add3A_380] : memref<320000xi32, #tpu.memory_space<hbm>> -> memref<80xi32, #tpu.memory_space<hbm>>
      %dma_wait3A_386 = arith.constant 0 : i32
      %dma_wait3A_387 = tpu.memref_slice %arg10[%dma_wait3A_381, %dma_wait3A_386] : memref<4x80xi32, #tpu.memory_space<vmem>> -> memref<1x80xi32, #tpu.memory_space<vmem>>
      %dma_wait3A_388 = tpu.memref_squeeze %dma_wait3A_387 : memref<1x80xi32, #tpu.memory_space<vmem>> -> memref<80xi32, #tpu.memory_space<vmem>>
      %dma_wait3A_389 = tpu.memref_slice %arg3[%add3A_380] : memref<320000xi32, #tpu.memory_space<hbm>> -> memref<80xi32, #tpu.memory_space<hbm>>
      tpu.wait_dma2 semaphore(%arg24 : memref<!tpu.dma_semaphore, #tpu.memory_space<semaphore_mem>>) src(%dma_wait3A_389 : memref<80xi32, #tpu.memory_space<hbm>>) dst(%dma_wait3A_388 : memref<80xi32, #tpu.memory_space<vmem>>)
      %dma_start3A_390 = arith.constant 3 : i32
      %dma_start3A_391 = arith.constant 0 : i32
      %dma_start3A_392 = tpu.memref_slice %arg10[%dma_start3A_390, %dma_start3A_391] : memref<4x80xi32, #tpu.memory_space<vmem>> -> memref<1x80xi32, #tpu.memory_space<vmem>>
      %dma_start3A_393 = tpu.memref_squeeze %dma_start3A_392 : memref<1x80xi32, #tpu.memory_space<vmem>> -> memref<80xi32, #tpu.memory_space<vmem>>
      %dma_start3A_394 = arith.constant 0 : i32
      %dma_start3A_395 = arith.constant 0 : i32
      %dma_start3A_396 = tpu.memref_slice %arg8[%dma_start3A_394, %dma_start3A_395] : memref<10240x128xf32, #tpu.memory_space<vmem_shared>> -> memref<10240x128xf32, #tpu.memory_space<vmem_shared>>
      tpu.enqueue_indirect_dma source(%arg14 : memref<80x128xf32, #tpu.memory_space<vmem>>) target(%dma_start3A_396 : memref<10240x128xf32, #tpu.memory_space<vmem_shared>>) offsets(%dma_start3A_393 : memref<80xi32, #tpu.memory_space<vmem>>) semaphore(%arg25 : memref<!tpu.dma_semaphore, #tpu.memory_space<semaphore_mem>>) {add = true}
      %dma_start3A_397 = arith.constant 3 : i32
      %dma_start3A_398 = arith.constant 0 : i32
      %dma_start3A_399 = tpu.memref_slice %arg10[%dma_start3A_397, %dma_start3A_398] : memref<4x80xi32, #tpu.memory_space<vmem>> -> memref<1x80xi32, #tpu.memory_space<vmem>>
      %dma_start3A_400 = tpu.memref_squeeze %dma_start3A_399 : memref<1x80xi32, #tpu.memory_space<vmem>> -> memref<80xi32, #tpu.memory_space<vmem>>
      %dma_start3A_401 = arith.constant 0 : i32
      %dma_start3A_402 = tpu.memref_slice %arg9[%dma_start3A_401] : memref<10240xf32, #tpu.memory_space<vmem_shared>> -> memref<10240xf32, #tpu.memory_space<vmem_shared>>
      tpu.enqueue_indirect_dma source(%arg15 : memref<80xf32, #tpu.memory_space<vmem>>) target(%dma_start3A_402 : memref<10240xf32, #tpu.memory_space<vmem_shared>>) offsets(%dma_start3A_400 : memref<80xi32, #tpu.memory_space<vmem>>) semaphore(%arg26 : memref<!tpu.dma_semaphore, #tpu.memory_space<semaphore_mem>>) {add = true}
      %dma_wait3A_403 = arith.constant 3 : i32
      %dma_wait3A_404 = arith.constant 0 : i32
      %dma_wait3A_405 = tpu.memref_slice %arg10[%dma_wait3A_403, %dma_wait3A_404] : memref<4x80xi32, #tpu.memory_space<vmem>> -> memref<1x80xi32, #tpu.memory_space<vmem>>
      %dma_wait3A_406 = tpu.memref_squeeze %dma_wait3A_405 : memref<1x80xi32, #tpu.memory_space<vmem>> -> memref<80xi32, #tpu.memory_space<vmem>>
      %dma_wait3A_407 = arith.constant 0 : i32
      %dma_wait3A_408 = arith.constant 0 : i32
      %dma_wait3A_409 = tpu.memref_slice %arg8[%dma_wait3A_407, %dma_wait3A_408] : memref<10240x128xf32, #tpu.memory_space<vmem_shared>> -> memref<10240x128xf32, #tpu.memory_space<vmem_shared>>
      tpu.wait_indirect_dma semaphore(%arg25 : memref<!tpu.dma_semaphore, #tpu.memory_space<semaphore_mem>>) src(%arg14 : memref<80x128xf32, #tpu.memory_space<vmem>>) dst(%dma_wait3A_409 : memref<10240x128xf32, #tpu.memory_space<vmem_shared>>)
      %add3A_410 = arith.constant 4 : i32
      %add3A_411 = arith.addi %add3A_370, %add3A_410 : i32
      %le3A_412 = arith.constant 124 : i32
      %le3A_413 = arith.cmpi sle, %add3A_411, %le3A_412 : i32
      %convert_element_type3A_414 = arith.extui %le3A_413 : i1 to i32
      %cond3A_415 = arith.constant 0 : i32
      %cond3A_416 = arith.cmpi ne, %convert_element_type3A_414, %cond3A_415 : i32
      scf.if %cond3A_416 {
        %add3A_418 = arith.constant 4 : i32
        %add3A_419 = arith.addi %add3A_370, %add3A_418 : i32
        %mul3A_420 = arith.constant 80 : i32
        %mul3A_421 = arith.muli %add3A_419, %mul3A_420 : i32
        %add3A_422 = arith.addi %mul3A_2, %mul3A_421 : i32
        %dma_start3A_423 = arith.constant 0 : i32
        %dma_start3A_424 = tpu.memref_slice %arg2[%add3A_422, %dma_start3A_423] : memref<320000x128xf32, #tpu.memory_space<hbm>> -> memref<80x128xf32, #tpu.memory_space<hbm>>
        %dma_start3A_425 = arith.constant 0 : i32
        %dma_start3A_426 = tpu.memref_slice %arg2[%add3A_422, %dma_start3A_425] : memref<320000x128xf32, #tpu.memory_space<hbm>> -> memref<80x128xf32, #tpu.memory_space<hbm>>
        tpu.enqueue_dma source(%dma_start3A_426 : memref<80x128xf32, #tpu.memory_space<hbm>>) target(%arg14 : memref<80x128xf32, #tpu.memory_space<vmem>>) target_semaphore(%arg24 : memref<!tpu.dma_semaphore, #tpu.memory_space<semaphore_mem>>)
        %mul3A_427 = arith.constant 80 : i32
        %mul3A_428 = arith.muli %add3A_419, %mul3A_427 : i32
        %add3A_429 = arith.addi %mul3A_2, %mul3A_428 : i32
        %dma_start3A_430 = arith.constant 3 : i32
        %dma_start3A_431 = arith.constant 0 : i32
        %dma_start3A_432 = tpu.memref_slice %arg10[%dma_start3A_430, %dma_start3A_431] : memref<4x80xi32, #tpu.memory_space<vmem>> -> memref<1x80xi32, #tpu.memory_space<vmem>>
        %dma_start3A_433 = tpu.memref_squeeze %dma_start3A_432 : memref<1x80xi32, #tpu.memory_space<vmem>> -> memref<80xi32, #tpu.memory_space<vmem>>
        %dma_start3A_434 = tpu.memref_slice %arg3[%add3A_429] : memref<320000xi32, #tpu.memory_space<hbm>> -> memref<80xi32, #tpu.memory_space<hbm>>
        %dma_start3A_435 = arith.constant 0 : i32
        %dma_start3A_436 = tpu.memref_slice %arg10[%dma_start3A_430, %dma_start3A_435] : memref<4x80xi32, #tpu.memory_space<vmem>> -> memref<1x80xi32, #tpu.memory_space<vmem>>
        %dma_start3A_437 = tpu.memref_squeeze %dma_start3A_436 : memref<1x80xi32, #tpu.memory_space<vmem>> -> memref<80xi32, #tpu.memory_space<vmem>>
        %dma_start3A_438 = tpu.memref_slice %arg3[%add3A_429] : memref<320000xi32, #tpu.memory_space<hbm>> -> memref<80xi32, #tpu.memory_space<hbm>>
        tpu.enqueue_dma source(%dma_start3A_438 : memref<80xi32, #tpu.memory_space<hbm>>) target(%dma_start3A_437 : memref<80xi32, #tpu.memory_space<vmem>>) target_semaphore(%arg24 : memref<!tpu.dma_semaphore, #tpu.memory_space<semaphore_mem>>)
      } else {
      }
      %scan3A_417 = arith.constant 0 : i32
      scf.yield %scan3A_417 : i32
    }
    %scan3A_116 = arith.constant 31 : i32
    %add3A_117 = arith.constant 9920 : i32
    %add3A_118 = arith.addi %mul3A_2, %add3A_117 : i32
    %dma_wait3A = arith.constant 0 : i32
    %dma_wait3A_119 = tpu.memref_slice %arg2[%add3A_118, %dma_wait3A] : memref<320000x128xf32, #tpu.memory_space<hbm>> -> memref<80x128xf32, #tpu.memory_space<hbm>>
    %dma_wait3A_120 = arith.constant 0 : i32
    %dma_wait3A_121 = tpu.memref_slice %arg2[%add3A_118, %dma_wait3A_120] : memref<320000x128xf32, #tpu.memory_space<hbm>> -> memref<80x128xf32, #tpu.memory_space<hbm>>
    tpu.wait_dma2 semaphore(%arg21 : memref<!tpu.dma_semaphore, #tpu.memory_space<semaphore_mem>>) src(%dma_wait3A_121 : memref<80x128xf32, #tpu.memory_space<hbm>>) dst(%arg11 : memref<80x128xf32, #tpu.memory_space<vmem>>)
    %add3A_122 = arith.constant 9920 : i32
    %add3A_123 = arith.addi %mul3A_2, %add3A_122 : i32
    %dma_wait3A_124 = arith.constant 0 : i32
    %dma_wait3A_125 = arith.constant 0 : i32
    %dma_wait3A_126 = tpu.memref_slice %arg10[%dma_wait3A_124, %dma_wait3A_125] : memref<4x80xi32, #tpu.memory_space<vmem>> -> memref<1x80xi32, #tpu.memory_space<vmem>>
    %dma_wait3A_127 = tpu.memref_squeeze %dma_wait3A_126 : memref<1x80xi32, #tpu.memory_space<vmem>> -> memref<80xi32, #tpu.memory_space<vmem>>
    %dma_wait3A_128 = tpu.memref_slice %arg3[%add3A_123] : memref<320000xi32, #tpu.memory_space<hbm>> -> memref<80xi32, #tpu.memory_space<hbm>>
    %dma_wait3A_129 = arith.constant 0 : i32
    %dma_wait3A_130 = tpu.memref_slice %arg10[%dma_wait3A_124, %dma_wait3A_129] : memref<4x80xi32, #tpu.memory_space<vmem>> -> memref<1x80xi32, #tpu.memory_space<vmem>>
    %dma_wait3A_131 = tpu.memref_squeeze %dma_wait3A_130 : memref<1x80xi32, #tpu.memory_space<vmem>> -> memref<80xi32, #tpu.memory_space<vmem>>
    %dma_wait3A_132 = tpu.memref_slice %arg3[%add3A_123] : memref<320000xi32, #tpu.memory_space<hbm>> -> memref<80xi32, #tpu.memory_space<hbm>>
    tpu.wait_dma2 semaphore(%arg21 : memref<!tpu.dma_semaphore, #tpu.memory_space<semaphore_mem>>) src(%dma_wait3A_132 : memref<80xi32, #tpu.memory_space<hbm>>) dst(%dma_wait3A_131 : memref<80xi32, #tpu.memory_space<vmem>>)
    %dma_start3A_133 = arith.constant 0 : i32
    %dma_start3A_134 = arith.constant 0 : i32
    %dma_start3A_135 = tpu.memref_slice %arg10[%dma_start3A_133, %dma_start3A_134] : memref<4x80xi32, #tpu.memory_space<vmem>> -> memref<1x80xi32, #tpu.memory_space<vmem>>
    %dma_start3A_136 = tpu.memref_squeeze %dma_start3A_135 : memref<1x80xi32, #tpu.memory_space<vmem>> -> memref<80xi32, #tpu.memory_space<vmem>>
    %dma_start3A_137 = arith.constant 0 : i32
    %dma_start3A_138 = arith.constant 0 : i32
    %dma_start3A_139 = tpu.memref_slice %arg8[%dma_start3A_137, %dma_start3A_138] : memref<10240x128xf32, #tpu.memory_space<vmem_shared>> -> memref<10240x128xf32, #tpu.memory_space<vmem_shared>>
    tpu.enqueue_indirect_dma source(%arg11 : memref<80x128xf32, #tpu.memory_space<vmem>>) target(%dma_start3A_139 : memref<10240x128xf32, #tpu.memory_space<vmem_shared>>) offsets(%dma_start3A_136 : memref<80xi32, #tpu.memory_space<vmem>>) semaphore(%arg25 : memref<!tpu.dma_semaphore, #tpu.memory_space<semaphore_mem>>) {add = true}
    %dma_start3A_140 = arith.constant 0 : i32
    %dma_start3A_141 = arith.constant 0 : i32
    %dma_start3A_142 = tpu.memref_slice %arg10[%dma_start3A_140, %dma_start3A_141] : memref<4x80xi32, #tpu.memory_space<vmem>> -> memref<1x80xi32, #tpu.memory_space<vmem>>
    %dma_start3A_143 = tpu.memref_squeeze %dma_start3A_142 : memref<1x80xi32, #tpu.memory_space<vmem>> -> memref<80xi32, #tpu.memory_space<vmem>>
    %dma_start3A_144 = arith.constant 0 : i32
    %dma_start3A_145 = tpu.memref_slice %arg9[%dma_start3A_144] : memref<10240xf32, #tpu.memory_space<vmem_shared>> -> memref<10240xf32, #tpu.memory_space<vmem_shared>>
    tpu.enqueue_indirect_dma source(%arg15 : memref<80xf32, #tpu.memory_space<vmem>>) target(%dma_start3A_145 : memref<10240xf32, #tpu.memory_space<vmem_shared>>) offsets(%dma_start3A_143 : memref<80xi32, #tpu.memory_space<vmem>>) semaphore(%arg26 : memref<!tpu.dma_semaphore, #tpu.memory_space<semaphore_mem>>) {add = true}
    %dma_wait3A_146 = arith.constant 0 : i32
    %dma_wait3A_147 = arith.constant 0 : i32
    %dma_wait3A_148 = tpu.memref_slice %arg10[%dma_wait3A_146, %dma_wait3A_147] : memref<4x80xi32, #tpu.memory_space<vmem>> -> memref<1x80xi32, #tpu.memory_space<vmem>>
    %dma_wait3A_149 = tpu.memref_squeeze %dma_wait3A_148 : memref<1x80xi32, #tpu.memory_space<vmem>> -> memref<80xi32, #tpu.memory_space<vmem>>
    %dma_wait3A_150 = arith.constant 0 : i32
    %dma_wait3A_151 = arith.constant 0 : i32
    %dma_wait3A_152 = tpu.memref_slice %arg8[%dma_wait3A_150, %dma_wait3A_151] : memref<10240x128xf32, #tpu.memory_space<vmem_shared>> -> memref<10240x128xf32, #tpu.memory_space<vmem_shared>>
    tpu.wait_indirect_dma semaphore(%arg25 : memref<!tpu.dma_semaphore, #tpu.memory_space<semaphore_mem>>) src(%arg11 : memref<80x128xf32, #tpu.memory_space<vmem>>) dst(%dma_wait3A_152 : memref<10240x128xf32, #tpu.memory_space<vmem_shared>>)
    %scan3A_153 = arith.constant 0 : i32
    %scan3A_154 = arith.constant 0 : i32
    %scan3A_155 = arith.constant 125 : i32
    %scan3A_156 = arith.addi %scan3A_154, %scan3A_155 : i32
    %scan3A_157 = arith.constant 1 : i32
    %scan3A_158 = scf.for %scan3A_216 = %scan3A_154 to %scan3A_156 step %scan3A_157 iter_args(%scan3A_217 = %scan3A_153) -> (i32)  : i32 {
      %dma_wait3A_218 = arith.constant 0 : i32
      %dma_wait3A_219 = arith.constant 0 : i32
      %dma_wait3A_220 = tpu.memref_slice %arg10[%dma_wait3A_218, %dma_wait3A_219] : memref<4x80xi32, #tpu.memory_space<vmem>> -> memref<1x80xi32, #tpu.memory_space<vmem>>
      %dma_wait3A_221 = tpu.memref_squeeze %dma_wait3A_220 : memref<1x80xi32, #tpu.memory_space<vmem>> -> memref<80xi32, #tpu.memory_space<vmem>>
      %dma_wait3A_222 = arith.constant 0 : i32
      %dma_wait3A_223 = tpu.memref_slice %arg9[%dma_wait3A_222] : memref<10240xf32, #tpu.memory_space<vmem_shared>> -> memref<10240xf32, #tpu.memory_space<vmem_shared>>
      tpu.wait_indirect_dma semaphore(%arg26 : memref<!tpu.dma_semaphore, #tpu.memory_space<semaphore_mem>>) src(%arg15 : memref<80xf32, #tpu.memory_space<vmem>>) dst(%dma_wait3A_223 : memref<10240xf32, #tpu.memory_space<vmem_shared>>)
      %scan3A_224 = arith.constant 0 : i32
      scf.yield %scan3A_224 : i32
    }
    %scan3A_159 = arith.constant 125 : i32
    %barrier3A_160 = arith.constant 0 : index
    tpu.barrier barrier_id(%barrier3A_160)
    %sub3A = arith.constant 1 : i32
    %sub3A_161 = arith.subi %sub3A, %arg0 : i32
    %mul3A_162 = arith.constant 5120 : i32
    %mul3A_163 = arith.muli %sub3A_161, %mul3A_162 : i32
    %mul3A_164 = arith.constant 320 : i32
    %mul3A_165 = arith.muli %arg1, %mul3A_164 : i32
    %add3A_166 = arith.addi %mul3A_163, %mul3A_165 : i32
    "tpu.region"() ({
      %run_scoped3A = tpu.sem_alloc : memref<!tpu.dma_semaphore, #tpu.memory_space<semaphore_mem>>
      %dma_start3A_216 = arith.constant 0 : i32
      %dma_start3A_217 = tpu.memref_slice %arg5[%arg0, %add3A_166, %dma_start3A_216] : memref<2x10240x128xf32, #tpu.memory_space<hbm>> -> memref<1x320x128xf32, #tpu.memory_space<hbm>>
      %dma_start3A_218 = tpu.memref_squeeze %dma_start3A_217 : memref<1x320x128xf32, #tpu.memory_space<hbm>> -> memref<320x128xf32, #tpu.memory_space<hbm>>
      %dma_start3A_219 = arith.constant 0 : i32
      %dma_start3A_220 = tpu.memref_slice %arg8[%add3A_166, %dma_start3A_219] : memref<10240x128xf32, #tpu.memory_space<vmem_shared>> -> memref<320x128xf32, #tpu.memory_space<vmem_shared>>
      tpu.enqueue_dma source(%dma_start3A_220 : memref<320x128xf32, #tpu.memory_space<vmem_shared>>) target(%dma_start3A_218 : memref<320x128xf32, #tpu.memory_space<hbm>>) target_semaphore(%run_scoped3A : memref<!tpu.dma_semaphore, #tpu.memory_space<semaphore_mem>>)
      %dma_wait3A_221 = arith.constant 0 : i32
      %dma_wait3A_222 = tpu.memref_slice %arg5[%arg0, %add3A_166, %dma_wait3A_221] : memref<2x10240x128xf32, #tpu.memory_space<hbm>> -> memref<1x320x128xf32, #tpu.memory_space<hbm>>
      %dma_wait3A_223 = tpu.memref_squeeze %dma_wait3A_222 : memref<1x320x128xf32, #tpu.memory_space<hbm>> -> memref<320x128xf32, #tpu.memory_space<hbm>>
      %dma_wait3A_224 = arith.constant 0 : i32
      %dma_wait3A_225 = tpu.memref_slice %arg8[%add3A_166, %dma_wait3A_224] : memref<10240x128xf32, #tpu.memory_space<vmem_shared>> -> memref<320x128xf32, #tpu.memory_space<vmem_shared>>
      tpu.wait_dma2 semaphore(%run_scoped3A : memref<!tpu.dma_semaphore, #tpu.memory_space<semaphore_mem>>) src(%dma_wait3A_225 : memref<320x128xf32, #tpu.memory_space<vmem_shared>>) dst(%dma_wait3A_223 : memref<320x128xf32, #tpu.memory_space<hbm>>)
      tpu.yield
    }) : () -> ()
    %mul3A_167 = arith.constant 10240 : i32
    %mul3A_168 = arith.muli %arg0, %mul3A_167 : i32
    %add3A_169 = arith.addi %mul3A_168, %mul3A_26 : i32
    "tpu.region"() ({
      %run_scoped3A = tpu.sem_alloc : memref<!tpu.dma_semaphore, #tpu.memory_space<semaphore_mem>>
      %dma_start3A_216 = tpu.memref_slice %arg6[%add3A_169] : memref<20480xf32, #tpu.memory_space<hbm>> -> memref<640xf32, #tpu.memory_space<hbm>>
      %dma_start3A_217 = tpu.memref_slice %arg9[%mul3A_26] : memref<10240xf32, #tpu.memory_space<vmem_shared>> -> memref<640xf32, #tpu.memory_space<vmem_shared>>
      tpu.enqueue_dma source(%dma_start3A_217 : memref<640xf32, #tpu.memory_space<vmem_shared>>) target(%dma_start3A_216 : memref<640xf32, #tpu.memory_space<hbm>>) target_semaphore(%run_scoped3A : memref<!tpu.dma_semaphore, #tpu.memory_space<semaphore_mem>>)
      %dma_wait3A_218 = tpu.memref_slice %arg6[%add3A_169] : memref<20480xf32, #tpu.memory_space<hbm>> -> memref<640xf32, #tpu.memory_space<hbm>>
      %dma_wait3A_219 = tpu.memref_slice %arg9[%mul3A_26] : memref<10240xf32, #tpu.memory_space<vmem_shared>> -> memref<640xf32, #tpu.memory_space<vmem_shared>>
      tpu.wait_dma2 semaphore(%run_scoped3A : memref<!tpu.dma_semaphore, #tpu.memory_space<semaphore_mem>>) src(%dma_wait3A_219 : memref<640xf32, #tpu.memory_space<vmem_shared>>) dst(%dma_wait3A_218 : memref<640xf32, #tpu.memory_space<hbm>>)
      tpu.yield
    }) : () -> ()
    %barrier3A_170 = arith.constant 0 : index
    tpu.barrier barrier_id(%barrier3A_170)
    %eq3A_171 = arith.constant 0 : i32
    %eq3A_172 = arith.cmpi eq, %arg1, %eq3A_171 : i32
    %convert_element_type3A_173 = arith.extui %eq3A_172 : i1 to i32
    %cond3A_174 = arith.constant 0 : i32
    %cond3A_175 = arith.cmpi ne, %convert_element_type3A_173, %cond3A_174 : i32
    scf.if %cond3A_175 {
      %mul3A_216 = arith.constant 16 : i32
      %mul3A_217 = arith.muli %arg0, %mul3A_216 : i32
      "tpu.region"() ({
        %run_scoped3A = tpu.sem_alloc : memref<!tpu.dma_semaphore, #tpu.memory_space<semaphore_mem>>
        %dma_start3A_234 = arith.constant 0 : i32
        %dma_start3A_235 = tpu.memref_slice %arg15[%dma_start3A_234] : memref<80xf32, #tpu.memory_space<vmem>> -> memref<16xf32, #tpu.memory_space<vmem>>
        %dma_start3A_236 = tpu.memref_slice %arg7[%mul3A_217] : memref<32xf32, #tpu.memory_space<hbm>> -> memref<16xf32, #tpu.memory_space<hbm>>
        %dma_start3A_237 = tpu.memref_slice %arg7[%mul3A_217] : memref<32xf32, #tpu.memory_space<hbm>> -> memref<16xf32, #tpu.memory_space<hbm>>
        %dma_start3A_238 = arith.constant 0 : i32
        %dma_start3A_239 = tpu.memref_slice %arg15[%dma_start3A_238] : memref<80xf32, #tpu.memory_space<vmem>> -> memref<16xf32, #tpu.memory_space<vmem>>
        tpu.enqueue_dma source(%dma_start3A_239 : memref<16xf32, #tpu.memory_space<vmem>>) target(%dma_start3A_237 : memref<16xf32, #tpu.memory_space<hbm>>) target_semaphore(%run_scoped3A : memref<!tpu.dma_semaphore, #tpu.memory_space<semaphore_mem>>)
        %dma_wait3A_240 = arith.constant 0 : i32
        %dma_wait3A_241 = tpu.memref_slice %arg15[%dma_wait3A_240] : memref<80xf32, #tpu.memory_space<vmem>> -> memref<16xf32, #tpu.memory_space<vmem>>
        %dma_wait3A_242 = tpu.memref_slice %arg7[%mul3A_217] : memref<32xf32, #tpu.memory_space<hbm>> -> memref<16xf32, #tpu.memory_space<hbm>>
        %dma_wait3A_243 = tpu.memref_slice %arg7[%mul3A_217] : memref<32xf32, #tpu.memory_space<hbm>> -> memref<16xf32, #tpu.memory_space<hbm>>
        %dma_wait3A_244 = arith.constant 0 : i32
        %dma_wait3A_245 = tpu.memref_slice %arg15[%dma_wait3A_244] : memref<80xf32, #tpu.memory_space<vmem>> -> memref<16xf32, #tpu.memory_space<vmem>>
        tpu.wait_dma2 semaphore(%run_scoped3A : memref<!tpu.dma_semaphore, #tpu.memory_space<semaphore_mem>>) src(%dma_wait3A_245 : memref<16xf32, #tpu.memory_space<vmem>>) dst(%dma_wait3A_243 : memref<16xf32, #tpu.memory_space<hbm>>)
        tpu.yield
      }) : () -> ()
      %broadcast_in_dim3A = arith.constant 0.000000e+00 : f32
      %broadcast_in_dim3A_218 = vector.broadcast %broadcast_in_dim3A : f32 to vector<16xf32>
      %swap3A = arith.constant 0 : index
      %swap3A_219 = tpu.vector_load %arg20[%swap3A] {strides = array<i32>} : memref<16xf32, #tpu.memory_space<vmem>>, vector<16xf32>,
      %swap3A_220 = vector.shape_cast %swap3A_219 : vector<16xf32> to vector<16xf32>
      %swap3A_221 = vector.shape_cast %broadcast_in_dim3A_218 : vector<16xf32> to vector<16xf32>
      tpu.vector_store %arg20[%swap3A], %swap3A_221 {strides = array<i32>} : memref<16xf32, #tpu.memory_space<vmem>>, vector<16xf32>,
      %scan3A_222 = arith.constant 0.000000e+00 : f32
      %scan3A_223 = arith.constant 0 : i32
      %scan3A_224 = arith.constant 64 : i32
      %scan3A_225 = arith.addi %scan3A_223, %scan3A_224 : i32
      %scan3A_226 = arith.constant 1 : i32
      %scan3A_227 = scf.for %scan3A_234 = %scan3A_223 to %scan3A_225 step %scan3A_226 iter_args(%scan3A_235 = %scan3A_222) -> (f32)  : i32 {
        %lt3A_236 = arith.constant 5.000000e-01 : f32
        %lt3A_237 = arith.cmpf olt, %scan3A_235, %lt3A_236 : f32
        %convert_element_type3A_238 = arith.extui %lt3A_237 : i1 to i32
        %cond3A_239 = arith.constant 0 : i32
        %cond3A_240 = arith.cmpi ne, %convert_element_type3A_238, %cond3A_239 : i32
        scf.if %cond3A_240 {
          %sub3A_243 = arith.constant 1 : i32
          %sub3A_244 = arith.subi %sub3A_243, %arg0 : i32
          %mul3A_245 = arith.constant 16 : i32
          %mul3A_246 = arith.muli %sub3A_244, %mul3A_245 : i32
          "tpu.region"() ({
            %run_scoped3A = tpu.sem_alloc : memref<!tpu.dma_semaphore, #tpu.memory_space<semaphore_mem>>
            %dma_start3A_247 = tpu.memref_slice %arg7[%mul3A_246] : memref<32xf32, #tpu.memory_space<hbm>> -> memref<16xf32, #tpu.memory_space<hbm>>
            %dma_start3A_248 = tpu.memref_slice %arg7[%mul3A_246] : memref<32xf32, #tpu.memory_space<hbm>> -> memref<16xf32, #tpu.memory_space<hbm>>
            tpu.enqueue_dma source(%dma_start3A_248 : memref<16xf32, #tpu.memory_space<hbm>>) target(%arg20 : memref<16xf32, #tpu.memory_space<vmem>>) target_semaphore(%run_scoped3A : memref<!tpu.dma_semaphore, #tpu.memory_space<semaphore_mem>>)
            %dma_wait3A_249 = tpu.memref_slice %arg7[%mul3A_246] : memref<32xf32, #tpu.memory_space<hbm>> -> memref<16xf32, #tpu.memory_space<hbm>>
            %dma_wait3A_250 = tpu.memref_slice %arg7[%mul3A_246] : memref<32xf32, #tpu.memory_space<hbm>> -> memref<16xf32, #tpu.memory_space<hbm>>
            tpu.wait_dma2 semaphore(%run_scoped3A : memref<!tpu.dma_semaphore, #tpu.memory_space<semaphore_mem>>) src(%dma_wait3A_250 : memref<16xf32, #tpu.memory_space<hbm>>) dst(%arg20 : memref<16xf32, #tpu.memory_space<vmem>>)
            tpu.yield
          }) : () -> ()
        } else {
        }
        %get3A = arith.constant 0 : index
        %get3A_241 = tpu.vector_load %arg20[%get3A] {strides = array<i32>} : memref<16xf32, #tpu.memory_space<vmem>>, vector<16xf32>,
        %get3A_242 = vector.shape_cast %get3A_241 : vector<16xf32> to vector<16xf32>
        %slice3A = vector.extract_strided_slice %get3A_242 {offsets = [0], sizes = [1], strides = [1]} : vector<16xf32> to vector<1xf32>
        %squeeze3A = vector.extract %slice3A[0] : f32 from vector<1xf32>
        %max3A = arith.maximumf %scan3A_235, %squeeze3A : f32
        scf.yield %max3A : f32
      }
      %scan3A_228 = arith.constant 64 : i32
      %lt3A_229 = arith.constant 5.000000e-01 : f32
      %lt3A_230 = arith.cmpf olt, %scan3A_227, %lt3A_229 : f32
      %convert_element_type3A_231 = arith.extui %lt3A_230 : i1 to i32
      %cond3A_232 = arith.constant 0 : i32
      %cond3A_233 = arith.cmpi ne, %convert_element_type3A_231, %cond3A_232 : i32
      scf.if %cond3A_233 {
        %scan3A_234 = arith.constant 0.000000e+00 : f32
        %scan3A_235 = arith.constant 0 : i32
        %scan3A_236 = arith.constant 4096 : i32
        %scan3A_237 = arith.addi %scan3A_235, %scan3A_236 : i32
        %scan3A_238 = arith.constant 1 : i32
        %scan3A_239 = scf.for %scan3A_241 = %scan3A_235 to %scan3A_237 step %scan3A_238 iter_args(%scan3A_242 = %scan3A_234) -> (f32)  : i32 {
          %lt3A_243 = arith.constant 5.000000e-01 : f32
          %lt3A_244 = arith.cmpf olt, %scan3A_242, %lt3A_243 : f32
          %convert_element_type3A_245 = arith.extui %lt3A_244 : i1 to i32
          %cond3A_246 = arith.constant 0 : i32
          %cond3A_247 = arith.cmpi ne, %convert_element_type3A_245, %cond3A_246 : i32
          scf.if %cond3A_247 {
            %sub3A_250 = arith.constant 1 : i32
            %sub3A_251 = arith.subi %sub3A_250, %arg0 : i32
            %mul3A_252 = arith.constant 16 : i32
            %mul3A_253 = arith.muli %sub3A_251, %mul3A_252 : i32
            "tpu.region"() ({
              %run_scoped3A = tpu.sem_alloc : memref<!tpu.dma_semaphore, #tpu.memory_space<semaphore_mem>>
              %dma_start3A_254 = tpu.memref_slice %arg7[%mul3A_253] : memref<32xf32, #tpu.memory_space<hbm>> -> memref<16xf32, #tpu.memory_space<hbm>>
              %dma_start3A_255 = tpu.memref_slice %arg7[%mul3A_253] : memref<32xf32, #tpu.memory_space<hbm>> -> memref<16xf32, #tpu.memory_space<hbm>>
              tpu.enqueue_dma source(%dma_start3A_255 : memref<16xf32, #tpu.memory_space<hbm>>) target(%arg20 : memref<16xf32, #tpu.memory_space<vmem>>) target_semaphore(%run_scoped3A : memref<!tpu.dma_semaphore, #tpu.memory_space<semaphore_mem>>)
              %dma_wait3A_256 = tpu.memref_slice %arg7[%mul3A_253] : memref<32xf32, #tpu.memory_space<hbm>> -> memref<16xf32, #tpu.memory_space<hbm>>
              %dma_wait3A_257 = tpu.memref_slice %arg7[%mul3A_253] : memref<32xf32, #tpu.memory_space<hbm>> -> memref<16xf32, #tpu.memory_space<hbm>>
              tpu.wait_dma2 semaphore(%run_scoped3A : memref<!tpu.dma_semaphore, #tpu.memory_space<semaphore_mem>>) src(%dma_wait3A_257 : memref<16xf32, #tpu.memory_space<hbm>>) dst(%arg20 : memref<16xf32, #tpu.memory_space<vmem>>)
              tpu.yield
            }) : () -> ()
          } else {
          }
          %get3A = arith.constant 0 : index
          %get3A_248 = tpu.vector_load %arg20[%get3A] {strides = array<i32>} : memref<16xf32, #tpu.memory_space<vmem>>, vector<16xf32>,
          %get3A_249 = vector.shape_cast %get3A_248 : vector<16xf32> to vector<16xf32>
          %slice3A = vector.extract_strided_slice %get3A_249 {offsets = [0], sizes = [1], strides = [1]} : vector<16xf32> to vector<1xf32>
          %squeeze3A = vector.extract %slice3A[0] : f32 from vector<1xf32>
          %max3A = arith.maximumf %scan3A_242, %squeeze3A : f32
          scf.yield %max3A : f32
        }
        %scan3A_240 = arith.constant 4096 : i32
      } else {
      }
    } else {
    }
    %barrier3A_176 = arith.constant 0 : index
    tpu.barrier barrier_id(%barrier3A_176)
    %mul3A_177 = arith.constant 320 : i32
    %mul3A_178 = arith.muli %add3A, %mul3A_177 : i32
    %sub3A_179 = arith.constant 1 : i32
    %sub3A_180 = arith.subi %sub3A_179, %arg0 : i32
    "tpu.region"() ({
      %run_scoped3A = tpu.sem_alloc : memref<!tpu.dma_semaphore, #tpu.memory_space<semaphore_mem>>
      %dma_start3A_216 = tpu.memref_slice %arg9[%mul3A_178] : memref<10240xf32, #tpu.memory_space<vmem_shared>> -> memref<320xf32, #tpu.memory_space<vmem_shared>>
      %dma_start3A_217 = tpu.memref_slice %arg9[%mul3A_178] : memref<10240xf32, #tpu.memory_space<vmem_shared>> -> memref<320xf32, #tpu.memory_space<vmem_shared>>
      tpu.enqueue_dma source(%dma_start3A_217 : memref<320xf32, #tpu.memory_space<vmem_shared>>) target(%arg17 : memref<320xf32, #tpu.memory_space<vmem>>) target_semaphore(%run_scoped3A : memref<!tpu.dma_semaphore, #tpu.memory_space<semaphore_mem>>)
      %dma_wait3A_218 = tpu.memref_slice %arg9[%mul3A_178] : memref<10240xf32, #tpu.memory_space<vmem_shared>> -> memref<320xf32, #tpu.memory_space<vmem_shared>>
      %dma_wait3A_219 = tpu.memref_slice %arg9[%mul3A_178] : memref<10240xf32, #tpu.memory_space<vmem_shared>> -> memref<320xf32, #tpu.memory_space<vmem_shared>>
      tpu.wait_dma2 semaphore(%run_scoped3A : memref<!tpu.dma_semaphore, #tpu.memory_space<semaphore_mem>>) src(%dma_wait3A_219 : memref<320xf32, #tpu.memory_space<vmem_shared>>) dst(%arg17 : memref<320xf32, #tpu.memory_space<vmem>>)
      tpu.yield
    }) : () -> ()
    %mul3A_181 = arith.constant 10240 : i32
    %mul3A_182 = arith.muli %sub3A_180, %mul3A_181 : i32
    %add3A_183 = arith.addi %mul3A_182, %mul3A_178 : i32
    "tpu.region"() ({
      %run_scoped3A = tpu.sem_alloc : memref<!tpu.dma_semaphore, #tpu.memory_space<semaphore_mem>>
      %dma_start3A_216 = tpu.memref_slice %arg6[%add3A_183] : memref<20480xf32, #tpu.memory_space<hbm>> -> memref<320xf32, #tpu.memory_space<hbm>>
      %dma_start3A_217 = tpu.memref_slice %arg6[%add3A_183] : memref<20480xf32, #tpu.memory_space<hbm>> -> memref<320xf32, #tpu.memory_space<hbm>>
      tpu.enqueue_dma source(%dma_start3A_217 : memref<320xf32, #tpu.memory_space<hbm>>) target(%arg18 : memref<320xf32, #tpu.memory_space<vmem>>) target_semaphore(%run_scoped3A : memref<!tpu.dma_semaphore, #tpu.memory_space<semaphore_mem>>)
      %dma_wait3A_218 = tpu.memref_slice %arg6[%add3A_183] : memref<20480xf32, #tpu.memory_space<hbm>> -> memref<320xf32, #tpu.memory_space<hbm>>
      %dma_wait3A_219 = tpu.memref_slice %arg6[%add3A_183] : memref<20480xf32, #tpu.memory_space<hbm>> -> memref<320xf32, #tpu.memory_space<hbm>>
      tpu.wait_dma2 semaphore(%run_scoped3A : memref<!tpu.dma_semaphore, #tpu.memory_space<semaphore_mem>>) src(%dma_wait3A_219 : memref<320xf32, #tpu.memory_space<hbm>>) dst(%arg18 : memref<320xf32, #tpu.memory_space<vmem>>)
      tpu.yield
    }) : () -> ()
    %lt3A = arith.constant 10000 : i32
    %lt3A_184 = arith.cmpi slt, %mul3A_178, %lt3A : i32
    %convert_element_type3A_185 = arith.extui %lt3A_184 : i1 to i32
    %cond3A_186 = arith.constant 0 : i32
    %cond3A_187 = arith.cmpi ne, %convert_element_type3A_185, %cond3A_186 : i32
    scf.if %cond3A_187 {
      %add3A_216 = arith.constant 0 : i32
      %add3A_217 = arith.addi %mul3A_178, %add3A_216 : i32
      %dma_start3A_218 = arith.constant 0 : i32
      %dma_start3A_219 = tpu.memref_slice %arg8[%add3A_217, %dma_start3A_218] : memref<10240x128xf32, #tpu.memory_space<vmem_shared>> -> memref<80x128xf32, #tpu.memory_space<vmem_shared>>
      %dma_start3A_220 = arith.constant 0 : i32
      %dma_start3A_221 = tpu.memref_slice %arg8[%add3A_217, %dma_start3A_220] : memref<10240x128xf32, #tpu.memory_space<vmem_shared>> -> memref<80x128xf32, #tpu.memory_space<vmem_shared>>
      tpu.enqueue_dma source(%dma_start3A_221 : memref<80x128xf32, #tpu.memory_space<vmem_shared>>) target(%arg11 : memref<80x128xf32, #tpu.memory_space<vmem>>) target_semaphore(%arg23 : memref<!tpu.dma_semaphore, #tpu.memory_space<semaphore_mem>>)
      %dma_start3A_222 = arith.constant 0 : i32
      %dma_start3A_223 = tpu.memref_slice %arg5[%sub3A_180, %add3A_217, %dma_start3A_222] : memref<2x10240x128xf32, #tpu.memory_space<hbm>> -> memref<1x80x128xf32, #tpu.memory_space<hbm>>
      %dma_start3A_224 = tpu.memref_squeeze %dma_start3A_223 : memref<1x80x128xf32, #tpu.memory_space<hbm>> -> memref<80x128xf32, #tpu.memory_space<hbm>>
      %dma_start3A_225 = arith.constant 0 : i32
      %dma_start3A_226 = tpu.memref_slice %arg5[%sub3A_180, %add3A_217, %dma_start3A_225] : memref<2x10240x128xf32, #tpu.memory_space<hbm>> -> memref<1x80x128xf32, #tpu.memory_space<hbm>>
      %dma_start3A_227 = tpu.memref_squeeze %dma_start3A_226 : memref<1x80x128xf32, #tpu.memory_space<hbm>> -> memref<80x128xf32, #tpu.memory_space<hbm>>
      tpu.enqueue_dma source(%dma_start3A_227 : memref<80x128xf32, #tpu.memory_space<hbm>>) target(%arg12 : memref<80x128xf32, #tpu.memory_space<vmem>>) target_semaphore(%arg21 : memref<!tpu.dma_semaphore, #tpu.memory_space<semaphore_mem>>)
    } else {
    }
    %add3A_188 = arith.constant 0 : i32
    %add3A_189 = arith.addi %mul3A_178, %add3A_188 : i32
    %lt3A_190 = arith.constant 10000 : i32
    %lt3A_191 = arith.cmpi slt, %add3A_189, %lt3A_190 : i32
    %convert_element_type3A_192 = arith.extui %lt3A_191 : i1 to i32
    %cond3A_193 = arith.constant 0 : i32
    %cond3A_194 = arith.cmpi ne, %convert_element_type3A_192, %cond3A_193 : i32
    scf.if %cond3A_194 {
      %add3A_216 = arith.constant 0 : i32
      %add3A_217 = arith.addi %mul3A_178, %add3A_216 : i32
      %dma_wait3A_218 = arith.constant 0 : i32
      %dma_wait3A_219 = tpu.memref_slice %arg8[%add3A_217, %dma_wait3A_218] : memref<10240x128xf32, #tpu.memory_space<vmem_shared>> -> memref<80x128xf32, #tpu.memory_space<vmem_shared>>
      %dma_wait3A_220 = arith.constant 0 : i32
      %dma_wait3A_221 = tpu.memref_slice %arg8[%add3A_217, %dma_wait3A_220] : memref<10240x128xf32, #tpu.memory_space<vmem_shared>> -> memref<80x128xf32, #tpu.memory_space<vmem_shared>>
      tpu.wait_dma2 semaphore(%arg23 : memref<!tpu.dma_semaphore, #tpu.memory_space<semaphore_mem>>) src(%dma_wait3A_221 : memref<80x128xf32, #tpu.memory_space<vmem_shared>>) dst(%arg11 : memref<80x128xf32, #tpu.memory_space<vmem>>)
      %dma_wait3A_222 = arith.constant 0 : i32
      %dma_wait3A_223 = tpu.memref_slice %arg5[%sub3A_180, %add3A_217, %dma_wait3A_222] : memref<2x10240x128xf32, #tpu.memory_space<hbm>> -> memref<1x80x128xf32, #tpu.memory_space<hbm>>
      %dma_wait3A_224 = tpu.memref_squeeze %dma_wait3A_223 : memref<1x80x128xf32, #tpu.memory_space<hbm>> -> memref<80x128xf32, #tpu.memory_space<hbm>>
      %dma_wait3A_225 = arith.constant 0 : i32
      %dma_wait3A_226 = tpu.memref_slice %arg5[%sub3A_180, %add3A_217, %dma_wait3A_225] : memref<2x10240x128xf32, #tpu.memory_space<hbm>> -> memref<1x80x128xf32, #tpu.memory_space<hbm>>
      %dma_wait3A_227 = tpu.memref_squeeze %dma_wait3A_226 : memref<1x80x128xf32, #tpu.memory_space<hbm>> -> memref<80x128xf32, #tpu.memory_space<hbm>>
      tpu.wait_dma2 semaphore(%arg21 : memref<!tpu.dma_semaphore, #tpu.memory_space<semaphore_mem>>) src(%dma_wait3A_227 : memref<80x128xf32, #tpu.memory_space<hbm>>) dst(%arg12 : memref<80x128xf32, #tpu.memory_space<vmem>>)
      %add3A_228 = arith.constant 80 : i32
      %add3A_229 = arith.addi %mul3A_178, %add3A_228 : i32
      %lt3A_230 = arith.constant 10000 : i32
      %lt3A_231 = arith.cmpi slt, %add3A_229, %lt3A_230 : i32
      %convert_element_type3A_232 = arith.extui %lt3A_231 : i1 to i32
      %cond3A_233 = arith.constant 0 : i32
      %cond3A_234 = arith.cmpi ne, %convert_element_type3A_232, %cond3A_233 : i32
      scf.if %cond3A_234 {
        %add3A_253 = arith.constant 80 : i32
        %add3A_254 = arith.addi %mul3A_178, %add3A_253 : i32
        %dma_start3A_255 = arith.constant 0 : i32
        %dma_start3A_256 = tpu.memref_slice %arg8[%add3A_254, %dma_start3A_255] : memref<10240x128xf32, #tpu.memory_space<vmem_shared>> -> memref<80x128xf32, #tpu.memory_space<vmem_shared>>
        %dma_start3A_257 = arith.constant 0 : i32
        %dma_start3A_258 = tpu.memref_slice %arg8[%add3A_254, %dma_start3A_257] : memref<10240x128xf32, #tpu.memory_space<vmem_shared>> -> memref<80x128xf32, #tpu.memory_space<vmem_shared>>
        tpu.enqueue_dma source(%dma_start3A_258 : memref<80x128xf32, #tpu.memory_space<vmem_shared>>) target(%arg13 : memref<80x128xf32, #tpu.memory_space<vmem>>) target_semaphore(%arg24 : memref<!tpu.dma_semaphore, #tpu.memory_space<semaphore_mem>>)
        %dma_start3A_259 = arith.constant 0 : i32
        %dma_start3A_260 = tpu.memref_slice %arg5[%sub3A_180, %add3A_254, %dma_start3A_259] : memref<2x10240x128xf32, #tpu.memory_space<hbm>> -> memref<1x80x128xf32, #tpu.memory_space<hbm>>
        %dma_start3A_261 = tpu.memref_squeeze %dma_start3A_260 : memref<1x80x128xf32, #tpu.memory_space<hbm>> -> memref<80x128xf32, #tpu.memory_space<hbm>>
        %dma_start3A_262 = arith.constant 0 : i32
        %dma_start3A_263 = tpu.memref_slice %arg5[%sub3A_180, %add3A_254, %dma_start3A_262] : memref<2x10240x128xf32, #tpu.memory_space<hbm>> -> memref<1x80x128xf32, #tpu.memory_space<hbm>>
        %dma_start3A_264 = tpu.memref_squeeze %dma_start3A_263 : memref<1x80x128xf32, #tpu.memory_space<hbm>> -> memref<80x128xf32, #tpu.memory_space<hbm>>
        tpu.enqueue_dma source(%dma_start3A_264 : memref<80x128xf32, #tpu.memory_space<hbm>>) target(%arg14 : memref<80x128xf32, #tpu.memory_space<vmem>>) target_semaphore(%arg22 : memref<!tpu.dma_semaphore, #tpu.memory_space<semaphore_mem>>)
      } else {
      }
      %scan3A_235 = arith.constant 0 : i32
      %scan3A_236 = arith.constant 0 : i32
      %scan3A_237 = arith.constant 5 : i32
      %scan3A_238 = arith.addi %scan3A_236, %scan3A_237 : i32
      %scan3A_239 = arith.constant 1 : i32
      %scan3A_240 = scf.for %scan3A_253 = %scan3A_236 to %scan3A_238 step %scan3A_239 iter_args(%scan3A_254 = %scan3A_235) -> (i32)  : i32 {
        %mul3A_255 = arith.constant 16 : i32
        %mul3A_256 = arith.muli %scan3A_253, %mul3A_255 : i32
        %add3A_257 = arith.constant 0 : i32
        %add3A_258 = arith.addi %add3A_257, %mul3A_256 : i32
        %get3A = arith.index_cast %add3A_258 : i32 to index
        %get3A_259 = tpu.vector_load %arg17[%get3A] {strides = array<i32>} : memref<320xf32, #tpu.memory_space<vmem>>, vector<16xf32>,
        %get3A_260 = vector.shape_cast %get3A_259 : vector<16xf32> to vector<16xf32>
        %get3A_261 = arith.index_cast %add3A_258 : i32 to index
        %get3A_262 = tpu.vector_load %arg18[%get3A_261] {strides = array<i32>} : memref<320xf32, #tpu.memory_space<vmem>>, vector<16xf32>,
        %get3A_263 = vector.shape_cast %get3A_262 : vector<16xf32> to vector<16xf32>
        %add3A_264 = arith.addf %get3A_260, %get3A_263 : vector<16xf32>
        %max3A = arith.constant 1.000000e+00 : f32
        %max3A_265 = vector.broadcast %max3A : f32 to vector<16xf32>
        %max3A_266 = arith.maximumf %add3A_264, %max3A_265 : vector<16xf32>
        %div3A = arith.constant 1.000000e+00 : f32
        %div3A_267 = vector.broadcast %div3A : f32 to vector<16xf32>
        %div3A_268 = arith.divf %div3A_267, %max3A_266 : vector<16xf32>
        %mul3A_269 = arith.constant 16 : i32
        %mul3A_270 = arith.muli %scan3A_253, %mul3A_269 : i32
        %swap3A_271 = arith.index_cast %mul3A_270 : i32 to index
        %swap3A_272 = tpu.vector_load %arg19[%swap3A_271] {strides = array<i32>} : memref<96xf32, #tpu.memory_space<vmem>>, vector<16xf32>,
        %swap3A_273 = vector.shape_cast %swap3A_272 : vector<16xf32> to vector<16xf32>
        %swap3A_274 = vector.shape_cast %div3A_268 : vector<16xf32> to vector<16xf32>
        tpu.vector_store %arg19[%swap3A_271], %swap3A_274 {strides = array<i32>} : memref<96xf32, #tpu.memory_space<vmem>>, vector<16xf32>,
        %scan3A_275 = arith.constant 0 : i32
        scf.yield %scan3A_275 : i32
      }
      %scan3A_241 = arith.constant 5 : i32
      %broadcast_in_dim3A = arith.constant 1.000000e+00 : f32
      %broadcast_in_dim3A_242 = vector.broadcast %broadcast_in_dim3A : f32 to vector<16xf32>
      %swap3A = arith.constant 80 : index
      %swap3A_243 = tpu.vector_load %arg19[%swap3A] {strides = array<i32>} : memref<96xf32, #tpu.memory_space<vmem>>, vector<16xf32>,
      %swap3A_244 = vector.shape_cast %swap3A_243 : vector<16xf32> to vector<16xf32>
      %swap3A_245 = vector.shape_cast %broadcast_in_dim3A_242 : vector<16xf32> to vector<16xf32>
      tpu.vector_store %arg19[%swap3A], %swap3A_245 {strides = array<i32>} : memref<96xf32, #tpu.memory_space<vmem>>, vector<16xf32>,
      %scan3A_246 = arith.constant 0 : i32
      %scan3A_247 = arith.constant 0 : i32
      %scan3A_248 = arith.constant 80 : i32
      %scan3A_249 = arith.addi %scan3A_247, %scan3A_248 : i32
      %scan3A_250 = arith.constant 1 : i32
      %scan3A_251 = scf.for %scan3A_253 = %scan3A_247 to %scan3A_249 step %scan3A_250 iter_args(%scan3A_254 = %scan3A_246) -> (i32)  : i32 {
        %get3A = arith.index_cast %scan3A_253 : i32 to index
        %get3A_255 = tpu.vector_load %arg19[%get3A] {strides = array<i32>} : memref<96xf32, #tpu.memory_space<vmem>>, vector<16xf32>,
        %get3A_256 = vector.shape_cast %get3A_255 : vector<16xf32> to vector<16xf32>
        %slice3A = vector.extract_strided_slice %get3A_256 {offsets = [0], sizes = [1], strides = [1]} : vector<16xf32> to vector<1xf32>
        %squeeze3A = vector.extract %slice3A[0] : f32 from vector<1xf32>
        %get3A_257 = arith.index_cast %scan3A_253 : i32 to index
        %get3A_258 = arith.constant 0 : index
        %get3A_259 = tpu.vector_load %arg11[%get3A_257, %get3A_258] {strides = array<i32>} : memref<80x128xf32, #tpu.memory_space<vmem>>, vector<1x16xf32>,
        %get3A_260 = vector.shape_cast %get3A_259 : vector<1x16xf32> to vector<16xf32>
        %get3A_261 = arith.index_cast %scan3A_253 : i32 to index
        %get3A_262 = arith.constant 0 : index
        %get3A_263 = tpu.vector_load %arg12[%get3A_261, %get3A_262] {strides = array<i32>} : memref<80x128xf32, #tpu.memory_space<vmem>>, vector<1x16xf32>,
        %get3A_264 = vector.shape_cast %get3A_263 : vector<1x16xf32> to vector<16xf32>
        %add3A_265 = arith.addf %get3A_260, %get3A_264 : vector<16xf32>
        %mul3A_266 = vector.broadcast %squeeze3A : f32 to vector<16xf32>
        %mul3A_267 = arith.mulf %add3A_265, %mul3A_266 : vector<16xf32>
        %swap3A_268 = arith.index_cast %scan3A_253 : i32 to index
        %swap3A_269 = arith.constant 0 : index
        %swap3A_270 = tpu.vector_load %arg11[%swap3A_268, %swap3A_269] {strides = array<i32>} : memref<80x128xf32, #tpu.memory_space<vmem>>, vector<1x16xf32>,
        %swap3A_271 = vector.shape_cast %swap3A_270 : vector<1x16xf32> to vector<16xf32>
        %swap3A_272 = vector.shape_cast %mul3A_267 : vector<16xf32> to vector<1x16xf32>
        tpu.vector_store %arg11[%swap3A_268, %swap3A_269], %swap3A_272 {strides = array<i32>} : memref<80x128xf32, #tpu.memory_space<vmem>>, vector<1x16xf32>,
        %get3A_273 = arith.index_cast %scan3A_253 : i32 to index
        %get3A_274 = arith.constant 16 : index
        %get3A_275 = tpu.vector_load %arg11[%get3A_273, %get3A_274] {strides = array<i32>} : memref<80x128xf32, #tpu.memory_space<vmem>>, vector<1x16xf32>,
        %get3A_276 = vector.shape_cast %get3A_275 : vector<1x16xf32> to vector<16xf32>
        %get3A_277 = arith.index_cast %scan3A_253 : i32 to index
        %get3A_278 = arith.constant 16 : index
        %get3A_279 = tpu.vector_load %arg12[%get3A_277, %get3A_278] {strides = array<i32>} : memref<80x128xf32, #tpu.memory_space<vmem>>, vector<1x16xf32>,
        %get3A_280 = vector.shape_cast %get3A_279 : vector<1x16xf32> to vector<16xf32>
        %add3A_281 = arith.addf %get3A_276, %get3A_280 : vector<16xf32>
        %mul3A_282 = vector.broadcast %squeeze3A : f32 to vector<16xf32>
        %mul3A_283 = arith.mulf %add3A_281, %mul3A_282 : vector<16xf32>
        %swap3A_284 = arith.index_cast %scan3A_253 : i32 to index
        %swap3A_285 = arith.constant 16 : index
        %swap3A_286 = tpu.vector_load %arg11[%swap3A_284, %swap3A_285] {strides = array<i32>} : memref<80x128xf32, #tpu.memory_space<vmem>>, vector<1x16xf32>,
        %swap3A_287 = vector.shape_cast %swap3A_286 : vector<1x16xf32> to vector<16xf32>
        %swap3A_288 = vector.shape_cast %mul3A_283 : vector<16xf32> to vector<1x16xf32>
        tpu.vector_store %arg11[%swap3A_284, %swap3A_285], %swap3A_288 {strides = array<i32>} : memref<80x128xf32, #tpu.memory_space<vmem>>, vector<1x16xf32>,
        %get3A_289 = arith.index_cast %scan3A_253 : i32 to index
        %get3A_290 = arith.constant 32 : index
        %get3A_291 = tpu.vector_load %arg11[%get3A_289, %get3A_290] {strides = array<i32>} : memref<80x128xf32, #tpu.memory_space<vmem>>, vector<1x16xf32>,
        %get3A_292 = vector.shape_cast %get3A_291 : vector<1x16xf32> to vector<16xf32>
        %get3A_293 = arith.index_cast %scan3A_253 : i32 to index
        %get3A_294 = arith.constant 32 : index
        %get3A_295 = tpu.vector_load %arg12[%get3A_293, %get3A_294] {strides = array<i32>} : memref<80x128xf32, #tpu.memory_space<vmem>>, vector<1x16xf32>,
        %get3A_296 = vector.shape_cast %get3A_295 : vector<1x16xf32> to vector<16xf32>
        %add3A_297 = arith.addf %get3A_292, %get3A_296 : vector<16xf32>
        %mul3A_298 = vector.broadcast %squeeze3A : f32 to vector<16xf32>
        %mul3A_299 = arith.mulf %add3A_297, %mul3A_298 : vector<16xf32>
        %swap3A_300 = arith.index_cast %scan3A_253 : i32 to index
        %swap3A_301 = arith.constant 32 : index
        %swap3A_302 = tpu.vector_load %arg11[%swap3A_300, %swap3A_301] {strides = array<i32>} : memref<80x128xf32, #tpu.memory_space<vmem>>, vector<1x16xf32>,
        %swap3A_303 = vector.shape_cast %swap3A_302 : vector<1x16xf32> to vector<16xf32>
        %swap3A_304 = vector.shape_cast %mul3A_299 : vector<16xf32> to vector<1x16xf32>
        tpu.vector_store %arg11[%swap3A_300, %swap3A_301], %swap3A_304 {strides = array<i32>} : memref<80x128xf32, #tpu.memory_space<vmem>>, vector<1x16xf32>,
        %get3A_305 = arith.index_cast %scan3A_253 : i32 to index
        %get3A_306 = arith.constant 48 : index
        %get3A_307 = tpu.vector_load %arg11[%get3A_305, %get3A_306] {strides = array<i32>} : memref<80x128xf32, #tpu.memory_space<vmem>>, vector<1x16xf32>,
        %get3A_308 = vector.shape_cast %get3A_307 : vector<1x16xf32> to vector<16xf32>
        %get3A_309 = arith.index_cast %scan3A_253 : i32 to index
        %get3A_310 = arith.constant 48 : index
        %get3A_311 = tpu.vector_load %arg12[%get3A_309, %get3A_310] {strides = array<i32>} : memref<80x128xf32, #tpu.memory_space<vmem>>, vector<1x16xf32>,
        %get3A_312 = vector.shape_cast %get3A_311 : vector<1x16xf32> to vector<16xf32>
        %add3A_313 = arith.addf %get3A_308, %get3A_312 : vector<16xf32>
        %mul3A_314 = vector.broadcast %squeeze3A : f32 to vector<16xf32>
        %mul3A_315 = arith.mulf %add3A_313, %mul3A_314 : vector<16xf32>
        %swap3A_316 = arith.index_cast %scan3A_253 : i32 to index
        %swap3A_317 = arith.constant 48 : index
        %swap3A_318 = tpu.vector_load %arg11[%swap3A_316, %swap3A_317] {strides = array<i32>} : memref<80x128xf32, #tpu.memory_space<vmem>>, vector<1x16xf32>,
        %swap3A_319 = vector.shape_cast %swap3A_318 : vector<1x16xf32> to vector<16xf32>
        %swap3A_320 = vector.shape_cast %mul3A_315 : vector<16xf32> to vector<1x16xf32>
        tpu.vector_store %arg11[%swap3A_316, %swap3A_317], %swap3A_320 {strides = array<i32>} : memref<80x128xf32, #tpu.memory_space<vmem>>, vector<1x16xf32>,
        %get3A_321 = arith.index_cast %scan3A_253 : i32 to index
        %get3A_322 = arith.constant 64 : index
        %get3A_323 = tpu.vector_load %arg11[%get3A_321, %get3A_322] {strides = array<i32>} : memref<80x128xf32, #tpu.memory_space<vmem>>, vector<1x16xf32>,
        %get3A_324 = vector.shape_cast %get3A_323 : vector<1x16xf32> to vector<16xf32>
        %get3A_325 = arith.index_cast %scan3A_253 : i32 to index
        %get3A_326 = arith.constant 64 : index
        %get3A_327 = tpu.vector_load %arg12[%get3A_325, %get3A_326] {strides = array<i32>} : memref<80x128xf32, #tpu.memory_space<vmem>>, vector<1x16xf32>,
        %get3A_328 = vector.shape_cast %get3A_327 : vector<1x16xf32> to vector<16xf32>
        %add3A_329 = arith.addf %get3A_324, %get3A_328 : vector<16xf32>
        %mul3A_330 = vector.broadcast %squeeze3A : f32 to vector<16xf32>
        %mul3A_331 = arith.mulf %add3A_329, %mul3A_330 : vector<16xf32>
        %swap3A_332 = arith.index_cast %scan3A_253 : i32 to index
        %swap3A_333 = arith.constant 64 : index
        %swap3A_334 = tpu.vector_load %arg11[%swap3A_332, %swap3A_333] {strides = array<i32>} : memref<80x128xf32, #tpu.memory_space<vmem>>, vector<1x16xf32>,
        %swap3A_335 = vector.shape_cast %swap3A_334 : vector<1x16xf32> to vector<16xf32>
        %swap3A_336 = vector.shape_cast %mul3A_331 : vector<16xf32> to vector<1x16xf32>
        tpu.vector_store %arg11[%swap3A_332, %swap3A_333], %swap3A_336 {strides = array<i32>} : memref<80x128xf32, #tpu.memory_space<vmem>>, vector<1x16xf32>,
        %get3A_337 = arith.index_cast %scan3A_253 : i32 to index
        %get3A_338 = arith.constant 80 : index
        %get3A_339 = tpu.vector_load %arg11[%get3A_337, %get3A_338] {strides = array<i32>} : memref<80x128xf32, #tpu.memory_space<vmem>>, vector<1x16xf32>,
        %get3A_340 = vector.shape_cast %get3A_339 : vector<1x16xf32> to vector<16xf32>
        %get3A_341 = arith.index_cast %scan3A_253 : i32 to index
        %get3A_342 = arith.constant 80 : index
        %get3A_343 = tpu.vector_load %arg12[%get3A_341, %get3A_342] {strides = array<i32>} : memref<80x128xf32, #tpu.memory_space<vmem>>, vector<1x16xf32>,
        %get3A_344 = vector.shape_cast %get3A_343 : vector<1x16xf32> to vector<16xf32>
        %add3A_345 = arith.addf %get3A_340, %get3A_344 : vector<16xf32>
        %mul3A_346 = vector.broadcast %squeeze3A : f32 to vector<16xf32>
        %mul3A_347 = arith.mulf %add3A_345, %mul3A_346 : vector<16xf32>
        %swap3A_348 = arith.index_cast %scan3A_253 : i32 to index
        %swap3A_349 = arith.constant 80 : index
        %swap3A_350 = tpu.vector_load %arg11[%swap3A_348, %swap3A_349] {strides = array<i32>} : memref<80x128xf32, #tpu.memory_space<vmem>>, vector<1x16xf32>,
        %swap3A_351 = vector.shape_cast %swap3A_350 : vector<1x16xf32> to vector<16xf32>
        %swap3A_352 = vector.shape_cast %mul3A_347 : vector<16xf32> to vector<1x16xf32>
        tpu.vector_store %arg11[%swap3A_348, %swap3A_349], %swap3A_352 {strides = array<i32>} : memref<80x128xf32, #tpu.memory_space<vmem>>, vector<1x16xf32>,
        %get3A_353 = arith.index_cast %scan3A_253 : i32 to index
        %get3A_354 = arith.constant 96 : index
        %get3A_355 = tpu.vector_load %arg11[%get3A_353, %get3A_354] {strides = array<i32>} : memref<80x128xf32, #tpu.memory_space<vmem>>, vector<1x16xf32>,
        %get3A_356 = vector.shape_cast %get3A_355 : vector<1x16xf32> to vector<16xf32>
        %get3A_357 = arith.index_cast %scan3A_253 : i32 to index
        %get3A_358 = arith.constant 96 : index
        %get3A_359 = tpu.vector_load %arg12[%get3A_357, %get3A_358] {strides = array<i32>} : memref<80x128xf32, #tpu.memory_space<vmem>>, vector<1x16xf32>,
        %get3A_360 = vector.shape_cast %get3A_359 : vector<1x16xf32> to vector<16xf32>
        %add3A_361 = arith.addf %get3A_356, %get3A_360 : vector<16xf32>
        %mul3A_362 = vector.broadcast %squeeze3A : f32 to vector<16xf32>
        %mul3A_363 = arith.mulf %add3A_361, %mul3A_362 : vector<16xf32>
        %swap3A_364 = arith.index_cast %scan3A_253 : i32 to index
        %swap3A_365 = arith.constant 96 : index
        %swap3A_366 = tpu.vector_load %arg11[%swap3A_364, %swap3A_365] {strides = array<i32>} : memref<80x128xf32, #tpu.memory_space<vmem>>, vector<1x16xf32>,
        %swap3A_367 = vector.shape_cast %swap3A_366 : vector<1x16xf32> to vector<16xf32>
        %swap3A_368 = vector.shape_cast %mul3A_363 : vector<16xf32> to vector<1x16xf32>
        tpu.vector_store %arg11[%swap3A_364, %swap3A_365], %swap3A_368 {strides = array<i32>} : memref<80x128xf32, #tpu.memory_space<vmem>>, vector<1x16xf32>,
        %get3A_369 = arith.index_cast %scan3A_253 : i32 to index
        %get3A_370 = arith.constant 112 : index
        %get3A_371 = tpu.vector_load %arg11[%get3A_369, %get3A_370] {strides = array<i32>} : memref<80x128xf32, #tpu.memory_space<vmem>>, vector<1x16xf32>,
        %get3A_372 = vector.shape_cast %get3A_371 : vector<1x16xf32> to vector<16xf32>
        %get3A_373 = arith.index_cast %scan3A_253 : i32 to index
        %get3A_374 = arith.constant 112 : index
        %get3A_375 = tpu.vector_load %arg12[%get3A_373, %get3A_374] {strides = array<i32>} : memref<80x128xf32, #tpu.memory_space<vmem>>, vector<1x16xf32>,
        %get3A_376 = vector.shape_cast %get3A_375 : vector<1x16xf32> to vector<16xf32>
        %add3A_377 = arith.addf %get3A_372, %get3A_376 : vector<16xf32>
        %mul3A_378 = vector.broadcast %squeeze3A : f32 to vector<16xf32>
        %mul3A_379 = arith.mulf %add3A_377, %mul3A_378 : vector<16xf32>
        %swap3A_380 = arith.index_cast %scan3A_253 : i32 to index
        %swap3A_381 = arith.constant 112 : index
        %swap3A_382 = tpu.vector_load %arg11[%swap3A_380, %swap3A_381] {strides = array<i32>} : memref<80x128xf32, #tpu.memory_space<vmem>>, vector<1x16xf32>,
        %swap3A_383 = vector.shape_cast %swap3A_382 : vector<1x16xf32> to vector<16xf32>
        %swap3A_384 = vector.shape_cast %mul3A_379 : vector<16xf32> to vector<1x16xf32>
        tpu.vector_store %arg11[%swap3A_380, %swap3A_381], %swap3A_384 {strides = array<i32>} : memref<80x128xf32, #tpu.memory_space<vmem>>, vector<1x16xf32>,
        %scan3A_385 = arith.constant 0 : i32
        scf.yield %scan3A_385 : i32
      }
      %scan3A_252 = arith.constant 80 : i32
      "tpu.region"() ({
        %run_scoped3A = tpu.sem_alloc : memref<!tpu.dma_semaphore, #tpu.memory_space<semaphore_mem>>
        %dma_start3A_253 = arith.constant 0 : i32
        %dma_start3A_254 = tpu.memref_slice %arg4[%add3A_189, %dma_start3A_253] : memref<10000x128xf32, #tpu.memory_space<hbm>> -> memref<80x128xf32, #tpu.memory_space<hbm>>
        %dma_start3A_255 = arith.constant 0 : i32
        %dma_start3A_256 = tpu.memref_slice %arg4[%add3A_189, %dma_start3A_255] : memref<10000x128xf32, #tpu.memory_space<hbm>> -> memref<80x128xf32, #tpu.memory_space<hbm>>
        tpu.enqueue_dma source(%arg11 : memref<80x128xf32, #tpu.memory_space<vmem>>) target(%dma_start3A_256 : memref<80x128xf32, #tpu.memory_space<hbm>>) target_semaphore(%run_scoped3A : memref<!tpu.dma_semaphore, #tpu.memory_space<semaphore_mem>>)
        %dma_wait3A_257 = arith.constant 0 : i32
        %dma_wait3A_258 = tpu.memref_slice %arg4[%add3A_189, %dma_wait3A_257] : memref<10000x128xf32, #tpu.memory_space<hbm>> -> memref<80x128xf32, #tpu.memory_space<hbm>>
        %dma_wait3A_259 = arith.constant 0 : i32
        %dma_wait3A_260 = tpu.memref_slice %arg4[%add3A_189, %dma_wait3A_259] : memref<10000x128xf32, #tpu.memory_space<hbm>> -> memref<80x128xf32, #tpu.memory_space<hbm>>
        tpu.wait_dma2 semaphore(%run_scoped3A : memref<!tpu.dma_semaphore, #tpu.memory_space<semaphore_mem>>) src(%arg11 : memref<80x128xf32, #tpu.memory_space<vmem>>) dst(%dma_wait3A_260 : memref<80x128xf32, #tpu.memory_space<hbm>>)
        tpu.yield
      }) : () -> ()
    } else {
    }
    %add3A_195 = arith.constant 80 : i32
    %add3A_196 = arith.addi %mul3A_178, %add3A_195 : i32
    %lt3A_197 = arith.constant 10000 : i32
    %lt3A_198 = arith.cmpi slt, %add3A_196, %lt3A_197 : i32
    %convert_element_type3A_199 = arith.extui %lt3A_198 : i1 to i32
    %cond3A_200 = arith.constant 0 : i32
    %cond3A_201 = arith.cmpi ne, %convert_element_type3A_199, %cond3A_200 : i32
    scf.if %cond3A_201 {
      %add3A_216 = arith.constant 80 : i32
      %add3A_217 = arith.addi %mul3A_178, %add3A_216 : i32
      %dma_wait3A_218 = arith.constant 0 : i32
      %dma_wait3A_219 = tpu.memref_slice %arg8[%add3A_217, %dma_wait3A_218] : memref<10240x128xf32, #tpu.memory_space<vmem_shared>> -> memref<80x128xf32, #tpu.memory_space<vmem_shared>>
      %dma_wait3A_220 = arith.constant 0 : i32
      %dma_wait3A_221 = tpu.memref_slice %arg8[%add3A_217, %dma_wait3A_220] : memref<10240x128xf32, #tpu.memory_space<vmem_shared>> -> memref<80x128xf32, #tpu.memory_space<vmem_shared>>
      tpu.wait_dma2 semaphore(%arg24 : memref<!tpu.dma_semaphore, #tpu.memory_space<semaphore_mem>>) src(%dma_wait3A_221 : memref<80x128xf32, #tpu.memory_space<vmem_shared>>) dst(%arg13 : memref<80x128xf32, #tpu.memory_space<vmem>>)
      %dma_wait3A_222 = arith.constant 0 : i32
      %dma_wait3A_223 = tpu.memref_slice %arg5[%sub3A_180, %add3A_217, %dma_wait3A_222] : memref<2x10240x128xf32, #tpu.memory_space<hbm>> -> memref<1x80x128xf32, #tpu.memory_space<hbm>>
      %dma_wait3A_224 = tpu.memref_squeeze %dma_wait3A_223 : memref<1x80x128xf32, #tpu.memory_space<hbm>> -> memref<80x128xf32, #tpu.memory_space<hbm>>
      %dma_wait3A_225 = arith.constant 0 : i32
      %dma_wait3A_226 = tpu.memref_slice %arg5[%sub3A_180, %add3A_217, %dma_wait3A_225] : memref<2x10240x128xf32, #tpu.memory_space<hbm>> -> memref<1x80x128xf32, #tpu.memory_space<hbm>>
      %dma_wait3A_227 = tpu.memref_squeeze %dma_wait3A_226 : memref<1x80x128xf32, #tpu.memory_space<hbm>> -> memref<80x128xf32, #tpu.memory_space<hbm>>
      tpu.wait_dma2 semaphore(%arg22 : memref<!tpu.dma_semaphore, #tpu.memory_space<semaphore_mem>>) src(%dma_wait3A_227 : memref<80x128xf32, #tpu.memory_space<hbm>>) dst(%arg14 : memref<80x128xf32, #tpu.memory_space<vmem>>)
      %add3A_228 = arith.constant 160 : i32
      %add3A_229 = arith.addi %mul3A_178, %add3A_228 : i32
      %lt3A_230 = arith.constant 10000 : i32
      %lt3A_231 = arith.cmpi slt, %add3A_229, %lt3A_230 : i32
      %convert_element_type3A_232 = arith.extui %lt3A_231 : i1 to i32
      %cond3A_233 = arith.constant 0 : i32
      %cond3A_234 = arith.cmpi ne, %convert_element_type3A_232, %cond3A_233 : i32
      scf.if %cond3A_234 {
        %add3A_253 = arith.constant 160 : i32
        %add3A_254 = arith.addi %mul3A_178, %add3A_253 : i32
        %dma_start3A_255 = arith.constant 0 : i32
        %dma_start3A_256 = tpu.memref_slice %arg8[%add3A_254, %dma_start3A_255] : memref<10240x128xf32, #tpu.memory_space<vmem_shared>> -> memref<80x128xf32, #tpu.memory_space<vmem_shared>>
        %dma_start3A_257 = arith.constant 0 : i32
        %dma_start3A_258 = tpu.memref_slice %arg8[%add3A_254, %dma_start3A_257] : memref<10240x128xf32, #tpu.memory_space<vmem_shared>> -> memref<80x128xf32, #tpu.memory_space<vmem_shared>>
        tpu.enqueue_dma source(%dma_start3A_258 : memref<80x128xf32, #tpu.memory_space<vmem_shared>>) target(%arg11 : memref<80x128xf32, #tpu.memory_space<vmem>>) target_semaphore(%arg23 : memref<!tpu.dma_semaphore, #tpu.memory_space<semaphore_mem>>)
        %dma_start3A_259 = arith.constant 0 : i32
        %dma_start3A_260 = tpu.memref_slice %arg5[%sub3A_180, %add3A_254, %dma_start3A_259] : memref<2x10240x128xf32, #tpu.memory_space<hbm>> -> memref<1x80x128xf32, #tpu.memory_space<hbm>>
        %dma_start3A_261 = tpu.memref_squeeze %dma_start3A_260 : memref<1x80x128xf32, #tpu.memory_space<hbm>> -> memref<80x128xf32, #tpu.memory_space<hbm>>
        %dma_start3A_262 = arith.constant 0 : i32
        %dma_start3A_263 = tpu.memref_slice %arg5[%sub3A_180, %add3A_254, %dma_start3A_262] : memref<2x10240x128xf32, #tpu.memory_space<hbm>> -> memref<1x80x128xf32, #tpu.memory_space<hbm>>
        %dma_start3A_264 = tpu.memref_squeeze %dma_start3A_263 : memref<1x80x128xf32, #tpu.memory_space<hbm>> -> memref<80x128xf32, #tpu.memory_space<hbm>>
        tpu.enqueue_dma source(%dma_start3A_264 : memref<80x128xf32, #tpu.memory_space<hbm>>) target(%arg12 : memref<80x128xf32, #tpu.memory_space<vmem>>) target_semaphore(%arg21 : memref<!tpu.dma_semaphore, #tpu.memory_space<semaphore_mem>>)
      } else {
      }
      %scan3A_235 = arith.constant 0 : i32
      %scan3A_236 = arith.constant 0 : i32
      %scan3A_237 = arith.constant 5 : i32
      %scan3A_238 = arith.addi %scan3A_236, %scan3A_237 : i32
      %scan3A_239 = arith.constant 1 : i32
      %scan3A_240 = scf.for %scan3A_253 = %scan3A_236 to %scan3A_238 step %scan3A_239 iter_args(%scan3A_254 = %scan3A_235) -> (i32)  : i32 {
        %mul3A_255 = arith.constant 16 : i32
        %mul3A_256 = arith.muli %scan3A_253, %mul3A_255 : i32
        %add3A_257 = arith.constant 80 : i32
        %add3A_258 = arith.addi %add3A_257, %mul3A_256 : i32
        %get3A = arith.index_cast %add3A_258 : i32 to index
        %get3A_259 = tpu.vector_load %arg17[%get3A] {strides = array<i32>} : memref<320xf32, #tpu.memory_space<vmem>>, vector<16xf32>,
        %get3A_260 = vector.shape_cast %get3A_259 : vector<16xf32> to vector<16xf32>
        %get3A_261 = arith.index_cast %add3A_258 : i32 to index
        %get3A_262 = tpu.vector_load %arg18[%get3A_261] {strides = array<i32>} : memref<320xf32, #tpu.memory_space<vmem>>, vector<16xf32>,
        %get3A_263 = vector.shape_cast %get3A_262 : vector<16xf32> to vector<16xf32>
        %add3A_264 = arith.addf %get3A_260, %get3A_263 : vector<16xf32>
        %max3A = arith.constant 1.000000e+00 : f32
        %max3A_265 = vector.broadcast %max3A : f32 to vector<16xf32>
        %max3A_266 = arith.maximumf %add3A_264, %max3A_265 : vector<16xf32>
        %div3A = arith.constant 1.000000e+00 : f32
        %div3A_267 = vector.broadcast %div3A : f32 to vector<16xf32>
        %div3A_268 = arith.divf %div3A_267, %max3A_266 : vector<16xf32>
        %mul3A_269 = arith.constant 16 : i32
        %mul3A_270 = arith.muli %scan3A_253, %mul3A_269 : i32
        %swap3A_271 = arith.index_cast %mul3A_270 : i32 to index
        %swap3A_272 = tpu.vector_load %arg19[%swap3A_271] {strides = array<i32>} : memref<96xf32, #tpu.memory_space<vmem>>, vector<16xf32>,
        %swap3A_273 = vector.shape_cast %swap3A_272 : vector<16xf32> to vector<16xf32>
        %swap3A_274 = vector.shape_cast %div3A_268 : vector<16xf32> to vector<16xf32>
        tpu.vector_store %arg19[%swap3A_271], %swap3A_274 {strides = array<i32>} : memref<96xf32, #tpu.memory_space<vmem>>, vector<16xf32>,
        %scan3A_275 = arith.constant 0 : i32
        scf.yield %scan3A_275 : i32
      }
      %scan3A_241 = arith.constant 5 : i32
      %broadcast_in_dim3A = arith.constant 1.000000e+00 : f32
      %broadcast_in_dim3A_242 = vector.broadcast %broadcast_in_dim3A : f32 to vector<16xf32>
      %swap3A = arith.constant 80 : index
      %swap3A_243 = tpu.vector_load %arg19[%swap3A] {strides = array<i32>} : memref<96xf32, #tpu.memory_space<vmem>>, vector<16xf32>,
      %swap3A_244 = vector.shape_cast %swap3A_243 : vector<16xf32> to vector<16xf32>
      %swap3A_245 = vector.shape_cast %broadcast_in_dim3A_242 : vector<16xf32> to vector<16xf32>
      tpu.vector_store %arg19[%swap3A], %swap3A_245 {strides = array<i32>} : memref<96xf32, #tpu.memory_space<vmem>>, vector<16xf32>,
      %scan3A_246 = arith.constant 0 : i32
      %scan3A_247 = arith.constant 0 : i32
      %scan3A_248 = arith.constant 80 : i32
      %scan3A_249 = arith.addi %scan3A_247, %scan3A_248 : i32
      %scan3A_250 = arith.constant 1 : i32
      %scan3A_251 = scf.for %scan3A_253 = %scan3A_247 to %scan3A_249 step %scan3A_250 iter_args(%scan3A_254 = %scan3A_246) -> (i32)  : i32 {
        %get3A = arith.index_cast %scan3A_253 : i32 to index
        %get3A_255 = tpu.vector_load %arg19[%get3A] {strides = array<i32>} : memref<96xf32, #tpu.memory_space<vmem>>, vector<16xf32>,
        %get3A_256 = vector.shape_cast %get3A_255 : vector<16xf32> to vector<16xf32>
        %slice3A = vector.extract_strided_slice %get3A_256 {offsets = [0], sizes = [1], strides = [1]} : vector<16xf32> to vector<1xf32>
        %squeeze3A = vector.extract %slice3A[0] : f32 from vector<1xf32>
        %get3A_257 = arith.index_cast %scan3A_253 : i32 to index
        %get3A_258 = arith.constant 0 : index
        %get3A_259 = tpu.vector_load %arg13[%get3A_257, %get3A_258] {strides = array<i32>} : memref<80x128xf32, #tpu.memory_space<vmem>>, vector<1x16xf32>,
        %get3A_260 = vector.shape_cast %get3A_259 : vector<1x16xf32> to vector<16xf32>
        %get3A_261 = arith.index_cast %scan3A_253 : i32 to index
        %get3A_262 = arith.constant 0 : index
        %get3A_263 = tpu.vector_load %arg14[%get3A_261, %get3A_262] {strides = array<i32>} : memref<80x128xf32, #tpu.memory_space<vmem>>, vector<1x16xf32>,
        %get3A_264 = vector.shape_cast %get3A_263 : vector<1x16xf32> to vector<16xf32>
        %add3A_265 = arith.addf %get3A_260, %get3A_264 : vector<16xf32>
        %mul3A_266 = vector.broadcast %squeeze3A : f32 to vector<16xf32>
        %mul3A_267 = arith.mulf %add3A_265, %mul3A_266 : vector<16xf32>
        %swap3A_268 = arith.index_cast %scan3A_253 : i32 to index
        %swap3A_269 = arith.constant 0 : index
        %swap3A_270 = tpu.vector_load %arg13[%swap3A_268, %swap3A_269] {strides = array<i32>} : memref<80x128xf32, #tpu.memory_space<vmem>>, vector<1x16xf32>,
        %swap3A_271 = vector.shape_cast %swap3A_270 : vector<1x16xf32> to vector<16xf32>
        %swap3A_272 = vector.shape_cast %mul3A_267 : vector<16xf32> to vector<1x16xf32>
        tpu.vector_store %arg13[%swap3A_268, %swap3A_269], %swap3A_272 {strides = array<i32>} : memref<80x128xf32, #tpu.memory_space<vmem>>, vector<1x16xf32>,
        %get3A_273 = arith.index_cast %scan3A_253 : i32 to index
        %get3A_274 = arith.constant 16 : index
        %get3A_275 = tpu.vector_load %arg13[%get3A_273, %get3A_274] {strides = array<i32>} : memref<80x128xf32, #tpu.memory_space<vmem>>, vector<1x16xf32>,
        %get3A_276 = vector.shape_cast %get3A_275 : vector<1x16xf32> to vector<16xf32>
        %get3A_277 = arith.index_cast %scan3A_253 : i32 to index
        %get3A_278 = arith.constant 16 : index
        %get3A_279 = tpu.vector_load %arg14[%get3A_277, %get3A_278] {strides = array<i32>} : memref<80x128xf32, #tpu.memory_space<vmem>>, vector<1x16xf32>,
        %get3A_280 = vector.shape_cast %get3A_279 : vector<1x16xf32> to vector<16xf32>
        %add3A_281 = arith.addf %get3A_276, %get3A_280 : vector<16xf32>
        %mul3A_282 = vector.broadcast %squeeze3A : f32 to vector<16xf32>
        %mul3A_283 = arith.mulf %add3A_281, %mul3A_282 : vector<16xf32>
        %swap3A_284 = arith.index_cast %scan3A_253 : i32 to index
        %swap3A_285 = arith.constant 16 : index
        %swap3A_286 = tpu.vector_load %arg13[%swap3A_284, %swap3A_285] {strides = array<i32>} : memref<80x128xf32, #tpu.memory_space<vmem>>, vector<1x16xf32>,
        %swap3A_287 = vector.shape_cast %swap3A_286 : vector<1x16xf32> to vector<16xf32>
        %swap3A_288 = vector.shape_cast %mul3A_283 : vector<16xf32> to vector<1x16xf32>
        tpu.vector_store %arg13[%swap3A_284, %swap3A_285], %swap3A_288 {strides = array<i32>} : memref<80x128xf32, #tpu.memory_space<vmem>>, vector<1x16xf32>,
        %get3A_289 = arith.index_cast %scan3A_253 : i32 to index
        %get3A_290 = arith.constant 32 : index
        %get3A_291 = tpu.vector_load %arg13[%get3A_289, %get3A_290] {strides = array<i32>} : memref<80x128xf32, #tpu.memory_space<vmem>>, vector<1x16xf32>,
        %get3A_292 = vector.shape_cast %get3A_291 : vector<1x16xf32> to vector<16xf32>
        %get3A_293 = arith.index_cast %scan3A_253 : i32 to index
        %get3A_294 = arith.constant 32 : index
        %get3A_295 = tpu.vector_load %arg14[%get3A_293, %get3A_294] {strides = array<i32>} : memref<80x128xf32, #tpu.memory_space<vmem>>, vector<1x16xf32>,
        %get3A_296 = vector.shape_cast %get3A_295 : vector<1x16xf32> to vector<16xf32>
        %add3A_297 = arith.addf %get3A_292, %get3A_296 : vector<16xf32>
        %mul3A_298 = vector.broadcast %squeeze3A : f32 to vector<16xf32>
        %mul3A_299 = arith.mulf %add3A_297, %mul3A_298 : vector<16xf32>
        %swap3A_300 = arith.index_cast %scan3A_253 : i32 to index
        %swap3A_301 = arith.constant 32 : index
        %swap3A_302 = tpu.vector_load %arg13[%swap3A_300, %swap3A_301] {strides = array<i32>} : memref<80x128xf32, #tpu.memory_space<vmem>>, vector<1x16xf32>,
        %swap3A_303 = vector.shape_cast %swap3A_302 : vector<1x16xf32> to vector<16xf32>
        %swap3A_304 = vector.shape_cast %mul3A_299 : vector<16xf32> to vector<1x16xf32>
        tpu.vector_store %arg13[%swap3A_300, %swap3A_301], %swap3A_304 {strides = array<i32>} : memref<80x128xf32, #tpu.memory_space<vmem>>, vector<1x16xf32>,
        %get3A_305 = arith.index_cast %scan3A_253 : i32 to index
        %get3A_306 = arith.constant 48 : index
        %get3A_307 = tpu.vector_load %arg13[%get3A_305, %get3A_306] {strides = array<i32>} : memref<80x128xf32, #tpu.memory_space<vmem>>, vector<1x16xf32>,
        %get3A_308 = vector.shape_cast %get3A_307 : vector<1x16xf32> to vector<16xf32>
        %get3A_309 = arith.index_cast %scan3A_253 : i32 to index
        %get3A_310 = arith.constant 48 : index
        %get3A_311 = tpu.vector_load %arg14[%get3A_309, %get3A_310] {strides = array<i32>} : memref<80x128xf32, #tpu.memory_space<vmem>>, vector<1x16xf32>,
        %get3A_312 = vector.shape_cast %get3A_311 : vector<1x16xf32> to vector<16xf32>
        %add3A_313 = arith.addf %get3A_308, %get3A_312 : vector<16xf32>
        %mul3A_314 = vector.broadcast %squeeze3A : f32 to vector<16xf32>
        %mul3A_315 = arith.mulf %add3A_313, %mul3A_314 : vector<16xf32>
        %swap3A_316 = arith.index_cast %scan3A_253 : i32 to index
        %swap3A_317 = arith.constant 48 : index
        %swap3A_318 = tpu.vector_load %arg13[%swap3A_316, %swap3A_317] {strides = array<i32>} : memref<80x128xf32, #tpu.memory_space<vmem>>, vector<1x16xf32>,
        %swap3A_319 = vector.shape_cast %swap3A_318 : vector<1x16xf32> to vector<16xf32>
        %swap3A_320 = vector.shape_cast %mul3A_315 : vector<16xf32> to vector<1x16xf32>
        tpu.vector_store %arg13[%swap3A_316, %swap3A_317], %swap3A_320 {strides = array<i32>} : memref<80x128xf32, #tpu.memory_space<vmem>>, vector<1x16xf32>,
        %get3A_321 = arith.index_cast %scan3A_253 : i32 to index
        %get3A_322 = arith.constant 64 : index
        %get3A_323 = tpu.vector_load %arg13[%get3A_321, %get3A_322] {strides = array<i32>} : memref<80x128xf32, #tpu.memory_space<vmem>>, vector<1x16xf32>,
        %get3A_324 = vector.shape_cast %get3A_323 : vector<1x16xf32> to vector<16xf32>
        %get3A_325 = arith.index_cast %scan3A_253 : i32 to index
        %get3A_326 = arith.constant 64 : index
        %get3A_327 = tpu.vector_load %arg14[%get3A_325, %get3A_326] {strides = array<i32>} : memref<80x128xf32, #tpu.memory_space<vmem>>, vector<1x16xf32>,
        %get3A_328 = vector.shape_cast %get3A_327 : vector<1x16xf32> to vector<16xf32>
        %add3A_329 = arith.addf %get3A_324, %get3A_328 : vector<16xf32>
        %mul3A_330 = vector.broadcast %squeeze3A : f32 to vector<16xf32>
        %mul3A_331 = arith.mulf %add3A_329, %mul3A_330 : vector<16xf32>
        %swap3A_332 = arith.index_cast %scan3A_253 : i32 to index
        %swap3A_333 = arith.constant 64 : index
        %swap3A_334 = tpu.vector_load %arg13[%swap3A_332, %swap3A_333] {strides = array<i32>} : memref<80x128xf32, #tpu.memory_space<vmem>>, vector<1x16xf32>,
        %swap3A_335 = vector.shape_cast %swap3A_334 : vector<1x16xf32> to vector<16xf32>
        %swap3A_336 = vector.shape_cast %mul3A_331 : vector<16xf32> to vector<1x16xf32>
        tpu.vector_store %arg13[%swap3A_332, %swap3A_333], %swap3A_336 {strides = array<i32>} : memref<80x128xf32, #tpu.memory_space<vmem>>, vector<1x16xf32>,
        %get3A_337 = arith.index_cast %scan3A_253 : i32 to index
        %get3A_338 = arith.constant 80 : index
        %get3A_339 = tpu.vector_load %arg13[%get3A_337, %get3A_338] {strides = array<i32>} : memref<80x128xf32, #tpu.memory_space<vmem>>, vector<1x16xf32>,
        %get3A_340 = vector.shape_cast %get3A_339 : vector<1x16xf32> to vector<16xf32>
        %get3A_341 = arith.index_cast %scan3A_253 : i32 to index
        %get3A_342 = arith.constant 80 : index
        %get3A_343 = tpu.vector_load %arg14[%get3A_341, %get3A_342] {strides = array<i32>} : memref<80x128xf32, #tpu.memory_space<vmem>>, vector<1x16xf32>,
        %get3A_344 = vector.shape_cast %get3A_343 : vector<1x16xf32> to vector<16xf32>
        %add3A_345 = arith.addf %get3A_340, %get3A_344 : vector<16xf32>
        %mul3A_346 = vector.broadcast %squeeze3A : f32 to vector<16xf32>
        %mul3A_347 = arith.mulf %add3A_345, %mul3A_346 : vector<16xf32>
        %swap3A_348 = arith.index_cast %scan3A_253 : i32 to index
        %swap3A_349 = arith.constant 80 : index
        %swap3A_350 = tpu.vector_load %arg13[%swap3A_348, %swap3A_349] {strides = array<i32>} : memref<80x128xf32, #tpu.memory_space<vmem>>, vector<1x16xf32>,
        %swap3A_351 = vector.shape_cast %swap3A_350 : vector<1x16xf32> to vector<16xf32>
        %swap3A_352 = vector.shape_cast %mul3A_347 : vector<16xf32> to vector<1x16xf32>
        tpu.vector_store %arg13[%swap3A_348, %swap3A_349], %swap3A_352 {strides = array<i32>} : memref<80x128xf32, #tpu.memory_space<vmem>>, vector<1x16xf32>,
        %get3A_353 = arith.index_cast %scan3A_253 : i32 to index
        %get3A_354 = arith.constant 96 : index
        %get3A_355 = tpu.vector_load %arg13[%get3A_353, %get3A_354] {strides = array<i32>} : memref<80x128xf32, #tpu.memory_space<vmem>>, vector<1x16xf32>,
        %get3A_356 = vector.shape_cast %get3A_355 : vector<1x16xf32> to vector<16xf32>
        %get3A_357 = arith.index_cast %scan3A_253 : i32 to index
        %get3A_358 = arith.constant 96 : index
        %get3A_359 = tpu.vector_load %arg14[%get3A_357, %get3A_358] {strides = array<i32>} : memref<80x128xf32, #tpu.memory_space<vmem>>, vector<1x16xf32>,
        %get3A_360 = vector.shape_cast %get3A_359 : vector<1x16xf32> to vector<16xf32>
        %add3A_361 = arith.addf %get3A_356, %get3A_360 : vector<16xf32>
        %mul3A_362 = vector.broadcast %squeeze3A : f32 to vector<16xf32>
        %mul3A_363 = arith.mulf %add3A_361, %mul3A_362 : vector<16xf32>
        %swap3A_364 = arith.index_cast %scan3A_253 : i32 to index
        %swap3A_365 = arith.constant 96 : index
        %swap3A_366 = tpu.vector_load %arg13[%swap3A_364, %swap3A_365] {strides = array<i32>} : memref<80x128xf32, #tpu.memory_space<vmem>>, vector<1x16xf32>,
        %swap3A_367 = vector.shape_cast %swap3A_366 : vector<1x16xf32> to vector<16xf32>
        %swap3A_368 = vector.shape_cast %mul3A_363 : vector<16xf32> to vector<1x16xf32>
        tpu.vector_store %arg13[%swap3A_364, %swap3A_365], %swap3A_368 {strides = array<i32>} : memref<80x128xf32, #tpu.memory_space<vmem>>, vector<1x16xf32>,
        %get3A_369 = arith.index_cast %scan3A_253 : i32 to index
        %get3A_370 = arith.constant 112 : index
        %get3A_371 = tpu.vector_load %arg13[%get3A_369, %get3A_370] {strides = array<i32>} : memref<80x128xf32, #tpu.memory_space<vmem>>, vector<1x16xf32>,
        %get3A_372 = vector.shape_cast %get3A_371 : vector<1x16xf32> to vector<16xf32>
        %get3A_373 = arith.index_cast %scan3A_253 : i32 to index
        %get3A_374 = arith.constant 112 : index
        %get3A_375 = tpu.vector_load %arg14[%get3A_373, %get3A_374] {strides = array<i32>} : memref<80x128xf32, #tpu.memory_space<vmem>>, vector<1x16xf32>,
        %get3A_376 = vector.shape_cast %get3A_375 : vector<1x16xf32> to vector<16xf32>
        %add3A_377 = arith.addf %get3A_372, %get3A_376 : vector<16xf32>
        %mul3A_378 = vector.broadcast %squeeze3A : f32 to vector<16xf32>
        %mul3A_379 = arith.mulf %add3A_377, %mul3A_378 : vector<16xf32>
        %swap3A_380 = arith.index_cast %scan3A_253 : i32 to index
        %swap3A_381 = arith.constant 112 : index
        %swap3A_382 = tpu.vector_load %arg13[%swap3A_380, %swap3A_381] {strides = array<i32>} : memref<80x128xf32, #tpu.memory_space<vmem>>, vector<1x16xf32>,
        %swap3A_383 = vector.shape_cast %swap3A_382 : vector<1x16xf32> to vector<16xf32>
        %swap3A_384 = vector.shape_cast %mul3A_379 : vector<16xf32> to vector<1x16xf32>
        tpu.vector_store %arg13[%swap3A_380, %swap3A_381], %swap3A_384 {strides = array<i32>} : memref<80x128xf32, #tpu.memory_space<vmem>>, vector<1x16xf32>,
        %scan3A_385 = arith.constant 0 : i32
        scf.yield %scan3A_385 : i32
      }
      %scan3A_252 = arith.constant 80 : i32
      "tpu.region"() ({
        %run_scoped3A = tpu.sem_alloc : memref<!tpu.dma_semaphore, #tpu.memory_space<semaphore_mem>>
        %dma_start3A_253 = arith.constant 0 : i32
        %dma_start3A_254 = tpu.memref_slice %arg4[%add3A_196, %dma_start3A_253] : memref<10000x128xf32, #tpu.memory_space<hbm>> -> memref<80x128xf32, #tpu.memory_space<hbm>>
        %dma_start3A_255 = arith.constant 0 : i32
        %dma_start3A_256 = tpu.memref_slice %arg4[%add3A_196, %dma_start3A_255] : memref<10000x128xf32, #tpu.memory_space<hbm>> -> memref<80x128xf32, #tpu.memory_space<hbm>>
        tpu.enqueue_dma source(%arg13 : memref<80x128xf32, #tpu.memory_space<vmem>>) target(%dma_start3A_256 : memref<80x128xf32, #tpu.memory_space<hbm>>) target_semaphore(%run_scoped3A : memref<!tpu.dma_semaphore, #tpu.memory_space<semaphore_mem>>)
        %dma_wait3A_257 = arith.constant 0 : i32
        %dma_wait3A_258 = tpu.memref_slice %arg4[%add3A_196, %dma_wait3A_257] : memref<10000x128xf32, #tpu.memory_space<hbm>> -> memref<80x128xf32, #tpu.memory_space<hbm>>
        %dma_wait3A_259 = arith.constant 0 : i32
        %dma_wait3A_260 = tpu.memref_slice %arg4[%add3A_196, %dma_wait3A_259] : memref<10000x128xf32, #tpu.memory_space<hbm>> -> memref<80x128xf32, #tpu.memory_space<hbm>>
        tpu.wait_dma2 semaphore(%run_scoped3A : memref<!tpu.dma_semaphore, #tpu.memory_space<semaphore_mem>>) src(%arg13 : memref<80x128xf32, #tpu.memory_space<vmem>>) dst(%dma_wait3A_260 : memref<80x128xf32, #tpu.memory_space<hbm>>)
        tpu.yield
      }) : () -> ()
    } else {
    }
    %add3A_202 = arith.constant 160 : i32
    %add3A_203 = arith.addi %mul3A_178, %add3A_202 : i32
    %lt3A_204 = arith.constant 10000 : i32
    %lt3A_205 = arith.cmpi slt, %add3A_203, %lt3A_204 : i32
    %convert_element_type3A_206 = arith.extui %lt3A_205 : i1 to i32
    %cond3A_207 = arith.constant 0 : i32
    %cond3A_208 = arith.cmpi ne, %convert_element_type3A_206, %cond3A_207 : i32
    scf.if %cond3A_208 {
      %add3A_216 = arith.constant 160 : i32
      %add3A_217 = arith.addi %mul3A_178, %add3A_216 : i32
      %dma_wait3A_218 = arith.constant 0 : i32
      %dma_wait3A_219 = tpu.memref_slice %arg8[%add3A_217, %dma_wait3A_218] : memref<10240x128xf32, #tpu.memory_space<vmem_shared>> -> memref<80x128xf32, #tpu.memory_space<vmem_shared>>
      %dma_wait3A_220 = arith.constant 0 : i32
      %dma_wait3A_221 = tpu.memref_slice %arg8[%add3A_217, %dma_wait3A_220] : memref<10240x128xf32, #tpu.memory_space<vmem_shared>> -> memref<80x128xf32, #tpu.memory_space<vmem_shared>>
      tpu.wait_dma2 semaphore(%arg23 : memref<!tpu.dma_semaphore, #tpu.memory_space<semaphore_mem>>) src(%dma_wait3A_221 : memref<80x128xf32, #tpu.memory_space<vmem_shared>>) dst(%arg11 : memref<80x128xf32, #tpu.memory_space<vmem>>)
      %dma_wait3A_222 = arith.constant 0 : i32
      %dma_wait3A_223 = tpu.memref_slice %arg5[%sub3A_180, %add3A_217, %dma_wait3A_222] : memref<2x10240x128xf32, #tpu.memory_space<hbm>> -> memref<1x80x128xf32, #tpu.memory_space<hbm>>
      %dma_wait3A_224 = tpu.memref_squeeze %dma_wait3A_223 : memref<1x80x128xf32, #tpu.memory_space<hbm>> -> memref<80x128xf32, #tpu.memory_space<hbm>>
      %dma_wait3A_225 = arith.constant 0 : i32
      %dma_wait3A_226 = tpu.memref_slice %arg5[%sub3A_180, %add3A_217, %dma_wait3A_225] : memref<2x10240x128xf32, #tpu.memory_space<hbm>> -> memref<1x80x128xf32, #tpu.memory_space<hbm>>
      %dma_wait3A_227 = tpu.memref_squeeze %dma_wait3A_226 : memref<1x80x128xf32, #tpu.memory_space<hbm>> -> memref<80x128xf32, #tpu.memory_space<hbm>>
      tpu.wait_dma2 semaphore(%arg21 : memref<!tpu.dma_semaphore, #tpu.memory_space<semaphore_mem>>) src(%dma_wait3A_227 : memref<80x128xf32, #tpu.memory_space<hbm>>) dst(%arg12 : memref<80x128xf32, #tpu.memory_space<vmem>>)
      %add3A_228 = arith.constant 240 : i32
      %add3A_229 = arith.addi %mul3A_178, %add3A_228 : i32
      %lt3A_230 = arith.constant 10000 : i32
      %lt3A_231 = arith.cmpi slt, %add3A_229, %lt3A_230 : i32
      %convert_element_type3A_232 = arith.extui %lt3A_231 : i1 to i32
      %cond3A_233 = arith.constant 0 : i32
      %cond3A_234 = arith.cmpi ne, %convert_element_type3A_232, %cond3A_233 : i32
      scf.if %cond3A_234 {
        %add3A_253 = arith.constant 240 : i32
        %add3A_254 = arith.addi %mul3A_178, %add3A_253 : i32
        %dma_start3A_255 = arith.constant 0 : i32
        %dma_start3A_256 = tpu.memref_slice %arg8[%add3A_254, %dma_start3A_255] : memref<10240x128xf32, #tpu.memory_space<vmem_shared>> -> memref<80x128xf32, #tpu.memory_space<vmem_shared>>
        %dma_start3A_257 = arith.constant 0 : i32
        %dma_start3A_258 = tpu.memref_slice %arg8[%add3A_254, %dma_start3A_257] : memref<10240x128xf32, #tpu.memory_space<vmem_shared>> -> memref<80x128xf32, #tpu.memory_space<vmem_shared>>
        tpu.enqueue_dma source(%dma_start3A_258 : memref<80x128xf32, #tpu.memory_space<vmem_shared>>) target(%arg13 : memref<80x128xf32, #tpu.memory_space<vmem>>) target_semaphore(%arg24 : memref<!tpu.dma_semaphore, #tpu.memory_space<semaphore_mem>>)
        %dma_start3A_259 = arith.constant 0 : i32
        %dma_start3A_260 = tpu.memref_slice %arg5[%sub3A_180, %add3A_254, %dma_start3A_259] : memref<2x10240x128xf32, #tpu.memory_space<hbm>> -> memref<1x80x128xf32, #tpu.memory_space<hbm>>
        %dma_start3A_261 = tpu.memref_squeeze %dma_start3A_260 : memref<1x80x128xf32, #tpu.memory_space<hbm>> -> memref<80x128xf32, #tpu.memory_space<hbm>>
        %dma_start3A_262 = arith.constant 0 : i32
        %dma_start3A_263 = tpu.memref_slice %arg5[%sub3A_180, %add3A_254, %dma_start3A_262] : memref<2x10240x128xf32, #tpu.memory_space<hbm>> -> memref<1x80x128xf32, #tpu.memory_space<hbm>>
        %dma_start3A_264 = tpu.memref_squeeze %dma_start3A_263 : memref<1x80x128xf32, #tpu.memory_space<hbm>> -> memref<80x128xf32, #tpu.memory_space<hbm>>
        tpu.enqueue_dma source(%dma_start3A_264 : memref<80x128xf32, #tpu.memory_space<hbm>>) target(%arg14 : memref<80x128xf32, #tpu.memory_space<vmem>>) target_semaphore(%arg22 : memref<!tpu.dma_semaphore, #tpu.memory_space<semaphore_mem>>)
      } else {
      }
      %scan3A_235 = arith.constant 0 : i32
      %scan3A_236 = arith.constant 0 : i32
      %scan3A_237 = arith.constant 5 : i32
      %scan3A_238 = arith.addi %scan3A_236, %scan3A_237 : i32
      %scan3A_239 = arith.constant 1 : i32
      %scan3A_240 = scf.for %scan3A_253 = %scan3A_236 to %scan3A_238 step %scan3A_239 iter_args(%scan3A_254 = %scan3A_235) -> (i32)  : i32 {
        %mul3A_255 = arith.constant 16 : i32
        %mul3A_256 = arith.muli %scan3A_253, %mul3A_255 : i32
        %add3A_257 = arith.constant 160 : i32
        %add3A_258 = arith.addi %add3A_257, %mul3A_256 : i32
        %get3A = arith.index_cast %add3A_258 : i32 to index
        %get3A_259 = tpu.vector_load %arg17[%get3A] {strides = array<i32>} : memref<320xf32, #tpu.memory_space<vmem>>, vector<16xf32>,
        %get3A_260 = vector.shape_cast %get3A_259 : vector<16xf32> to vector<16xf32>
        %get3A_261 = arith.index_cast %add3A_258 : i32 to index
        %get3A_262 = tpu.vector_load %arg18[%get3A_261] {strides = array<i32>} : memref<320xf32, #tpu.memory_space<vmem>>, vector<16xf32>,
        %get3A_263 = vector.shape_cast %get3A_262 : vector<16xf32> to vector<16xf32>
        %add3A_264 = arith.addf %get3A_260, %get3A_263 : vector<16xf32>
        %max3A = arith.constant 1.000000e+00 : f32
        %max3A_265 = vector.broadcast %max3A : f32 to vector<16xf32>
        %max3A_266 = arith.maximumf %add3A_264, %max3A_265 : vector<16xf32>
        %div3A = arith.constant 1.000000e+00 : f32
        %div3A_267 = vector.broadcast %div3A : f32 to vector<16xf32>
        %div3A_268 = arith.divf %div3A_267, %max3A_266 : vector<16xf32>
        %mul3A_269 = arith.constant 16 : i32
        %mul3A_270 = arith.muli %scan3A_253, %mul3A_269 : i32
        %swap3A_271 = arith.index_cast %mul3A_270 : i32 to index
        %swap3A_272 = tpu.vector_load %arg19[%swap3A_271] {strides = array<i32>} : memref<96xf32, #tpu.memory_space<vmem>>, vector<16xf32>,
        %swap3A_273 = vector.shape_cast %swap3A_272 : vector<16xf32> to vector<16xf32>
        %swap3A_274 = vector.shape_cast %div3A_268 : vector<16xf32> to vector<16xf32>
        tpu.vector_store %arg19[%swap3A_271], %swap3A_274 {strides = array<i32>} : memref<96xf32, #tpu.memory_space<vmem>>, vector<16xf32>,
        %scan3A_275 = arith.constant 0 : i32
        scf.yield %scan3A_275 : i32
      }
      %scan3A_241 = arith.constant 5 : i32
      %broadcast_in_dim3A = arith.constant 1.000000e+00 : f32
      %broadcast_in_dim3A_242 = vector.broadcast %broadcast_in_dim3A : f32 to vector<16xf32>
      %swap3A = arith.constant 80 : index
      %swap3A_243 = tpu.vector_load %arg19[%swap3A] {strides = array<i32>} : memref<96xf32, #tpu.memory_space<vmem>>, vector<16xf32>,
      %swap3A_244 = vector.shape_cast %swap3A_243 : vector<16xf32> to vector<16xf32>
      %swap3A_245 = vector.shape_cast %broadcast_in_dim3A_242 : vector<16xf32> to vector<16xf32>
      tpu.vector_store %arg19[%swap3A], %swap3A_245 {strides = array<i32>} : memref<96xf32, #tpu.memory_space<vmem>>, vector<16xf32>,
      %scan3A_246 = arith.constant 0 : i32
      %scan3A_247 = arith.constant 0 : i32
      %scan3A_248 = arith.constant 80 : i32
      %scan3A_249 = arith.addi %scan3A_247, %scan3A_248 : i32
      %scan3A_250 = arith.constant 1 : i32
      %scan3A_251 = scf.for %scan3A_253 = %scan3A_247 to %scan3A_249 step %scan3A_250 iter_args(%scan3A_254 = %scan3A_246) -> (i32)  : i32 {
        %get3A = arith.index_cast %scan3A_253 : i32 to index
        %get3A_255 = tpu.vector_load %arg19[%get3A] {strides = array<i32>} : memref<96xf32, #tpu.memory_space<vmem>>, vector<16xf32>,
        %get3A_256 = vector.shape_cast %get3A_255 : vector<16xf32> to vector<16xf32>
        %slice3A = vector.extract_strided_slice %get3A_256 {offsets = [0], sizes = [1], strides = [1]} : vector<16xf32> to vector<1xf32>
        %squeeze3A = vector.extract %slice3A[0] : f32 from vector<1xf32>
        %get3A_257 = arith.index_cast %scan3A_253 : i32 to index
        %get3A_258 = arith.constant 0 : index
        %get3A_259 = tpu.vector_load %arg11[%get3A_257, %get3A_258] {strides = array<i32>} : memref<80x128xf32, #tpu.memory_space<vmem>>, vector<1x16xf32>,
        %get3A_260 = vector.shape_cast %get3A_259 : vector<1x16xf32> to vector<16xf32>
        %get3A_261 = arith.index_cast %scan3A_253 : i32 to index
        %get3A_262 = arith.constant 0 : index
        %get3A_263 = tpu.vector_load %arg12[%get3A_261, %get3A_262] {strides = array<i32>} : memref<80x128xf32, #tpu.memory_space<vmem>>, vector<1x16xf32>,
        %get3A_264 = vector.shape_cast %get3A_263 : vector<1x16xf32> to vector<16xf32>
        %add3A_265 = arith.addf %get3A_260, %get3A_264 : vector<16xf32>
        %mul3A_266 = vector.broadcast %squeeze3A : f32 to vector<16xf32>
        %mul3A_267 = arith.mulf %add3A_265, %mul3A_266 : vector<16xf32>
        %swap3A_268 = arith.index_cast %scan3A_253 : i32 to index
        %swap3A_269 = arith.constant 0 : index
        %swap3A_270 = tpu.vector_load %arg11[%swap3A_268, %swap3A_269] {strides = array<i32>} : memref<80x128xf32, #tpu.memory_space<vmem>>, vector<1x16xf32>,
        %swap3A_271 = vector.shape_cast %swap3A_270 : vector<1x16xf32> to vector<16xf32>
        %swap3A_272 = vector.shape_cast %mul3A_267 : vector<16xf32> to vector<1x16xf32>
        tpu.vector_store %arg11[%swap3A_268, %swap3A_269], %swap3A_272 {strides = array<i32>} : memref<80x128xf32, #tpu.memory_space<vmem>>, vector<1x16xf32>,
        %get3A_273 = arith.index_cast %scan3A_253 : i32 to index
        %get3A_274 = arith.constant 16 : index
        %get3A_275 = tpu.vector_load %arg11[%get3A_273, %get3A_274] {strides = array<i32>} : memref<80x128xf32, #tpu.memory_space<vmem>>, vector<1x16xf32>,
        %get3A_276 = vector.shape_cast %get3A_275 : vector<1x16xf32> to vector<16xf32>
        %get3A_277 = arith.index_cast %scan3A_253 : i32 to index
        %get3A_278 = arith.constant 16 : index
        %get3A_279 = tpu.vector_load %arg12[%get3A_277, %get3A_278] {strides = array<i32>} : memref<80x128xf32, #tpu.memory_space<vmem>>, vector<1x16xf32>,
        %get3A_280 = vector.shape_cast %get3A_279 : vector<1x16xf32> to vector<16xf32>
        %add3A_281 = arith.addf %get3A_276, %get3A_280 : vector<16xf32>
        %mul3A_282 = vector.broadcast %squeeze3A : f32 to vector<16xf32>
        %mul3A_283 = arith.mulf %add3A_281, %mul3A_282 : vector<16xf32>
        %swap3A_284 = arith.index_cast %scan3A_253 : i32 to index
        %swap3A_285 = arith.constant 16 : index
        %swap3A_286 = tpu.vector_load %arg11[%swap3A_284, %swap3A_285] {strides = array<i32>} : memref<80x128xf32, #tpu.memory_space<vmem>>, vector<1x16xf32>,
        %swap3A_287 = vector.shape_cast %swap3A_286 : vector<1x16xf32> to vector<16xf32>
        %swap3A_288 = vector.shape_cast %mul3A_283 : vector<16xf32> to vector<1x16xf32>
        tpu.vector_store %arg11[%swap3A_284, %swap3A_285], %swap3A_288 {strides = array<i32>} : memref<80x128xf32, #tpu.memory_space<vmem>>, vector<1x16xf32>,
        %get3A_289 = arith.index_cast %scan3A_253 : i32 to index
        %get3A_290 = arith.constant 32 : index
        %get3A_291 = tpu.vector_load %arg11[%get3A_289, %get3A_290] {strides = array<i32>} : memref<80x128xf32, #tpu.memory_space<vmem>>, vector<1x16xf32>,
        %get3A_292 = vector.shape_cast %get3A_291 : vector<1x16xf32> to vector<16xf32>
        %get3A_293 = arith.index_cast %scan3A_253 : i32 to index
        %get3A_294 = arith.constant 32 : index
        %get3A_295 = tpu.vector_load %arg12[%get3A_293, %get3A_294] {strides = array<i32>} : memref<80x128xf32, #tpu.memory_space<vmem>>, vector<1x16xf32>,
        %get3A_296 = vector.shape_cast %get3A_295 : vector<1x16xf32> to vector<16xf32>
        %add3A_297 = arith.addf %get3A_292, %get3A_296 : vector<16xf32>
        %mul3A_298 = vector.broadcast %squeeze3A : f32 to vector<16xf32>
        %mul3A_299 = arith.mulf %add3A_297, %mul3A_298 : vector<16xf32>
        %swap3A_300 = arith.index_cast %scan3A_253 : i32 to index
        %swap3A_301 = arith.constant 32 : index
        %swap3A_302 = tpu.vector_load %arg11[%swap3A_300, %swap3A_301] {strides = array<i32>} : memref<80x128xf32, #tpu.memory_space<vmem>>, vector<1x16xf32>,
        %swap3A_303 = vector.shape_cast %swap3A_302 : vector<1x16xf32> to vector<16xf32>
        %swap3A_304 = vector.shape_cast %mul3A_299 : vector<16xf32> to vector<1x16xf32>
        tpu.vector_store %arg11[%swap3A_300, %swap3A_301], %swap3A_304 {strides = array<i32>} : memref<80x128xf32, #tpu.memory_space<vmem>>, vector<1x16xf32>,
        %get3A_305 = arith.index_cast %scan3A_253 : i32 to index
        %get3A_306 = arith.constant 48 : index
        %get3A_307 = tpu.vector_load %arg11[%get3A_305, %get3A_306] {strides = array<i32>} : memref<80x128xf32, #tpu.memory_space<vmem>>, vector<1x16xf32>,
        %get3A_308 = vector.shape_cast %get3A_307 : vector<1x16xf32> to vector<16xf32>
        %get3A_309 = arith.index_cast %scan3A_253 : i32 to index
        %get3A_310 = arith.constant 48 : index
        %get3A_311 = tpu.vector_load %arg12[%get3A_309, %get3A_310] {strides = array<i32>} : memref<80x128xf32, #tpu.memory_space<vmem>>, vector<1x16xf32>,
        %get3A_312 = vector.shape_cast %get3A_311 : vector<1x16xf32> to vector<16xf32>
        %add3A_313 = arith.addf %get3A_308, %get3A_312 : vector<16xf32>
        %mul3A_314 = vector.broadcast %squeeze3A : f32 to vector<16xf32>
        %mul3A_315 = arith.mulf %add3A_313, %mul3A_314 : vector<16xf32>
        %swap3A_316 = arith.index_cast %scan3A_253 : i32 to index
        %swap3A_317 = arith.constant 48 : index
        %swap3A_318 = tpu.vector_load %arg11[%swap3A_316, %swap3A_317] {strides = array<i32>} : memref<80x128xf32, #tpu.memory_space<vmem>>, vector<1x16xf32>,
        %swap3A_319 = vector.shape_cast %swap3A_318 : vector<1x16xf32> to vector<16xf32>
        %swap3A_320 = vector.shape_cast %mul3A_315 : vector<16xf32> to vector<1x16xf32>
        tpu.vector_store %arg11[%swap3A_316, %swap3A_317], %swap3A_320 {strides = array<i32>} : memref<80x128xf32, #tpu.memory_space<vmem>>, vector<1x16xf32>,
        %get3A_321 = arith.index_cast %scan3A_253 : i32 to index
        %get3A_322 = arith.constant 64 : index
        %get3A_323 = tpu.vector_load %arg11[%get3A_321, %get3A_322] {strides = array<i32>} : memref<80x128xf32, #tpu.memory_space<vmem>>, vector<1x16xf32>,
        %get3A_324 = vector.shape_cast %get3A_323 : vector<1x16xf32> to vector<16xf32>
        %get3A_325 = arith.index_cast %scan3A_253 : i32 to index
        %get3A_326 = arith.constant 64 : index
        %get3A_327 = tpu.vector_load %arg12[%get3A_325, %get3A_326] {strides = array<i32>} : memref<80x128xf32, #tpu.memory_space<vmem>>, vector<1x16xf32>,
        %get3A_328 = vector.shape_cast %get3A_327 : vector<1x16xf32> to vector<16xf32>
        %add3A_329 = arith.addf %get3A_324, %get3A_328 : vector<16xf32>
        %mul3A_330 = vector.broadcast %squeeze3A : f32 to vector<16xf32>
        %mul3A_331 = arith.mulf %add3A_329, %mul3A_330 : vector<16xf32>
        %swap3A_332 = arith.index_cast %scan3A_253 : i32 to index
        %swap3A_333 = arith.constant 64 : index
        %swap3A_334 = tpu.vector_load %arg11[%swap3A_332, %swap3A_333] {strides = array<i32>} : memref<80x128xf32, #tpu.memory_space<vmem>>, vector<1x16xf32>,
        %swap3A_335 = vector.shape_cast %swap3A_334 : vector<1x16xf32> to vector<16xf32>
        %swap3A_336 = vector.shape_cast %mul3A_331 : vector<16xf32> to vector<1x16xf32>
        tpu.vector_store %arg11[%swap3A_332, %swap3A_333], %swap3A_336 {strides = array<i32>} : memref<80x128xf32, #tpu.memory_space<vmem>>, vector<1x16xf32>,
        %get3A_337 = arith.index_cast %scan3A_253 : i32 to index
        %get3A_338 = arith.constant 80 : index
        %get3A_339 = tpu.vector_load %arg11[%get3A_337, %get3A_338] {strides = array<i32>} : memref<80x128xf32, #tpu.memory_space<vmem>>, vector<1x16xf32>,
        %get3A_340 = vector.shape_cast %get3A_339 : vector<1x16xf32> to vector<16xf32>
        %get3A_341 = arith.index_cast %scan3A_253 : i32 to index
        %get3A_342 = arith.constant 80 : index
        %get3A_343 = tpu.vector_load %arg12[%get3A_341, %get3A_342] {strides = array<i32>} : memref<80x128xf32, #tpu.memory_space<vmem>>, vector<1x16xf32>,
        %get3A_344 = vector.shape_cast %get3A_343 : vector<1x16xf32> to vector<16xf32>
        %add3A_345 = arith.addf %get3A_340, %get3A_344 : vector<16xf32>
        %mul3A_346 = vector.broadcast %squeeze3A : f32 to vector<16xf32>
        %mul3A_347 = arith.mulf %add3A_345, %mul3A_346 : vector<16xf32>
        %swap3A_348 = arith.index_cast %scan3A_253 : i32 to index
        %swap3A_349 = arith.constant 80 : index
        %swap3A_350 = tpu.vector_load %arg11[%swap3A_348, %swap3A_349] {strides = array<i32>} : memref<80x128xf32, #tpu.memory_space<vmem>>, vector<1x16xf32>,
        %swap3A_351 = vector.shape_cast %swap3A_350 : vector<1x16xf32> to vector<16xf32>
        %swap3A_352 = vector.shape_cast %mul3A_347 : vector<16xf32> to vector<1x16xf32>
        tpu.vector_store %arg11[%swap3A_348, %swap3A_349], %swap3A_352 {strides = array<i32>} : memref<80x128xf32, #tpu.memory_space<vmem>>, vector<1x16xf32>,
        %get3A_353 = arith.index_cast %scan3A_253 : i32 to index
        %get3A_354 = arith.constant 96 : index
        %get3A_355 = tpu.vector_load %arg11[%get3A_353, %get3A_354] {strides = array<i32>} : memref<80x128xf32, #tpu.memory_space<vmem>>, vector<1x16xf32>,
        %get3A_356 = vector.shape_cast %get3A_355 : vector<1x16xf32> to vector<16xf32>
        %get3A_357 = arith.index_cast %scan3A_253 : i32 to index
        %get3A_358 = arith.constant 96 : index
        %get3A_359 = tpu.vector_load %arg12[%get3A_357, %get3A_358] {strides = array<i32>} : memref<80x128xf32, #tpu.memory_space<vmem>>, vector<1x16xf32>,
        %get3A_360 = vector.shape_cast %get3A_359 : vector<1x16xf32> to vector<16xf32>
        %add3A_361 = arith.addf %get3A_356, %get3A_360 : vector<16xf32>
        %mul3A_362 = vector.broadcast %squeeze3A : f32 to vector<16xf32>
        %mul3A_363 = arith.mulf %add3A_361, %mul3A_362 : vector<16xf32>
        %swap3A_364 = arith.index_cast %scan3A_253 : i32 to index
        %swap3A_365 = arith.constant 96 : index
        %swap3A_366 = tpu.vector_load %arg11[%swap3A_364, %swap3A_365] {strides = array<i32>} : memref<80x128xf32, #tpu.memory_space<vmem>>, vector<1x16xf32>,
        %swap3A_367 = vector.shape_cast %swap3A_366 : vector<1x16xf32> to vector<16xf32>
        %swap3A_368 = vector.shape_cast %mul3A_363 : vector<16xf32> to vector<1x16xf32>
        tpu.vector_store %arg11[%swap3A_364, %swap3A_365], %swap3A_368 {strides = array<i32>} : memref<80x128xf32, #tpu.memory_space<vmem>>, vector<1x16xf32>,
        %get3A_369 = arith.index_cast %scan3A_253 : i32 to index
        %get3A_370 = arith.constant 112 : index
        %get3A_371 = tpu.vector_load %arg11[%get3A_369, %get3A_370] {strides = array<i32>} : memref<80x128xf32, #tpu.memory_space<vmem>>, vector<1x16xf32>,
        %get3A_372 = vector.shape_cast %get3A_371 : vector<1x16xf32> to vector<16xf32>
        %get3A_373 = arith.index_cast %scan3A_253 : i32 to index
        %get3A_374 = arith.constant 112 : index
        %get3A_375 = tpu.vector_load %arg12[%get3A_373, %get3A_374] {strides = array<i32>} : memref<80x128xf32, #tpu.memory_space<vmem>>, vector<1x16xf32>,
        %get3A_376 = vector.shape_cast %get3A_375 : vector<1x16xf32> to vector<16xf32>
        %add3A_377 = arith.addf %get3A_372, %get3A_376 : vector<16xf32>
        %mul3A_378 = vector.broadcast %squeeze3A : f32 to vector<16xf32>
        %mul3A_379 = arith.mulf %add3A_377, %mul3A_378 : vector<16xf32>
        %swap3A_380 = arith.index_cast %scan3A_253 : i32 to index
        %swap3A_381 = arith.constant 112 : index
        %swap3A_382 = tpu.vector_load %arg11[%swap3A_380, %swap3A_381] {strides = array<i32>} : memref<80x128xf32, #tpu.memory_space<vmem>>, vector<1x16xf32>,
        %swap3A_383 = vector.shape_cast %swap3A_382 : vector<1x16xf32> to vector<16xf32>
        %swap3A_384 = vector.shape_cast %mul3A_379 : vector<16xf32> to vector<1x16xf32>
        tpu.vector_store %arg11[%swap3A_380, %swap3A_381], %swap3A_384 {strides = array<i32>} : memref<80x128xf32, #tpu.memory_space<vmem>>, vector<1x16xf32>,
        %scan3A_385 = arith.constant 0 : i32
        scf.yield %scan3A_385 : i32
      }
      %scan3A_252 = arith.constant 80 : i32
      "tpu.region"() ({
        %run_scoped3A = tpu.sem_alloc : memref<!tpu.dma_semaphore, #tpu.memory_space<semaphore_mem>>
        %dma_start3A_253 = arith.constant 0 : i32
        %dma_start3A_254 = tpu.memref_slice %arg4[%add3A_203, %dma_start3A_253] : memref<10000x128xf32, #tpu.memory_space<hbm>> -> memref<80x128xf32, #tpu.memory_space<hbm>>
        %dma_start3A_255 = arith.constant 0 : i32
        %dma_start3A_256 = tpu.memref_slice %arg4[%add3A_203, %dma_start3A_255] : memref<10000x128xf32, #tpu.memory_space<hbm>> -> memref<80x128xf32, #tpu.memory_space<hbm>>
        tpu.enqueue_dma source(%arg11 : memref<80x128xf32, #tpu.memory_space<vmem>>) target(%dma_start3A_256 : memref<80x128xf32, #tpu.memory_space<hbm>>) target_semaphore(%run_scoped3A : memref<!tpu.dma_semaphore, #tpu.memory_space<semaphore_mem>>)
        %dma_wait3A_257 = arith.constant 0 : i32
        %dma_wait3A_258 = tpu.memref_slice %arg4[%add3A_203, %dma_wait3A_257] : memref<10000x128xf32, #tpu.memory_space<hbm>> -> memref<80x128xf32, #tpu.memory_space<hbm>>
        %dma_wait3A_259 = arith.constant 0 : i32
        %dma_wait3A_260 = tpu.memref_slice %arg4[%add3A_203, %dma_wait3A_259] : memref<10000x128xf32, #tpu.memory_space<hbm>> -> memref<80x128xf32, #tpu.memory_space<hbm>>
        tpu.wait_dma2 semaphore(%run_scoped3A : memref<!tpu.dma_semaphore, #tpu.memory_space<semaphore_mem>>) src(%arg11 : memref<80x128xf32, #tpu.memory_space<vmem>>) dst(%dma_wait3A_260 : memref<80x128xf32, #tpu.memory_space<hbm>>)
        tpu.yield
      }) : () -> ()
    } else {
    }
    %add3A_209 = arith.constant 240 : i32
    %add3A_210 = arith.addi %mul3A_178, %add3A_209 : i32
    %lt3A_211 = arith.constant 10000 : i32
    %lt3A_212 = arith.cmpi slt, %add3A_210, %lt3A_211 : i32
    %convert_element_type3A_213 = arith.extui %lt3A_212 : i1 to i32
    %cond3A_214 = arith.constant 0 : i32
    %cond3A_215 = arith.cmpi ne, %convert_element_type3A_213, %cond3A_214 : i32
    scf.if %cond3A_215 {
      %add3A_216 = arith.constant 240 : i32
      %add3A_217 = arith.addi %mul3A_178, %add3A_216 : i32
      %dma_wait3A_218 = arith.constant 0 : i32
      %dma_wait3A_219 = tpu.memref_slice %arg8[%add3A_217, %dma_wait3A_218] : memref<10240x128xf32, #tpu.memory_space<vmem_shared>> -> memref<80x128xf32, #tpu.memory_space<vmem_shared>>
      %dma_wait3A_220 = arith.constant 0 : i32
      %dma_wait3A_221 = tpu.memref_slice %arg8[%add3A_217, %dma_wait3A_220] : memref<10240x128xf32, #tpu.memory_space<vmem_shared>> -> memref<80x128xf32, #tpu.memory_space<vmem_shared>>
      tpu.wait_dma2 semaphore(%arg24 : memref<!tpu.dma_semaphore, #tpu.memory_space<semaphore_mem>>) src(%dma_wait3A_221 : memref<80x128xf32, #tpu.memory_space<vmem_shared>>) dst(%arg13 : memref<80x128xf32, #tpu.memory_space<vmem>>)
      %dma_wait3A_222 = arith.constant 0 : i32
      %dma_wait3A_223 = tpu.memref_slice %arg5[%sub3A_180, %add3A_217, %dma_wait3A_222] : memref<2x10240x128xf32, #tpu.memory_space<hbm>> -> memref<1x80x128xf32, #tpu.memory_space<hbm>>
      %dma_wait3A_224 = tpu.memref_squeeze %dma_wait3A_223 : memref<1x80x128xf32, #tpu.memory_space<hbm>> -> memref<80x128xf32, #tpu.memory_space<hbm>>
      %dma_wait3A_225 = arith.constant 0 : i32
      %dma_wait3A_226 = tpu.memref_slice %arg5[%sub3A_180, %add3A_217, %dma_wait3A_225] : memref<2x10240x128xf32, #tpu.memory_space<hbm>> -> memref<1x80x128xf32, #tpu.memory_space<hbm>>
      %dma_wait3A_227 = tpu.memref_squeeze %dma_wait3A_226 : memref<1x80x128xf32, #tpu.memory_space<hbm>> -> memref<80x128xf32, #tpu.memory_space<hbm>>
      tpu.wait_dma2 semaphore(%arg22 : memref<!tpu.dma_semaphore, #tpu.memory_space<semaphore_mem>>) src(%dma_wait3A_227 : memref<80x128xf32, #tpu.memory_space<hbm>>) dst(%arg14 : memref<80x128xf32, #tpu.memory_space<vmem>>)
      %scan3A_228 = arith.constant 0 : i32
      %scan3A_229 = arith.constant 0 : i32
      %scan3A_230 = arith.constant 5 : i32
      %scan3A_231 = arith.addi %scan3A_229, %scan3A_230 : i32
      %scan3A_232 = arith.constant 1 : i32
      %scan3A_233 = scf.for %scan3A_246 = %scan3A_229 to %scan3A_231 step %scan3A_232 iter_args(%scan3A_247 = %scan3A_228) -> (i32)  : i32 {
        %mul3A_248 = arith.constant 16 : i32
        %mul3A_249 = arith.muli %scan3A_246, %mul3A_248 : i32
        %add3A_250 = arith.constant 240 : i32
        %add3A_251 = arith.addi %add3A_250, %mul3A_249 : i32
        %get3A = arith.index_cast %add3A_251 : i32 to index
        %get3A_252 = tpu.vector_load %arg17[%get3A] {strides = array<i32>} : memref<320xf32, #tpu.memory_space<vmem>>, vector<16xf32>,
        %get3A_253 = vector.shape_cast %get3A_252 : vector<16xf32> to vector<16xf32>
        %get3A_254 = arith.index_cast %add3A_251 : i32 to index
        %get3A_255 = tpu.vector_load %arg18[%get3A_254] {strides = array<i32>} : memref<320xf32, #tpu.memory_space<vmem>>, vector<16xf32>,
        %get3A_256 = vector.shape_cast %get3A_255 : vector<16xf32> to vector<16xf32>
        %add3A_257 = arith.addf %get3A_253, %get3A_256 : vector<16xf32>
        %max3A = arith.constant 1.000000e+00 : f32
        %max3A_258 = vector.broadcast %max3A : f32 to vector<16xf32>
        %max3A_259 = arith.maximumf %add3A_257, %max3A_258 : vector<16xf32>
        %div3A = arith.constant 1.000000e+00 : f32
        %div3A_260 = vector.broadcast %div3A : f32 to vector<16xf32>
        %div3A_261 = arith.divf %div3A_260, %max3A_259 : vector<16xf32>
        %mul3A_262 = arith.constant 16 : i32
        %mul3A_263 = arith.muli %scan3A_246, %mul3A_262 : i32
        %swap3A_264 = arith.index_cast %mul3A_263 : i32 to index
        %swap3A_265 = tpu.vector_load %arg19[%swap3A_264] {strides = array<i32>} : memref<96xf32, #tpu.memory_space<vmem>>, vector<16xf32>,
        %swap3A_266 = vector.shape_cast %swap3A_265 : vector<16xf32> to vector<16xf32>
        %swap3A_267 = vector.shape_cast %div3A_261 : vector<16xf32> to vector<16xf32>
        tpu.vector_store %arg19[%swap3A_264], %swap3A_267 {strides = array<i32>} : memref<96xf32, #tpu.memory_space<vmem>>, vector<16xf32>,
        %scan3A_268 = arith.constant 0 : i32
        scf.yield %scan3A_268 : i32
      }
      %scan3A_234 = arith.constant 5 : i32
      %broadcast_in_dim3A = arith.constant 1.000000e+00 : f32
      %broadcast_in_dim3A_235 = vector.broadcast %broadcast_in_dim3A : f32 to vector<16xf32>
      %swap3A = arith.constant 80 : index
      %swap3A_236 = tpu.vector_load %arg19[%swap3A] {strides = array<i32>} : memref<96xf32, #tpu.memory_space<vmem>>, vector<16xf32>,
      %swap3A_237 = vector.shape_cast %swap3A_236 : vector<16xf32> to vector<16xf32>
      %swap3A_238 = vector.shape_cast %broadcast_in_dim3A_235 : vector<16xf32> to vector<16xf32>
      tpu.vector_store %arg19[%swap3A], %swap3A_238 {strides = array<i32>} : memref<96xf32, #tpu.memory_space<vmem>>, vector<16xf32>,
      %scan3A_239 = arith.constant 0 : i32
      %scan3A_240 = arith.constant 0 : i32
      %scan3A_241 = arith.constant 80 : i32
      %scan3A_242 = arith.addi %scan3A_240, %scan3A_241 : i32
      %scan3A_243 = arith.constant 1 : i32
      %scan3A_244 = scf.for %scan3A_246 = %scan3A_240 to %scan3A_242 step %scan3A_243 iter_args(%scan3A_247 = %scan3A_239) -> (i32)  : i32 {
        %get3A = arith.index_cast %scan3A_246 : i32 to index
        %get3A_248 = tpu.vector_load %arg19[%get3A] {strides = array<i32>} : memref<96xf32, #tpu.memory_space<vmem>>, vector<16xf32>,
        %get3A_249 = vector.shape_cast %get3A_248 : vector<16xf32> to vector<16xf32>
        %slice3A = vector.extract_strided_slice %get3A_249 {offsets = [0], sizes = [1], strides = [1]} : vector<16xf32> to vector<1xf32>
        %squeeze3A = vector.extract %slice3A[0] : f32 from vector<1xf32>
        %get3A_250 = arith.index_cast %scan3A_246 : i32 to index
        %get3A_251 = arith.constant 0 : index
        %get3A_252 = tpu.vector_load %arg13[%get3A_250, %get3A_251] {strides = array<i32>} : memref<80x128xf32, #tpu.memory_space<vmem>>, vector<1x16xf32>,
        %get3A_253 = vector.shape_cast %get3A_252 : vector<1x16xf32> to vector<16xf32>
        %get3A_254 = arith.index_cast %scan3A_246 : i32 to index
        %get3A_255 = arith.constant 0 : index
        %get3A_256 = tpu.vector_load %arg14[%get3A_254, %get3A_255] {strides = array<i32>} : memref<80x128xf32, #tpu.memory_space<vmem>>, vector<1x16xf32>,
        %get3A_257 = vector.shape_cast %get3A_256 : vector<1x16xf32> to vector<16xf32>
        %add3A_258 = arith.addf %get3A_253, %get3A_257 : vector<16xf32>
        %mul3A_259 = vector.broadcast %squeeze3A : f32 to vector<16xf32>
        %mul3A_260 = arith.mulf %add3A_258, %mul3A_259 : vector<16xf32>
        %swap3A_261 = arith.index_cast %scan3A_246 : i32 to index
        %swap3A_262 = arith.constant 0 : index
        %swap3A_263 = tpu.vector_load %arg13[%swap3A_261, %swap3A_262] {strides = array<i32>} : memref<80x128xf32, #tpu.memory_space<vmem>>, vector<1x16xf32>,
        %swap3A_264 = vector.shape_cast %swap3A_263 : vector<1x16xf32> to vector<16xf32>
        %swap3A_265 = vector.shape_cast %mul3A_260 : vector<16xf32> to vector<1x16xf32>
        tpu.vector_store %arg13[%swap3A_261, %swap3A_262], %swap3A_265 {strides = array<i32>} : memref<80x128xf32, #tpu.memory_space<vmem>>, vector<1x16xf32>,
        %get3A_266 = arith.index_cast %scan3A_246 : i32 to index
        %get3A_267 = arith.constant 16 : index
        %get3A_268 = tpu.vector_load %arg13[%get3A_266, %get3A_267] {strides = array<i32>} : memref<80x128xf32, #tpu.memory_space<vmem>>, vector<1x16xf32>,
        %get3A_269 = vector.shape_cast %get3A_268 : vector<1x16xf32> to vector<16xf32>
        %get3A_270 = arith.index_cast %scan3A_246 : i32 to index
        %get3A_271 = arith.constant 16 : index
        %get3A_272 = tpu.vector_load %arg14[%get3A_270, %get3A_271] {strides = array<i32>} : memref<80x128xf32, #tpu.memory_space<vmem>>, vector<1x16xf32>,
        %get3A_273 = vector.shape_cast %get3A_272 : vector<1x16xf32> to vector<16xf32>
        %add3A_274 = arith.addf %get3A_269, %get3A_273 : vector<16xf32>
        %mul3A_275 = vector.broadcast %squeeze3A : f32 to vector<16xf32>
        %mul3A_276 = arith.mulf %add3A_274, %mul3A_275 : vector<16xf32>
        %swap3A_277 = arith.index_cast %scan3A_246 : i32 to index
        %swap3A_278 = arith.constant 16 : index
        %swap3A_279 = tpu.vector_load %arg13[%swap3A_277, %swap3A_278] {strides = array<i32>} : memref<80x128xf32, #tpu.memory_space<vmem>>, vector<1x16xf32>,
        %swap3A_280 = vector.shape_cast %swap3A_279 : vector<1x16xf32> to vector<16xf32>
        %swap3A_281 = vector.shape_cast %mul3A_276 : vector<16xf32> to vector<1x16xf32>
        tpu.vector_store %arg13[%swap3A_277, %swap3A_278], %swap3A_281 {strides = array<i32>} : memref<80x128xf32, #tpu.memory_space<vmem>>, vector<1x16xf32>,
        %get3A_282 = arith.index_cast %scan3A_246 : i32 to index
        %get3A_283 = arith.constant 32 : index
        %get3A_284 = tpu.vector_load %arg13[%get3A_282, %get3A_283] {strides = array<i32>} : memref<80x128xf32, #tpu.memory_space<vmem>>, vector<1x16xf32>,
        %get3A_285 = vector.shape_cast %get3A_284 : vector<1x16xf32> to vector<16xf32>
        %get3A_286 = arith.index_cast %scan3A_246 : i32 to index
        %get3A_287 = arith.constant 32 : index
        %get3A_288 = tpu.vector_load %arg14[%get3A_286, %get3A_287] {strides = array<i32>} : memref<80x128xf32, #tpu.memory_space<vmem>>, vector<1x16xf32>,
        %get3A_289 = vector.shape_cast %get3A_288 : vector<1x16xf32> to vector<16xf32>
        %add3A_290 = arith.addf %get3A_285, %get3A_289 : vector<16xf32>
        %mul3A_291 = vector.broadcast %squeeze3A : f32 to vector<16xf32>
        %mul3A_292 = arith.mulf %add3A_290, %mul3A_291 : vector<16xf32>
        %swap3A_293 = arith.index_cast %scan3A_246 : i32 to index
        %swap3A_294 = arith.constant 32 : index
        %swap3A_295 = tpu.vector_load %arg13[%swap3A_293, %swap3A_294] {strides = array<i32>} : memref<80x128xf32, #tpu.memory_space<vmem>>, vector<1x16xf32>,
        %swap3A_296 = vector.shape_cast %swap3A_295 : vector<1x16xf32> to vector<16xf32>
        %swap3A_297 = vector.shape_cast %mul3A_292 : vector<16xf32> to vector<1x16xf32>
        tpu.vector_store %arg13[%swap3A_293, %swap3A_294], %swap3A_297 {strides = array<i32>} : memref<80x128xf32, #tpu.memory_space<vmem>>, vector<1x16xf32>,
        %get3A_298 = arith.index_cast %scan3A_246 : i32 to index
        %get3A_299 = arith.constant 48 : index
        %get3A_300 = tpu.vector_load %arg13[%get3A_298, %get3A_299] {strides = array<i32>} : memref<80x128xf32, #tpu.memory_space<vmem>>, vector<1x16xf32>,
        %get3A_301 = vector.shape_cast %get3A_300 : vector<1x16xf32> to vector<16xf32>
        %get3A_302 = arith.index_cast %scan3A_246 : i32 to index
        %get3A_303 = arith.constant 48 : index
        %get3A_304 = tpu.vector_load %arg14[%get3A_302, %get3A_303] {strides = array<i32>} : memref<80x128xf32, #tpu.memory_space<vmem>>, vector<1x16xf32>,
        %get3A_305 = vector.shape_cast %get3A_304 : vector<1x16xf32> to vector<16xf32>
        %add3A_306 = arith.addf %get3A_301, %get3A_305 : vector<16xf32>
        %mul3A_307 = vector.broadcast %squeeze3A : f32 to vector<16xf32>
        %mul3A_308 = arith.mulf %add3A_306, %mul3A_307 : vector<16xf32>
        %swap3A_309 = arith.index_cast %scan3A_246 : i32 to index
        %swap3A_310 = arith.constant 48 : index
        %swap3A_311 = tpu.vector_load %arg13[%swap3A_309, %swap3A_310] {strides = array<i32>} : memref<80x128xf32, #tpu.memory_space<vmem>>, vector<1x16xf32>,
        %swap3A_312 = vector.shape_cast %swap3A_311 : vector<1x16xf32> to vector<16xf32>
        %swap3A_313 = vector.shape_cast %mul3A_308 : vector<16xf32> to vector<1x16xf32>
        tpu.vector_store %arg13[%swap3A_309, %swap3A_310], %swap3A_313 {strides = array<i32>} : memref<80x128xf32, #tpu.memory_space<vmem>>, vector<1x16xf32>,
        %get3A_314 = arith.index_cast %scan3A_246 : i32 to index
        %get3A_315 = arith.constant 64 : index
        %get3A_316 = tpu.vector_load %arg13[%get3A_314, %get3A_315] {strides = array<i32>} : memref<80x128xf32, #tpu.memory_space<vmem>>, vector<1x16xf32>,
        %get3A_317 = vector.shape_cast %get3A_316 : vector<1x16xf32> to vector<16xf32>
        %get3A_318 = arith.index_cast %scan3A_246 : i32 to index
        %get3A_319 = arith.constant 64 : index
        %get3A_320 = tpu.vector_load %arg14[%get3A_318, %get3A_319] {strides = array<i32>} : memref<80x128xf32, #tpu.memory_space<vmem>>, vector<1x16xf32>,
        %get3A_321 = vector.shape_cast %get3A_320 : vector<1x16xf32> to vector<16xf32>
        %add3A_322 = arith.addf %get3A_317, %get3A_321 : vector<16xf32>
        %mul3A_323 = vector.broadcast %squeeze3A : f32 to vector<16xf32>
        %mul3A_324 = arith.mulf %add3A_322, %mul3A_323 : vector<16xf32>
        %swap3A_325 = arith.index_cast %scan3A_246 : i32 to index
        %swap3A_326 = arith.constant 64 : index
        %swap3A_327 = tpu.vector_load %arg13[%swap3A_325, %swap3A_326] {strides = array<i32>} : memref<80x128xf32, #tpu.memory_space<vmem>>, vector<1x16xf32>,
        %swap3A_328 = vector.shape_cast %swap3A_327 : vector<1x16xf32> to vector<16xf32>
        %swap3A_329 = vector.shape_cast %mul3A_324 : vector<16xf32> to vector<1x16xf32>
        tpu.vector_store %arg13[%swap3A_325, %swap3A_326], %swap3A_329 {strides = array<i32>} : memref<80x128xf32, #tpu.memory_space<vmem>>, vector<1x16xf32>,
        %get3A_330 = arith.index_cast %scan3A_246 : i32 to index
        %get3A_331 = arith.constant 80 : index
        %get3A_332 = tpu.vector_load %arg13[%get3A_330, %get3A_331] {strides = array<i32>} : memref<80x128xf32, #tpu.memory_space<vmem>>, vector<1x16xf32>,
        %get3A_333 = vector.shape_cast %get3A_332 : vector<1x16xf32> to vector<16xf32>
        %get3A_334 = arith.index_cast %scan3A_246 : i32 to index
        %get3A_335 = arith.constant 80 : index
        %get3A_336 = tpu.vector_load %arg14[%get3A_334, %get3A_335] {strides = array<i32>} : memref<80x128xf32, #tpu.memory_space<vmem>>, vector<1x16xf32>,
        %get3A_337 = vector.shape_cast %get3A_336 : vector<1x16xf32> to vector<16xf32>
        %add3A_338 = arith.addf %get3A_333, %get3A_337 : vector<16xf32>
        %mul3A_339 = vector.broadcast %squeeze3A : f32 to vector<16xf32>
        %mul3A_340 = arith.mulf %add3A_338, %mul3A_339 : vector<16xf32>
        %swap3A_341 = arith.index_cast %scan3A_246 : i32 to index
        %swap3A_342 = arith.constant 80 : index
        %swap3A_343 = tpu.vector_load %arg13[%swap3A_341, %swap3A_342] {strides = array<i32>} : memref<80x128xf32, #tpu.memory_space<vmem>>, vector<1x16xf32>,
        %swap3A_344 = vector.shape_cast %swap3A_343 : vector<1x16xf32> to vector<16xf32>
        %swap3A_345 = vector.shape_cast %mul3A_340 : vector<16xf32> to vector<1x16xf32>
        tpu.vector_store %arg13[%swap3A_341, %swap3A_342], %swap3A_345 {strides = array<i32>} : memref<80x128xf32, #tpu.memory_space<vmem>>, vector<1x16xf32>,
        %get3A_346 = arith.index_cast %scan3A_246 : i32 to index
        %get3A_347 = arith.constant 96 : index
        %get3A_348 = tpu.vector_load %arg13[%get3A_346, %get3A_347] {strides = array<i32>} : memref<80x128xf32, #tpu.memory_space<vmem>>, vector<1x16xf32>,
        %get3A_349 = vector.shape_cast %get3A_348 : vector<1x16xf32> to vector<16xf32>
        %get3A_350 = arith.index_cast %scan3A_246 : i32 to index
        %get3A_351 = arith.constant 96 : index
        %get3A_352 = tpu.vector_load %arg14[%get3A_350, %get3A_351] {strides = array<i32>} : memref<80x128xf32, #tpu.memory_space<vmem>>, vector<1x16xf32>,
        %get3A_353 = vector.shape_cast %get3A_352 : vector<1x16xf32> to vector<16xf32>
        %add3A_354 = arith.addf %get3A_349, %get3A_353 : vector<16xf32>
        %mul3A_355 = vector.broadcast %squeeze3A : f32 to vector<16xf32>
        %mul3A_356 = arith.mulf %add3A_354, %mul3A_355 : vector<16xf32>
        %swap3A_357 = arith.index_cast %scan3A_246 : i32 to index
        %swap3A_358 = arith.constant 96 : index
        %swap3A_359 = tpu.vector_load %arg13[%swap3A_357, %swap3A_358] {strides = array<i32>} : memref<80x128xf32, #tpu.memory_space<vmem>>, vector<1x16xf32>,
        %swap3A_360 = vector.shape_cast %swap3A_359 : vector<1x16xf32> to vector<16xf32>
        %swap3A_361 = vector.shape_cast %mul3A_356 : vector<16xf32> to vector<1x16xf32>
        tpu.vector_store %arg13[%swap3A_357, %swap3A_358], %swap3A_361 {strides = array<i32>} : memref<80x128xf32, #tpu.memory_space<vmem>>, vector<1x16xf32>,
        %get3A_362 = arith.index_cast %scan3A_246 : i32 to index
        %get3A_363 = arith.constant 112 : index
        %get3A_364 = tpu.vector_load %arg13[%get3A_362, %get3A_363] {strides = array<i32>} : memref<80x128xf32, #tpu.memory_space<vmem>>, vector<1x16xf32>,
        %get3A_365 = vector.shape_cast %get3A_364 : vector<1x16xf32> to vector<16xf32>
        %get3A_366 = arith.index_cast %scan3A_246 : i32 to index
        %get3A_367 = arith.constant 112 : index
        %get3A_368 = tpu.vector_load %arg14[%get3A_366, %get3A_367] {strides = array<i32>} : memref<80x128xf32, #tpu.memory_space<vmem>>, vector<1x16xf32>,
        %get3A_369 = vector.shape_cast %get3A_368 : vector<1x16xf32> to vector<16xf32>
        %add3A_370 = arith.addf %get3A_365, %get3A_369 : vector<16xf32>
        %mul3A_371 = vector.broadcast %squeeze3A : f32 to vector<16xf32>
        %mul3A_372 = arith.mulf %add3A_370, %mul3A_371 : vector<16xf32>
        %swap3A_373 = arith.index_cast %scan3A_246 : i32 to index
        %swap3A_374 = arith.constant 112 : index
        %swap3A_375 = tpu.vector_load %arg13[%swap3A_373, %swap3A_374] {strides = array<i32>} : memref<80x128xf32, #tpu.memory_space<vmem>>, vector<1x16xf32>,
        %swap3A_376 = vector.shape_cast %swap3A_375 : vector<1x16xf32> to vector<16xf32>
        %swap3A_377 = vector.shape_cast %mul3A_372 : vector<16xf32> to vector<1x16xf32>
        tpu.vector_store %arg13[%swap3A_373, %swap3A_374], %swap3A_377 {strides = array<i32>} : memref<80x128xf32, #tpu.memory_space<vmem>>, vector<1x16xf32>,
        %scan3A_378 = arith.constant 0 : i32
        scf.yield %scan3A_378 : i32
      }
      %scan3A_245 = arith.constant 80 : i32
      "tpu.region"() ({
        %run_scoped3A = tpu.sem_alloc : memref<!tpu.dma_semaphore, #tpu.memory_space<semaphore_mem>>
        %dma_start3A_246 = arith.constant 0 : i32
        %dma_start3A_247 = tpu.memref_slice %arg4[%add3A_210, %dma_start3A_246] : memref<10000x128xf32, #tpu.memory_space<hbm>> -> memref<80x128xf32, #tpu.memory_space<hbm>>
        %dma_start3A_248 = arith.constant 0 : i32
        %dma_start3A_249 = tpu.memref_slice %arg4[%add3A_210, %dma_start3A_248] : memref<10000x128xf32, #tpu.memory_space<hbm>> -> memref<80x128xf32, #tpu.memory_space<hbm>>
        tpu.enqueue_dma source(%arg13 : memref<80x128xf32, #tpu.memory_space<vmem>>) target(%dma_start3A_249 : memref<80x128xf32, #tpu.memory_space<hbm>>) target_semaphore(%run_scoped3A : memref<!tpu.dma_semaphore, #tpu.memory_space<semaphore_mem>>)
        %dma_wait3A_250 = arith.constant 0 : i32
        %dma_wait3A_251 = tpu.memref_slice %arg4[%add3A_210, %dma_wait3A_250] : memref<10000x128xf32, #tpu.memory_space<hbm>> -> memref<80x128xf32, #tpu.memory_space<hbm>>
        %dma_wait3A_252 = arith.constant 0 : i32
        %dma_wait3A_253 = tpu.memref_slice %arg4[%add3A_210, %dma_wait3A_252] : memref<10000x128xf32, #tpu.memory_space<hbm>> -> memref<80x128xf32, #tpu.memory_space<hbm>>
        tpu.wait_dma2 semaphore(%run_scoped3A : memref<!tpu.dma_semaphore, #tpu.memory_space<semaphore_mem>>) src(%arg13 : memref<80x128xf32, #tpu.memory_space<vmem>>) dst(%dma_wait3A_253 : memref<80x128xf32, #tpu.memory_space<hbm>>)
        tpu.yield
      }) : () -> ()
    } else {
    }
    return
  }
}

</mosaic_0001>

<sc_bundles>
// kernel: kernel.3.cloned.1.call-start
scs
__scs_entry_jumppad:
0x0: {  	(pc) =	sbr.rel $0x88, $3  }
0x1: {  	(tag) =	ssettag $0x0;
	lr =	simm.s32 $0x1  }
0x2: {  	[smem:$0x3F9F] =	sst lr;
	_ =	strace $0xD0000000  }
0x3: {  	_ = 	snop  }
0x4: {  	_ = 	snop  }
0x5: {  	_ = 	snop  }
0x6: {  	_ = 	snop  }
0x7: {  	_ = 	snop  }
__scs_overlays_trampoline_lowered:
0x8: {  	[smem:$0x3FAE] =	sst s0  }
0x9: {  	[smem:$0x3FAF] =	sst s1  }
0xa: {  	[smem:$0x3FB0] =	sst s2  }
0xb: {  	[smem:$0x3FB1] =	sst s3  }
0xc: {  	[smem:$0x3FB2] =	sst s4  }
0xd: {  	[smem:$0x3FB3] =	sst s5  }
0xe: {  	[smem:$0x3FB4] =	sst s6  }
0xf: {  	[smem:$0x3FB5] =	sst s7  }
0x10: {  	[smem:$0x3FB6] =	sst s8  }
0x11: {  	[smem:$0x3FB7] =	sst s9;
	s0 =	simm.s32 @!p0 $0x0  }
0x12: {  	s1 =	sld [smem:$0x3F9D];
	s0 =	simm.s32 @p0 $0x1  }
0x13: {  	[smem:$0x3FB8] =	sst s0;
	s0 =	simm.s32 @!p1 $0x0  }
0x14: {  	s2 =	sld [smem:$0x3F9C];
	s0 =	simm.s32 @p1 $0x1  }
0x15: {  	[smem:$0x3FB9] =	sst s0;
	s0 =	simm.s32 @!p2 $0x0  }
0x16: {  	s3 =	sld [smem:$0x3FDB];
	s0 =	simm.s32 @p2 $0x1  }
0x17: {  	s4 =	simm.s32 $0x1BF5;
	[smem:$0x3FBB] =	sst s0  }
0x18: {  	s0 =	sld [smem:$0x3F9E];
	_ =	swait.ge [sflag:s4], $0x0  }
0x19: {  	s7 =	sld [smem:$0x3F9F]  }
0x1a: {  	s8 =	sadd.s32 $0xFFFFE003, lr  }
0x1b: {  	s9 =	sadd.s32 $0xFFFFFEF7, lr;
	s5 =	simm.s32 $0xFFFFFFFF;
	p2 =	slt.u32 s8, $0xFFFFF086  }
0x1c: {  	p1 =	slt.u32 s9, $0xF7A;
	s5 =	simm.s32 @!p2 $0x0  }
0x1d: {  	s5 =	simm.s32 @p1 $0x1;
	p0 =	seq.s32 s7, s2  }
0x1e: {  	s7 =	smul.u32 @!p0 $0xF7A, s2;
	p2 =	seq.s32 @!p0 s5, $0x0  }
0x1f: {  	s9 =	smul.u32 $0xF7A, s1;
	s8 =	simm.s32 @!p0 $0x1BF5;
	p2 =	por !p2, p0  }
0x20: {  	[sflag:s8] =	ssyncset.s32 @!p0 $0xFFFFF086;
	s6 =	sadd.s32 @!p0 s3, s7;
	s7 =	simm.s32 @!p0 $0x108  }
0x21: {  	s3 =	sadd.s32 s3, s9;
	s6 =	sadd.s32 @!p0 $0x88, s6;
	s7 =	simm.s32 @p2 $0x1082  }
0x22: {  	[simem:s7], [sflag:s8] =	dma.local @!p0 [hbm:s6], $0xF7A  }
0x23: {  	s9 =	sor.u32 $0xD0000000, s2;
	s6 =	simm.s32 $0x108;
	_ =	swait.ge @!p0 [sflag:s8], $0x0  }
0x24: {  	s3 =	sadd.s32 $0x88, s3;
	s6 =	simm.s32 @!p1 $0x1082;
	[sflag:s4] =	ssyncset.s32 $0xFFFFF086  }
0x25: {  	[simem:s6], [sflag:s4] =	dma.local [hbm:s3], $0xF7A  }
0x26: {  	[smem:$0x3F9F] =	sst s1;
	(tag) =	ssettag s2;
	_ =	strace s9  }
0x27: {  	s1 =	sld [smem:$0x3FAF]  }
0x28: {  	s2 =	sld [smem:$0x3FB0]  }
0x29: {  	s4 =	sld [smem:$0x3FB2]  }
0x2a: {  	p0 =	seq.s32 s5, $0x0;
	s5 =	sld [smem:$0x3FB3]  }
0x2b: {  	s6 =	sld [smem:$0x3FB4]  }
0x2c: {  	s7 =	sld [smem:$0x3FB5]  }
0x2d: {  	s3 =	simm.s32 $0x108;
	s8 =	sld [smem:$0x3FB6]  }
0x2e: {  	s3 =	simm.s32 @!p0 $0x1082;
	s9 =	sld [smem:$0x3FB7]  }
0x2f: {  	lr =	sadd.s32 s0, s3;
	s0 =	sld [smem:$0x3FAE]  }
0x30: {  	s3 =	sld [smem:$0x3FB1]  }
0x31: {  	[smem:$0x3FBA] =	sst s10  }
0x32: {  	s10 =	sld [smem:$0x3FB8];
	_ =	sdelay $0x3  }
0x33: {  	p0 =	seq.s32 s10, $0x1;
	s10 =	sld [smem:$0x3FBA];
	_ =	sdelay $0x3  }
0x34: {  	[smem:$0x3FBA] =	sst s10  }
0x35: {  	s10 =	sld [smem:$0x3FB9];
	_ =	sdelay $0x3  }
0x36: {  	p1 =	seq.s32 s10, $0x1;
	s10 =	sld [smem:$0x3FBA];
	_ =	sdelay $0x3  }
0x37: {  	[smem:$0x3FBA] =	sst s10  }
0x38: {  	s10 =	sld [smem:$0x3FBB]  }
0x39: {  	_ = 	snop;
	(pc) =	sbr.ind lr, $3  }
0x3a: {  	_ = 	snop  }
0x3b: {  	_ = 	snop  }
0x3c: {  	p2 =	seq.s32 s10, $0x1;
	s10 =	sld [smem:$0x3FBA]  }
0x3d: {  	_ =	shalt  }
0x3e: {  	_ =	shalt  }
0x3f: {  	_ =	shalt  }
0x40: {  	_ =	shalt  }
0x41: {  	_ =	shalt  }
0x42: {  	_ =	shalt  }
0x43: {  	_ =	shalt  }
0x44: {  	_ =	shalt  }
0x45: {  	_ =	shalt  }
0x46: {  	_ =	shalt  }
0x47: {  	_ =	shalt  }
0x48: {  	_ =	shalt  }
0x49: {  	_ =	shalt  }
0x4a: {  	_ =	shalt  }
0x4b: {  	_ =	shalt  }
0x4c: {  	_ =	shalt  }
0x4d: {  	_ =	shalt  }
0x4e: {  	_ =	shalt  }
0x4f: {  	_ =	shalt  }
0x50: {  	_ =	shalt  }
0x51: {  	_ =	shalt  }
0x52: {  	_ =	shalt  }
0x53: {  	_ =	shalt  }
0x54: {  	_ =	shalt  }
0x55: {  	_ =	shalt  }
0x56: {  	_ =	shalt  }
0x57: {  	_ =	shalt  }
0x58: {  	_ =	shalt  }
0x59: {  	_ =	shalt  }
0x5a: {  	_ =	shalt  }
0x5b: {  	_ =	shalt  }
0x5c: {  	_ =	shalt  }
0x5d: {  	_ =	shalt  }
0x5e: {  	_ =	shalt  }
0x5f: {  	_ =	shalt  }
0x60: {  	_ =	shalt  }
0x61: {  	_ =	shalt  }
0x62: {  	_ =	shalt  }
0x63: {  	_ =	shalt  }
0x64: {  	_ =	shalt  }
0x65: {  	_ =	shalt  }
0x66: {  	_ =	shalt  }
0x67: {  	_ =	shalt  }
0x68: {  	_ =	shalt  }
0x69: {  	_ =	shalt  }
0x6a: {  	_ =	shalt  }
0x6b: {  	_ =	shalt  }
0x6c: {  	_ =	shalt  }
0x6d: {  	_ =	shalt  }
0x6e: {  	_ =	shalt  }
0x6f: {  	_ =	shalt  }
0x70: {  	_ =	shalt  }
0x71: {  	_ =	shalt  }
0x72: {  	_ =	shalt  }
0x73: {  	_ =	shalt  }
0x74: {  	_ =	shalt  }
0x75: {  	_ =	shalt  }
0x76: {  	_ =	shalt  }
0x77: {  	_ =	shalt  }
0x78: {  	_ =	shalt  }
0x79: {  	_ =	shalt  }
0x7a: {  	_ =	shalt  }
0x7b: {  	_ =	shalt  }
0x7c: {  	_ =	shalt  }
0x7d: {  	_ =	shalt  }
0x7e: {  	_ =	shalt  }
0x7f: {  	_ =	shalt  }
0x80: {  	_ =	shalt  }
0x81: {  	_ =	shalt  }
0x82: {  	_ =	shalt  }
0x83: {  	_ =	shalt  }
0x84: {  	_ =	shalt  }
0x85: {  	_ =	shalt  }
0x86: {  	_ =	shalt  }
0x87: {  	_ =	shalt  }
.Lfunc_end0:
.L_simem_size_0:
called_computation_lowered:
.L_overlay_start_0:
0x88: {  	s2 =	sld [smem:$0x3FD9]  }
0x89: {  	s3 =	sld [smem:$0x3FFE];
	_ =	sdelay $0x1  }
0x8a: {  	s1 =	srdreg.scid  }
0x8b: {  	s0 =	sand.u32 $0x1, s1  }
0x8c: {  	s17 =	sshll.u32 s0, $0xA;
	s2 =	sadd.s32 s3, s2  }
0x8d: {  	s2 =	sadd.s32 s2, s17  }
0x8e: {  	[smem:$0x3FC6] =	sst s2  }
0x8f: {  	_ = 	snop  }
0x90: {  	s2 =	sld [smem:$0x3FC9]  }
0x91: {  	s18 =	sld [smem:$0x3FC8]  }
0x92: {  	s4 =	sld [smem:$0x3FD0];
	(tm) =	ssettm $0x1  }
0x93: {  	s5 =	sld [smem:$0x3FFB];
	_ =	sdelay $0x3  }
0x94: {  	_ =	strace s5  }
0x95: {  	s5 =	sld [smem:$0x3FFC];
	_ =	sdelay $0x3  }
0x96: {  	_ =	strace s5  }
0x97: {  	s5 =	sld [smem:$0x3FFD];
	_ =	sdelay $0x3  }
0x98: {  	_ =	strace s5  }
0x99: {  	_ =	strace $0x8FFFFFFF  }
0x9a: {  	s19 =	sld [smem:$0x3FDB];
	_ =	sdelay $0x1  }
0x9b: {  	s6 =	simm.s32 $_scs_section_size  }
0x9c: {  	s7 =	simm.s32 $_size__tile_overlayer_lowered;
	s8 =	simm.s32 $_tile_overlayer_lowered  }
0x9d: {  	s22 =	simm.s32 $0x1BFF;
	s21 =	sshll.u32 s8, $0x1;
	s5 =	sadd.s32 s6, s19  }
0x9e: {  	s9 =	simm.s32 $0x0;
	s20 =	sshll.u32 s7, $0x1;
	s7 =	sadd.s32 s21, s5  }
0x9f: {  	[timem:s9], [sflag:s22] =	dma.local [hbm:s7], s20  }
0xa0: {  	_ =	swait.ge [sflag:s22], s20  }
0xa1: {  	s6 =	ssub.s32 $0x0, s20;
	[sflag:s22] =	ssyncset.done $0x0  }
0xa2: {  	[sflag:s22] =	ssyncadd.s32 s6;
	_ =	sdelay $0x1  }
0xa3: {  	s23 =	simm.s32 $0x1B8B  }
0xa4: {  	_ =	swait.ge [sflag:s23], $0x1  }
0xa5: {  	[sflag:s23] =	ssyncset.done $0x0  }
0xa6: {  	s25 =	simm.s32 $0x1B8E;
	s24 =	sld [smem:$0x3FFE];
	[sflag:s23] =	ssyncadd.s32 $0xFFFFFFFF  }
0xa7: {  	s26 =	simm.s32 $execute0_lowered;
	[smem:$0x3FD2] =	sst s25  }
0xa8: {  	s7 =	sshll.u32 s26, $0x1;
	_ =	strace $0x80000046;
	[dreg:$0x1] =	wrdreg $0xFFFFFFFF  }
0xa9: {  	s28 =	simm.s32 $_size_execute0_lowered;
	s5 =	sadd.s32 s5, s7;
	[dreg:$0x0] =	wrdreg $0x0  }
0xaa: {  	s7 =	sshll.u32 s28, $0x1;
	[dreg:$0x2] =	wrdreg s5  }
0xab: {  	[dreg:$0x3] =	wrdreg s7  }
0xac: {  	[dreg:$0x4] =	wrdreg $0xC0  }
0xad: {  	_ =	task [dreg:s9], $0x5FFFF  }
0xae: {  	[dreg:$0x1] =	wrdreg $0xFFFFFFFF  }
0xaf: {  	[dreg:$0x0] =	wrdreg $0x60  }
0xb0: {  	[dreg:$0x2] =	wrdreg s2  }
0xb1: {  	[dreg:$0x3] =	wrdreg s18  }
0xb2: {  	[dreg:$0x4] =	wrdreg s4  }
0xb3: {  	[dreg:$0x5] =	wrdreg s24  }
0xb4: {  	[dreg:$0x6] =	wrdreg $0x0  }
0xb5: {  	[dreg:$0x7] =	wrdreg $0x140000  }
0xb6: {  	[dreg:$0x8] =	wrdreg $0x9  }
0xb7: {  	_ =	task.clear_ibuf [dreg:s9], $0x9FFFF;
	_ =	strace $0x90000046  }
0xb8: {  	s29 =	simm.s32 $0x9;
	_ =	strace $0x80000048  }
0xb9: {  	_ =	swait.ge [sflag:s29], $0x1  }
0xba: {  	[sflag:s29] =	ssyncadd.s32 $0xFFFFFFFF  }
0xbb: {  	_ =	strace $0x90000048  }
0xbc: {  	_ =	sfence  }
0xbd: {  	s30 =	sld [smem:$0x0];
	_ =	sdelay $0x2  }
0xbe: {  	s31 =	sshll.u32 s1, $0xD;
	s1 =	sshrl.u32 s1, $0x2  }
0xbf: {  	s3 =	sand.u32 $0x4000, s31;
	s1 =	sadd.s32 s1, s30  }
0xc0: {  	s0 =	sor.u32 s3, s0;
	s1 =	sshll.u32 s1, $0x11  }
0xc1: {  	s0 =	sor.u32 s1, s0  }
0xc2: {  	s0 =	sadd.s32 $0x8F2B, s0  }
0xc3: {  	[sflag:s0] =	ssyncadd.remote.s32 $0x1  }
0xc4: {  	_ =	sfence.sel $0xFFFF  }
0xc5: {  	[dreg:$0x0] =	wrdreg $0xFFFFFFFF;
	(pc) =	sbr.abs _section_cstart, $3  }
0xc6: {  	[dreg:$0x1] =	wrdreg $0xFFFFFFFF  }
0xc7: {  	_ =	task.clear_ibuf [dreg:s9], $0x2FFFF;
	_ =	strace $0x9FFFFFFF  }
0xc8: {  	(tm) =	ssettm $0x7FFFFFFF  }
0xc9: {  	_ =	shalt  }
tec
execute0_lowered:
.L_overlay_start_1:
0x0: {  	(tag) =	ssettag $0x1  }
0x1: {  	s7 =	rddreg [dreg:$0x0]  }
0x2: {  	s0 =	srdreg.scid;
	s2 =	rddreg [dreg:$0x2]  }
0x3: {  	s24 =	stileid.u32;
	s3 =	rddreg [dreg:$0x3];
	s1 =	simm.s32 $0x0  }
0x4: {  	s28 =	simm.s32 $0x14480;
	s29 =	simm.s32 $0x7;
	s4 =	smul.u32 $0x280, s24  }
0x5: {  	s30 =	simm.s32 $0x14280;
	s10 =	sand.u32 $0x1, s0;
	s15 =	smul.u32 $0x140, s24  }
0x6: {  	[smem:$0x7FF] =	sst s1;
	s11 =	sadd.s32 $0x800, s3;
	s12 =	smul.u32 $0x140000, s10  }
0x7: {  	s13 =	sadd.s32 $0x50800, s3;
	s5 =	sxor.u32 $0x1, s10;
	s16 =	smul.u32 $0x2800, s10  }
0x8: {  	s14 =	sadd.s32 $0x51200, s3;
	p1 =	sne.s32 s24, $0x0;
	s9 =	smul.u32 $0x1400, s5  }
0x9: {  	s0 =	sshll.u32 s10, $0x4;
	s8 =	ssub.s32 $0x2, s10;
	s17 =	smul.u32 $0x2800, s5  }
0xa: {  	s31 =	sshll.u32 s10, $0x1;
	s0 =	sor.u32 s24, s0;
	s18 =	smul.u32 $0x140000, s5  }
0xb: {  	s26 =	sshrl.u32 s8, $0x1;
	s5 =	sshll.u32 s5, $0x1;
	s6 =	smul.u32 $0x2710, s0  }
0xc: {  	s3 =	ssub.s32 s8, s26;
	s8 =	sadd.s32 s14, s31;
	s19 =	smul.u32 $0xA000, s0  }
0xd: {  	s16 =	sadd.s32 s4, s16;
	s5 =	sadd.s32 s14, s5;
	s31 =	smul.u32 $0x1400, s0  }
0xe: {  	p0 =	seq.s32 s0, $0x1F;
	[dreg:$0x7] =	wrdreg s8;
	s9 =	sadd.s32 s15, s9  }
0xf: {  	s8 =	smul.u32 $0x140, s0;
	s16 =	sshrl.u32 s16, $0x3;
	s15 =	sadd.s32 $0x50, s6  }
0x10: {  	s9 =	sshll.u32 s9, $0x7;
	s16 =	sadd.s32 s13, s16;
	s21 =	sadd.s32 s18, s19  }
0x11: {  	s26 =	sshrl.u32 s19, $0x3;
	s12 =	sadd.s32 s12, s9;
	[dreg:$0x9] =	wrdreg s16  }
0x12: {  	s20 =	sadd.s32 s17, s8;
	s14 =	sshrl.u32 s21, $0x3;
	s22 =	sshll.u32 s8, $0x7  }
0x13: {  	s12 =	sshrl.u32 s12, $0x3;
	s23 =	sadd.s32 s11, s14;
	s14 =	sadd.s32 s2, s26  }
0x14: {  	s21 =	sadd.s32 $0x5000, s22;
	s2 =	sadd.s32 s31, s2;
	s31 =	smul.u32 $0x27100, s0  }
0x15: {  	s0 =	smul.u32 $0x28000, s0;
	s12 =	sadd.s32 s11, s12;
	[dreg:$0xb] =	wrdreg s23  }
0x16: {  	[dreg:$0xc] =	wrdreg s14;
	s19 =	sadd.s32 s18, s21;
	s23 =	sshll.u32 s15, $0x4  }
0x17: {  	[dreg:$0x8] =	wrdreg s12;
	s12 =	sshrl.u32 s20, $0x3;
	s14 =	sshrl.u32 s19, $0x3  }
0x18: {  	s12 =	sadd.s32 s13, s12;
	s20 =	sadd.s32 s11, s14;
	s14 =	rddreg [dreg:$0x1]  }
0x19: {  	s0 =	sshrl.u32 s0, $0x2;
	[dreg:$0xa] =	wrdreg s12;
	s12 =	sadd.s32 $0x2800, s22  }
0x1a: {  	s22 =	sadd.s32 $0x7800, s22;
	[dreg:$0xe] =	wrdreg s20;
	s25 =	sadd.s32 s18, s12  }
0x1b: {  	s20 =	smul.u32 $0x27100, s24;
	s16 =	sadd.s32 s18, s22;
	s13 =	sshrl.u32 s25, $0x3  }
0x1c: {  	s18 =	sadd.s32 s7, s31;
	s16 =	sshrl.u32 s16, $0x3;
	s13 =	sadd.s32 s11, s13  }
0x1d: {  	s11 =	sadd.s32 s11, s16;
	[dreg:$0xd] =	wrdreg s13;
	s13 =	sadd.s32 $0xA0, s6  }
0x1e: {  	[dreg:$0xf] =	wrdreg s11;
	s11 =	sadd.s32 s7, s23;
	s26 =	sshll.u32 s13, $0x4  }
0x1f: {  	s25 =	smul.u32 $0x271000, s10;
	[dreg:$0x10] =	wrdreg s11;
	s11 =	sadd.s32 s7, s26  }
0x20: {  	s10 =	smul.u32 $0x27100, s10;
	[dreg:$0x11] =	wrdreg s11;
	s11 =	sadd.s32 $0xF0, s6  }
0x21: {  	[dreg:$0x13] =	wrdreg s18;
	s23 =	smul.u32 $0x2710, s24;
	s19 =	sshll.u32 s11, $0x4  }
0x22: {  	s26 =	sshrl.u32 s13, $0x3;
	s16 =	sadd.s32 s7, s19;
	s19 =	rddreg [dreg:$0x5]  }
0x23: {  	s6 =	sshrl.u32 s6, $0x3;
	s11 =	sshrl.u32 s11, $0x3;
	[dreg:$0x12] =	wrdreg s16  }
0x24: {  	s13 =	sadd.s32 s14, s6;
	s31 =	sadd.s32 s14, s11;
	s16 =	rddreg [dreg:$0x4]  }
0x25: {  	s6 =	smax.u32 s3, $0x1;
	_ =	strace $0x80000047;
	[dreg:$0x16] =	wrdreg s31  }
0x26: {  	s7 =	sadd.s32 s25, s7;
	s17 =	sadd.s32 s8, s19;
	[dreg:$0x18] =	wrdreg s13  }
0x27: {  	s20 =	sadd.s32 s20, s7;
	s7 =	sadd.s32 s23, s10;
	[dreg:$0x19] =	wrdreg s17  }
0x28: {  	s23 =	sshrl.u32 s15, $0x3;
	s15 =	sadd.s32 s4, s19;
	[smem:$0x7F0] =	sst s6  }
0x29: {  	s25 =	smul.u32 $0x50000, s24;
	s10 =	sadd.s32 s14, s23;
	[smem:$0x7FD] =	sst s15  }
0x2a: {  	s3 =	simm.s32 $0x50;
	s0 =	sadd.s32 s0, s16;
	[dreg:$0x14] =	wrdreg s10  }
0x2b: {  	s11 =	sshrl.u32 s25, $0x2;
	s18 =	sadd.s32 s12, s16;
	[dreg:$0x1a] =	wrdreg s0  }
0x2c: {  	s4 =	sadd.s32 s9, s16;
	s23 =	sadd.s32 s21, s16;
	[dreg:$0x1b] =	wrdreg s18  }
0x2d: {  	s25 =	sadd.s32 s22, s16;
	s31 =	sadd.s32 $0xA00, s2;
	[dreg:$0x1c] =	wrdreg s23  }
0x2e: {  	s8 =	sadd.s32 $0x230, s7;
	s9 =	sadd.s32 $0x1E0, s7;
	[dreg:$0x1d] =	wrdreg s25  }
0x2f: {  	s17 =	sadd.s32 $0x140, s7;
	s6 =	simm.s32 $0x5;
	[dreg:$0x1f] =	wrdreg s31  }
0x30: {  	s10 =	sadd.s32 s14, s26;
	s26 =	sadd.s32 $0x500, s2;
	[smem:$0x7F4] =	sst s17  }
0x31: {  	s2 =	sadd.s32 $0xF00, s2;
	s0 =	sshrl.u32 s8, $0x3;
	[dreg:$0x15] =	wrdreg s10  }
0x32: {  	s12 =	sshrl.u32 s9, $0x3;
	s18 =	sshrl.u32 s4, $0x3;
	[dreg:$0x1e] =	wrdreg s26  }
0x33: {  	s17 =	simm.s32 $0x1;
	s4 =	simm.s32 $0x1E480;
	[smem:$0x7EF] =	sst s2  }
0x34: {  	s8 =	simm.s32 $0x3;
	s0 =	sadd.s32 s0, s14;
	[smem:$0x7F5] =	sst s18  }
0x35: {  	s9 =	simm.s32 $0x6;
	s10 =	sadd.s32 s11, s16;
	[smem:$0x7F1] =	sst s0  }
0x36: {  	s11 =	sadd.s32 $0x190, s7;
	s0 =	sadd.s32 s12, s14;
	[dreg:$0x17] =	wrdreg s10  }
0x37: {  	s18 =	simm.s32 $0x14300;
	s21 =	sadd.s32 $0x2800, s10;
	[smem:$0x7F2] =	sst s0  }
0x38: {  	s7 =	simm.s32 $0x2;
	s22 =	sadd.s32 $0x5000, s10;
	[smem:$0x7F6] =	sst s21  }
0x39: {  	s2 =	simm.s32 $0x0;
	s23 =	sadd.s32 $0x7800, s10;
	[smem:$0x7F7] =	sst s22  }
0x3a: {  	s13 =	sshrl.u32 s11, $0x3;
	s24 =	sadd.s32 $0xA000, s10;
	[smem:$0x7F8] =	sst s23  }
.Ltmp0:
0x3b: {  	s25 =	sadd.s32 $0xC800, s10;
	[smem:$0x7F9] =	sst s24;
	(pc) =	sbr.rel .LBB2_1-.Ltmp0, $4  }
0x3c: {  	s26 =	sadd.s32 $0xF000, s10;
	s31 =	sadd.s32 $0x11800, s10;
	[smem:$0x7FA] =	sst s25  }
0x3d: {  	s10 =	simm.s32 $0x4;
	s14 =	sadd.s32 s13, s14;
	[smem:$0x7FB] =	sst s26  }
0x3e: {  	[smem:$0x7FC] =	sst s31;
	s21 =	simm.s32 $0x19480;
	s22 =	simm.s32 $0x14380  }
0x3f: {  	v0 =	vimm.f32 $0.0e+00;
	v1 =	vimm.f32 $1.000000000e+00;
	s23 =	simm.s32 $0x1BC80;
	s26 =	simm.s32 $0x14400;
	[smem:$0x7F3] =	sst s14  }
.LBB2_23:
0x40: {  	v16 =	vld [tilespmem:s13+$0x1BC90];
	v7 =	vadd.f32 v7, v11;
	v61 =	vmul.f32 v12, v4  }
0x41: {  	v6 =	vadd.f32 v6, v13;
	v62 =	vmul.f32 v15, v4  }
0x42: {  	v3 =	vadd.f32 v3, v14;
	[tilespmem:s13+$0x194C0] =	vst v61;
	v7 =	vmul.f32 v7, v4  }
0x43: {  	v2 =	vadd.f32 v2, v10;
	v6 =	vmul.f32 v6, v4;
	[tilespmem:s13+$0x194A0] =	vst v62  }
0x44: {  	v5 =	vadd.f32 v5, v8;
	v3 =	vmul.f32 v3, v4;
	[tilespmem:s13+$0x194F0] =	vst v7  }
0x45: {  	v2 =	vmul.f32 v2, v4;
	[tilespmem:s13+$0x194E0] =	vst v6;
	v9 =	vadd.f32 v16, v9  }
0x46: {  	[tilespmem:s13+$0x194B0] =	vst v3;
	v3 =	vmul.f32 v5, v4  }
0x47: {  	s0 =	sld [smem:$0x7EF];
	[tilespmem:s13+$0x194D0] =	vst v2;
	v63 =	vmul.f32 v9, v4  }
0x48: {  	[tilespmem:s13+$0x19480] =	vst v3  }
0x49: {  	[tilespmem:s13+$0x19490] =	vst v63  }
0x4a: {  	[hbm4b:s0+s1] =	stream.linear.scatter [tilespmem:s21], [sflag:$0x7], $0x2800, $0x38;
	[tilespmem:$0x1EB80] =	vst v63  }
0x4b: {  	_ =	swait.ge [sflag:s29], $0x2800  }
0x4c: {  	[sflag:s29] =	ssyncset.done $0x0  }
0x4d: {  	s2 =	sld [smem:$0x7EE];
	[sflag:s29] =	ssyncadd.s32 $0xFFFFD800  }
.LBB2_24:
0x4e: {  	s0 =	sld [smem:$0x7F0];
	_ =	sdelay $0x1  }
0x4f: {  	s2 =	sadd.s32 $0x1, s2  }
0x50: {  	p2 =	sne.s32 s2, s0  }
.Ltmp1:
0x51: {  	_ = 	snop;
	(pc) =	sbr.rel @!p2 .LBB2_25-.Ltmp1, $1  }
0x52: {  	_ =	sdelay $0x3  }
.LBB2_1:
0x53: {  	[smem:$0x7EE] =	sst s2;
	s0 =	simm.s32 $0x70;
	s2 =	simm.s32 $0x3C0  }
.LBB2_2:
0x54: {  	p2 =	sne.s32 s2, $0x9FC0;
	[tilespmem:s0+$0x14480] =	vst v0  }
0x55: {  	[tilespmem:s0+$0x14410] =	vst v0  }
0x56: {  	[tilespmem:s0+$0x14420] =	vst v0  }
.Ltmp2:
0x57: {  	[tilespmem:s0+$0x14430] =	vst v0;
	(pc) =	sbr.rel @p2 .LBB2_2-.Ltmp2, $4  }
0x58: {  	[tilespmem:s0+$0x14440] =	vst v0  }
0x59: {  	[tilespmem:s0+$0x14450] =	vst v0  }
0x5a: {  	[tilespmem:s0+$0x14460] =	vst v0  }
0x5b: {  	[tilespmem:s0+$0x14470] =	vst v0;
	s0 =	sshra.s32 s2, $0x2;
	s2 =	sadd.s32 $0x200, s2  }
0x5c: {  	[tilespmem:s0+$0x14480] =	vst v0  }
0x5d: {  	[tilespmem:s0+$0x14410] =	vst v0  }
0x5e: {  	[tilespmem:s0+$0x14420] =	vst v0  }
0x5f: {  	[tilespmem:s0+$0x14430] =	vst v0  }
0x60: {  	[tilespmem:s0+$0x14440] =	vst v0  }
0x61: {  	[tilespmem:s0+$0x14450] =	vst v0  }
0x62: {  	[tilespmem:s0+$0x14460] =	vst v0  }
0x63: {  	[tilespmem:s0+$0x14470] =	vst v0  }
0x64: {  	[tilespmem:$0x1E500] =	vst v0  }
0x65: {  	[tilespmem:$0x1E510] =	vst v0  }
0x66: {  	[tilespmem:$0x1E520] =	vst v0  }
0x67: {  	[tilespmem:$0x1E530] =	vst v0  }
0x68: {  	[tilespmem:$0x1E540] =	vst v0  }
0x69: {  	[tilespmem:$0x1E550] =	vst v0  }
0x6a: {  	[tilespmem:$0x1E560] =	vst v0  }
0x6b: {  	[tilespmem:$0x1E570] =	vst v0  }
0x6c: {  	[tilespmem:$0x1E580] =	vst v0  }
0x6d: {  	[tilespmem:$0x1E590] =	vst v0  }
0x6e: {  	[tilespmem:$0x1E5A0] =	vst v0  }
0x6f: {  	[tilespmem:$0x1E5B0] =	vst v0  }
0x70: {  	[tilespmem:$0x1E5C0] =	vst v0  }
0x71: {  	[tilespmem:$0x1E5D0] =	vst v0  }
0x72: {  	[tilespmem:$0x1E5E0] =	vst v0  }
0x73: {  	[tilespmem:$0x1E5F0] =	vst v0  }
0x74: {  	[tilespmem:$0x1E600] =	vst v0  }
0x75: {  	[tilespmem:$0x1E610] =	vst v0  }
0x76: {  	[tilespmem:$0x1E620] =	vst v0  }
0x77: {  	[tilespmem:$0x1E630] =	vst v0  }
0x78: {  	[tilespmem:$0x1E640] =	vst v0  }
0x79: {  	[tilespmem:$0x1E650] =	vst v0  }
0x7a: {  	[tilespmem:$0x1E660] =	vst v0  }
0x7b: {  	[tilespmem:$0x1E670] =	vst v0  }
0x7c: {  	[tilespmem:$0x1E680] =	vst v0  }
0x7d: {  	[tilespmem:$0x1E690] =	vst v0  }
0x7e: {  	[tilespmem:$0x1E6A0] =	vst v0  }
0x7f: {  	[tilespmem:$0x1E6B0] =	vst v0  }
0x80: {  	[tilespmem:$0x1E6C0] =	vst v0  }
0x81: {  	[tilespmem:$0x1E6D0] =	vst v0  }
0x82: {  	[tilespmem:$0x1E6E0] =	vst v0  }
0x83: {  	[tilespmem:$0x1E6F0] =	vst v0  }
0x84: {  	[tilespmem:$0x1E700] =	vst v0  }
0x85: {  	[tilespmem:$0x1E710] =	vst v0  }
0x86: {  	[tilespmem:$0x1E720] =	vst v0  }
0x87: {  	[tilespmem:$0x1E730] =	vst v0  }
0x88: {  	[tilespmem:$0x1E740] =	vst v0  }
0x89: {  	[tilespmem:$0x1E750] =	vst v0  }
0x8a: {  	[tilespmem:$0x1E760] =	vst v0  }
0x8b: {  	[tilespmem:$0x1E770] =	vst v0  }
0x8c: {  	[tilespmem:$0x1E480] =	vst v1  }
0x8d: {  	[tilespmem:$0x1E490] =	vst v1  }
0x8e: {  	[tilespmem:$0x1E4A0] =	vst v1  }
0x8f: {  	[tilespmem:$0x1E4B0] =	vst v1  }
0x90: {  	s0 =	simm.s32 @!p1 $0x0;
	s2 =	simm.s32 @!p1 $0x1E500;
	s11 =	rddreg [dreg:$0x7];
	[tilespmem:$0x1E4C0] =	vst v1  }
0x91: {  	[hbm4b:s11+s0] =	stream.linear.scatter @!p1 [tilespmem:s2], [sflag:$0x7], $0x10, $0x38;
	[tilespmem:$0x1EB80] =	vst v63  }
0x92: {  	s0 =	simm.s32 @!p1 $0x7  }
0x93: {  	_ =	swait.ge @!p1 [sflag:s0], $0x10  }
0x94: {  	s13 =	simm.s32 $0x0;
	[sflag:s0] =	ssyncset.done @!p1 $0x0  }
0x95: {  	s11 =	simm.s32 $0x16C80;
	s2 =	rddreg [dreg:$0x10];
	[sflag:s0] =	ssyncadd.s32 @!p1 $0xFFFFFFF0  }
0x96: {  	[tilespmem:s11], [sflag:$0x2] =	stream.linear.gather [hbm4b:s2+s13], $0x2800, $0x38;
	[tilespmem:$0x1EB80] =	vst v63  }
0x97: {  	s12 =	rddreg [dreg:$0x14]  }
0x98: {  	[tilespmem:s18], [sflag:$0x2] =	stream.linear.gather [hbm4b:s12+s13], $0x50, $0x38;
	[tilespmem:$0x1EB80] =	vst v63  }
0x99: {  	s14 =	rddreg [dreg:$0x11]  }
0x9a: {  	[tilespmem:s21], [sflag:$0x3] =	stream.linear.gather [hbm4b:s14+s13], $0x2800, $0x38;
	[tilespmem:$0x1EB80] =	vst v63  }
0x9b: {  	s24 =	rddreg [dreg:$0x15]  }
0x9c: {  	[tilespmem:s22], [sflag:$0x3] =	stream.linear.gather [hbm4b:s24+s13], $0x50, $0x38;
	[tilespmem:$0x1EB80] =	vst v63  }
0x9d: {  	s25 =	rddreg [dreg:$0x12]  }
0x9e: {  	[tilespmem:s23], [sflag:$0x4] =	stream.linear.gather [hbm4b:s25+s13], $0x2800, $0x38;
	[tilespmem:$0x1EB80] =	vst v63  }
0x9f: {  	s2 =	rddreg [dreg:$0x16]  }
0xa0: {  	[tilespmem:s26], [sflag:$0x4] =	stream.linear.gather [hbm4b:s2+s13], $0x50, $0x38;
	[tilespmem:$0x1EB80] =	vst v63  }
0xa1: {  	s11 =	rddreg [dreg:$0x17]  }
0xa2: {  	[spmem:s11] =	stream.linear.scatter [tilespmem:s28], [sflag:$0x7], $0x2800, $0x38;
	[tilespmem:$0x1EB80] =	vst v63  }
0xa3: {  	_ =	swait.ge [sflag:s29], $0x2800  }
0xa4: {  	s12 =	sld [smem:$0x7F6]  }
0xa5: {  	[sflag:s29] =	ssyncset.done $0x0  }
0xa6: {  	[sflag:s29] =	ssyncadd.s32 $0xFFFFD800  }
0xa7: {  	[spmem:s12] =	stream.linear.scatter [tilespmem:s28], [sflag:$0x7], $0x2800, $0x38;
	[tilespmem:$0x1EB80] =	vst v63  }
0xa8: {  	_ =	swait.ge [sflag:s29], $0x2800  }
0xa9: {  	s14 =	sld [smem:$0x7F7]  }
0xaa: {  	[sflag:s29] =	ssyncset.done $0x0  }
0xab: {  	[sflag:s29] =	ssyncadd.s32 $0xFFFFD800  }
0xac: {  	[spmem:s14] =	stream.linear.scatter [tilespmem:s28], [sflag:$0x7], $0x2800, $0x38;
	[tilespmem:$0x1EB80] =	vst v63  }
0xad: {  	_ =	swait.ge [sflag:s29], $0x2800  }
0xae: {  	s24 =	sld [smem:$0x7F8]  }
0xaf: {  	[sflag:s29] =	ssyncset.done $0x0  }
0xb0: {  	[sflag:s29] =	ssyncadd.s32 $0xFFFFD800  }
0xb1: {  	[spmem:s24] =	stream.linear.scatter [tilespmem:s28], [sflag:$0x7], $0x2800, $0x38;
	[tilespmem:$0x1EB80] =	vst v63  }
0xb2: {  	_ =	swait.ge [sflag:s29], $0x2800  }
0xb3: {  	s25 =	sld [smem:$0x7F9]  }
0xb4: {  	[sflag:s29] =	ssyncset.done $0x0  }
0xb5: {  	[sflag:s29] =	ssyncadd.s32 $0xFFFFD800  }
0xb6: {  	[spmem:s25] =	stream.linear.scatter [tilespmem:s28], [sflag:$0x7], $0x2800, $0x38;
	[tilespmem:$0x1EB80] =	vst v63  }
0xb7: {  	_ =	swait.ge [sflag:s29], $0x2800  }
0xb8: {  	s2 =	sld [smem:$0x7FA]  }
0xb9: {  	[sflag:s29] =	ssyncset.done $0x0  }
0xba: {  	[sflag:s29] =	ssyncadd.s32 $0xFFFFD800  }
0xbb: {  	[spmem:s2] =	stream.linear.scatter [tilespmem:s28], [sflag:$0x7], $0x2800, $0x38;
	[tilespmem:$0x1EB80] =	vst v63  }
0xbc: {  	_ =	swait.ge [sflag:s29], $0x2800  }
0xbd: {  	s11 =	sld [smem:$0x7FB]  }
0xbe: {  	[sflag:s29] =	ssyncset.done $0x0  }
0xbf: {  	[sflag:s29] =	ssyncadd.s32 $0xFFFFD800  }
0xc0: {  	[spmem:s11] =	stream.linear.scatter [tilespmem:s28], [sflag:$0x7], $0x2800, $0x38;
	[tilespmem:$0x1EB80] =	vst v63  }
0xc1: {  	_ =	swait.ge [sflag:s29], $0x2800  }
0xc2: {  	s12 =	sld [smem:$0x7FC]  }
0xc3: {  	[sflag:s29] =	ssyncset.done $0x0  }
0xc4: {  	[sflag:s29] =	ssyncadd.s32 $0xFFFFD800  }
0xc5: {  	[spmem:s12] =	stream.linear.scatter [tilespmem:s28], [sflag:$0x7], $0x2800, $0x38;
	[tilespmem:$0x1EB80] =	vst v63  }
0xc6: {  	_ =	swait.ge [sflag:s29], $0x2800  }
0xc7: {  	[sflag:s29] =	ssyncset.done $0x0  }
0xc8: {  	s14 =	simm.s32 $0x1E500;
	[sflag:s29] =	ssyncadd.s32 $0xFFFFD800  }
0xc9: {  	[spmem:s15] =	stream.linear.scatter [tilespmem:s14], [sflag:$0x7], $0x280, $0x38;
	[tilespmem:$0x1EB80] =	vst v63  }
0xca: {  	_ =	swait.ge [sflag:s29], $0x280  }
0xcb: {  	[sflag:s29] =	ssyncset.done $0x0  }
0xcc: {  	s24 =	rddreg [dreg:$0x13];
	[sflag:s29] =	ssyncadd.s32 $0xFFFFFD80  }
0xcd: {  	[tilespmem:s28], [sflag:$0x1] =	stream.linear.gather [hbm4b:s24+s13], $0x2800, $0x38;
	[tilespmem:$0x1EB80] =	vst v63  }
0xce: {  	s25 =	rddreg [dreg:$0x18]  }
0xcf: {  	[tilespmem:s30], [sflag:$0x1] =	stream.linear.gather [hbm4b:s25+s13], $0x50, $0x38;
	[tilespmem:$0x1EB80] =	vst v63  }
0xd0: {  	[bflag:$0x0] =	sbarrier.arrive $0xFFFF  }
0xd1: {  	s0 =	sld [smem:$0x7F4]  }
0xd2: {  	s31 =	sld [smem:$0x7F3]  }
0xd3: {  	s11 =	sld [smem:$0x7F2]  }
0xd4: {  	s24 =	sld [smem:$0x7F1]  }
.LBB2_4:
0xd5: {  	_ =	swait.ge [sflag:s17], $0x2800  }
0xd6: {  	[sflag:s17] =	ssyncset.done $0x0  }
0xd7: {  	[sflag:s17] =	ssyncadd.s32 $0xFFFFD800  }
0xd8: {  	_ =	swait.ge [sflag:s17], $0x50  }
0xd9: {  	[sflag:s17] =	ssyncset.done $0x0  }
0xda: {  	[sflag:s17] =	ssyncadd.s32 $0xFFFFFFB0  }
0xdb: {  	[spmem:s16] =	stream.indirect.scatter.add.f32 [tilespmem:s28], [sflag:$0x5], $0x80, s30, s3, $0xb8;
	[tilespmem:$0x1EB80] =	vst v63  }
0xdc: {  	_ = 	snop  }
0xdd: {  	[spmem:s19] =	stream.indirect.scatter.add.f32 [tilespmem:s4], [sflag:$0x6], $0x1, s30, s3, $0xb8;
	[tilespmem:$0x1EB80] =	vst v63  }
0xde: {  	_ =	swait.ge [sflag:s6], $0x2800  }
0xdf: {  	s2 =	sadd.s32 s13, s20;
	[sflag:s6] =	ssyncset.done $0x0  }
0xe0: {  	s25 =	sadd.s32 $0x1400, s2;
	[sflag:s6] =	ssyncadd.s32 $0xFFFFD800  }
0xe1: {  	[tilespmem:s28], [sflag:$0x1] =	stream.linear.gather [hbm4b:s25+s1], $0x2800, $0x38;
	[tilespmem:$0x1EB80] =	vst v63  }
0xe2: {  	s15 =	sshrl.u32 s0, $0x3;
	s12 =	rddreg [dreg:$0x1]  }
0xe3: {  	s25 =	sadd.s32 s12, s15  }
0xe4: {  	[tilespmem:s30], [sflag:$0x1] =	stream.linear.gather [hbm4b:s25+s1], $0x50, $0x38;
	[tilespmem:$0x1EB80] =	vst v63  }
0xe5: {  	_ =	swait.ge [sflag:s7], $0x2800  }
0xe6: {  	[sflag:s7] =	ssyncset.done $0x0  }
0xe7: {  	[sflag:s7] =	ssyncadd.s32 $0xFFFFD800  }
0xe8: {  	_ =	swait.ge [sflag:s7], $0x50  }
0xe9: {  	[sflag:s7] =	ssyncset.done $0x0  }
0xea: {  	s25 =	simm.s32 $0x16C80;
	[sflag:s7] =	ssyncadd.s32 $0xFFFFFFB0  }
0xeb: {  	[spmem:s16] =	stream.indirect.scatter.add.f32 [tilespmem:s25], [sflag:$0x5], $0x80, s18, s3, $0xb8;
	[tilespmem:$0x1EB80] =	vst v63  }
0xec: {  	_ = 	snop  }
0xed: {  	[spmem:s19] =	stream.indirect.scatter.add.f32 [tilespmem:s4], [sflag:$0x6], $0x1, s18, s3, $0xb8;
	[tilespmem:$0x1EB80] =	vst v63  }
0xee: {  	p2 =	seq.s32 s13, $0x25800;
	_ =	swait.ge [sflag:s6], $0x2800  }
0xef: {  	s14 =	simm.s32 @!p2 $0x0;
	s25 =	sadd.s32 @!p2 s13, s20;
	[sflag:s6] =	ssyncset.done $0x0  }
0xf0: {  	s15 =	simm.s32 @!p2 $0x16C80;
	s12 =	sadd.s32 @!p2 $0x1900, s25;
	[sflag:s6] =	ssyncadd.s32 $0xFFFFD800  }
0xf1: {  	[tilespmem:s15], [sflag:$0x2] =	stream.linear.gather @!p2 [hbm4b:s12+s14], $0x2800, $0x38;
	[tilespmem:$0x1EB80] =	vst v63  }
0xf2: {  	s12 =	simm.s32 @!p2 $0x14300  }
0xf3: {  	[tilespmem:s12], [sflag:$0x2] =	stream.linear.gather @!p2 [hbm4b:s31+s14], $0x50, $0x38;
	[tilespmem:$0x1EB80] =	vst v63  }
0xf4: {  	_ =	swait.ge [sflag:s8], $0x2800  }
0xf5: {  	[sflag:s8] =	ssyncset.done $0x0  }
0xf6: {  	[sflag:s8] =	ssyncadd.s32 $0xFFFFD800  }
0xf7: {  	_ =	swait.ge [sflag:s8], $0x50  }
0xf8: {  	[sflag:s8] =	ssyncset.done $0x0  }
0xf9: {  	[sflag:s8] =	ssyncadd.s32 $0xFFFFFFB0  }
0xfa: {  	[spmem:s16] =	stream.indirect.scatter.add.f32 [tilespmem:s21], [sflag:$0x5], $0x80, s22, s3, $0xb8;
	[tilespmem:$0x1EB80] =	vst v63  }
0xfb: {  	_ = 	snop  }
0xfc: {  	[spmem:s19] =	stream.indirect.scatter.add.f32 [tilespmem:s4], [sflag:$0x6], $0x1, s22, s3, $0xb8;
	[tilespmem:$0x1EB80] =	vst v63  }
0xfd: {  	_ =	swait.ge [sflag:s6], $0x2800  }
0xfe: {  	[sflag:s6] =	ssyncset.done $0x0  }
0xff: {  	s15 =	simm.s32 @!p2 $0x19480;
	s12 =	sadd.s32 @!p2 $0x1E00, s25;
	[sflag:s6] =	ssyncadd.s32 $0xFFFFD800  }
0x100: {  	[tilespmem:s15], [sflag:$0x3] =	stream.linear.gather @!p2 [hbm4b:s12+s14], $0x2800, $0x38;
	[tilespmem:$0x1EB80] =	vst v63  }
0x101: {  	s12 =	simm.s32 @!p2 $0x14380  }
0x102: {  	[tilespmem:s12], [sflag:$0x3] =	stream.linear.gather @!p2 [hbm4b:s11+s14], $0x50, $0x38;
	[tilespmem:$0x1EB80] =	vst v63  }
0x103: {  	_ =	swait.ge [sflag:s10], $0x2800  }
0x104: {  	[sflag:s10] =	ssyncset.done $0x0  }
0x105: {  	[sflag:s10] =	ssyncadd.s32 $0xFFFFD800  }
0x106: {  	_ =	swait.ge [sflag:s10], $0x50  }
0x107: {  	[sflag:s10] =	ssyncset.done $0x0  }
0x108: {  	[sflag:s10] =	ssyncadd.s32 $0xFFFFFFB0  }
0x109: {  	[spmem:s16] =	stream.indirect.scatter.add.f32 [tilespmem:s23], [sflag:$0x5], $0x80, s26, s3, $0xb8;
	[tilespmem:$0x1EB80] =	vst v63  }
.Ltmp3:
0x10a: {  	_ = 	snop;
	(pc) =	sbr.rel @p2 .LBB2_6-.Ltmp3, $4  }
0x10b: {  	[spmem:s19] =	stream.indirect.scatter.add.f32 [tilespmem:s4], [sflag:$0x6], $0x1, s26, s3, $0xb8;
	[tilespmem:$0x1EB80] =	vst v63  }
0x10c: {  	_ =	swait.ge [sflag:s6], $0x2800  }
0x10d: {  	[sflag:s6] =	ssyncset.done $0x0  }
0x10e: {  	[sflag:s6] =	ssyncadd.s32 $0xFFFFD800  }
.Ltmp4:
0x10f: {  	s2 =	sadd.s32 $0x2300, s2;
	(pc) =	sbr.rel .LBB2_4-.Ltmp4, $4  }
0x110: {  	[tilespmem:s23], [sflag:$0x4] =	stream.linear.gather [hbm4b:s2+s1], $0x2800, $0x38;
	[tilespmem:$0x1EB80] =	vst v63  }
0x111: {  	s13 =	sadd.s32 $0x1400, s13;
	s11 =	sadd.s32 $0x28, s11  }
0x112: {  	[tilespmem:s26], [sflag:$0x4] =	stream.linear.gather [hbm4b:s24+s1], $0x50, $0x38;
	[tilespmem:$0x1EB80] =	vst v63  }
0x113: {  	s31 =	sadd.s32 $0x28, s31;
	s0 =	sadd.s32 $0x140, s0;
	s24 =	sadd.s32 $0x28, s24  }
.LBB2_6:
0x114: {  	_ =	swait.ge [sflag:s17], $0x2800  }
0x115: {  	[sflag:s17] =	ssyncset.done $0x0  }
0x116: {  	[sflag:s17] =	ssyncadd.s32 $0xFFFFD800  }
0x117: {  	_ =	swait.ge [sflag:s17], $0x50  }
0x118: {  	[sflag:s17] =	ssyncset.done $0x0  }
0x119: {  	[sflag:s17] =	ssyncadd.s32 $0xFFFFFFB0  }
0x11a: {  	[spmem:s16] =	stream.indirect.scatter.add.f32 [tilespmem:s28], [sflag:$0x5], $0x80, s30, s3, $0xb8;
	[tilespmem:$0x1EB80] =	vst v63  }
0x11b: {  	_ = 	snop  }
0x11c: {  	[spmem:s19] =	stream.indirect.scatter.add.f32 [tilespmem:s4], [sflag:$0x6], $0x1, s30, s3, $0xb8;
	[tilespmem:$0x1EB80] =	vst v63  }
0x11d: {  	_ =	swait.ge [sflag:s6], $0x2800  }
0x11e: {  	[sflag:s6] =	ssyncset.done $0x0  }
0x11f: {  	[sflag:s6] =	ssyncadd.s32 $0xFFFFD800  }
0x120: {  	_ =	swait.ge [sflag:s9], $0x50  }
0x121: {  	s0 =	simm.s32 $0x7C;
	[sflag:s9] =	ssyncset.done $0x0;
	s15 =	sld [smem:$0x7FD]  }
.LBB2_7:
0x122: {  	p2 =	sne.s32 s0, $0x1;
	s0 =	sadd.s32 $0xFFFFFFFF, s0;
	[sflag:s9] =	ssyncadd.s32 $0xFFFFFFB0  }
.Ltmp5:
0x123: {  	(pc) =	sbr.rel @p2 .LBB2_7-.Ltmp5, $3  }
0x124: {  	_ =	sdelay $0x1  }
0x125: {  	_ =	swait.ge [sflag:s9], $0x50  }
0x126: {  	[sflag:s9] =	ssyncset.done $0x0  }
0x127: {  	[sflag:s9] =	ssyncadd.s32 $0xFFFFFFB0  }
0x128: {  	[bflag:$0x0] =	sbarrier.arrive $0xFFFF  }
0x129: {  	s0 =	stileid.u32;
	s11 =	sld [smem:$0x7F5]  }
0x12a: {  	s0 =	sshll.u32 s0, $0x6  }
0x12b: {  	s0 =	sor.u32 $0x1C07, s0;
	s2 =	rddreg [dreg:$0x8]  }
0x12c: {  	[hbm:s2], [sflag:s0] =	dma.local [spmem:s11], $0x1400  }
0x12d: {  	_ =	swait.ge [sflag:s29], $0x1400  }
0x12e: {  	[sflag:s29] =	ssyncset.done $0x0  }
0x12f: {  	s25 =	sshrl.u32 s15, $0x3;
	s31 =	rddreg [dreg:$0x9];
	[sflag:s29] =	ssyncadd.s32 $0xFFFFEC00  }
0x130: {  	[hbm:s31], [sflag:s0] =	dma.local [spmem:s25], $0x50  }
.Ltmp6:
0x131: {  	_ =	swait.ge [sflag:s29], $0x50;
	(pc) =	sbr.rel @p1 .LBB2_14-.Ltmp6, $3  }
0x132: {  	[sflag:s29] =	ssyncset.done $0x0  }
0x133: {  	[sflag:s29] =	ssyncadd.s32 $0xFFFFFFB0  }
0x134: {  	[bflag:$0x0] =	sbarrier.arrive $0xFFFF;
	_ =	sdelay $0x1  }
0x135: {  	s0 =	rddreg [dreg:$0x7]  }
0x136: {  	[hbm4b:s0+s1] =	stream.linear.scatter [tilespmem:s4], [sflag:$0x7], $0x10, $0x38;
	[tilespmem:$0x1EB80] =	vst v63  }
0x137: {  	s0 =	simm.f32 $0.0e+00;
	_ =	swait.ge [sflag:s29], $0x10  }
0x138: {  	p2 =	slt.f32 s0, $5.000000000e-01;
	[sflag:s29] =	ssyncset.done $0x0  }
0x139: {  	[sflag:s29] =	ssyncadd.s32 $0xFFFFFFF0  }
0x13a: {  	s2 =	simm.s32 @p2 $0x0;
	s11 =	simm.s32 @p2 $0x1EB00;
	s12 =	simm.s32 @p2 $0x7;
	[tilespmem:$0x1EB00] =	vst v0  }
0x13b: {  	[tilespmem:s11], [sflag:$0x7] =	stream.linear.gather @p2 [hbm4b:s5+s2], $0x10, $0x38;
	[tilespmem:$0x1EB80] =	vst v63  }
0x13c: {  	_ =	swait.ge @p2 [sflag:s12], $0x10  }
0x13d: {  	[sflag:s12] =	ssyncset.done @p2 $0x0  }
0x13e: {  	[sflag:s12] =	ssyncadd.s32 @p2 $0xFFFFFFF0  }
0x13f: {  	v2 =	vld [tilespmem:$0x1EB00];
	_ =	sdelay $0x4  }
0x140: {  	(v2sf) =	vpush v2, $0x0;
	_ =	sdelay $0xe  }
0x141: {  	s2 =	simm.s32 $0x3F;
	s11 =	spop (v2sf)  }
.LBB2_10:
0x142: {  	s2 =	sadd.s32 $0xFFFFFFFF, s2;
	s0 =	smax.f32 s0, s11  }
0x143: {  	p3 =	slt.f32 s0, $5.000000000e-01;
	p2 =	sne.s32 s2, $0x0;
	_ =	sdelay $0x1  }
0x144: {  	s11 =	simm.s32 @p3 $0x0;
	s12 =	simm.s32 @p3 $0x1EB00;
	s13 =	simm.s32 @p3 $0x7  }
0x145: {  	[tilespmem:s12], [sflag:$0x7] =	stream.linear.gather @p3 [hbm4b:s5+s11], $0x10, $0x38;
	[tilespmem:$0x1EB80] =	vst v63  }
0x146: {  	_ =	swait.ge @p3 [sflag:s13], $0x10  }
0x147: {  	[sflag:s13] =	ssyncset.done @p3 $0x0  }
0x148: {  	[sflag:s13] =	ssyncadd.s32 @p3 $0xFFFFFFF0  }
0x149: {  	v2 =	vld [tilespmem:$0x1EB00];
	_ =	sdelay $0x4  }
0x14a: {  	(v2sf) =	vpush v2, $0x0;
	_ =	sdelay $0xa  }
.Ltmp7:
0x14b: {  	(pc) =	sbr.rel @p2 .LBB2_10-.Ltmp7, $2  }
0x14c: {  	_ =	sdelay $0x2  }
0x14d: {  	s11 =	spop (v2sf)  }
0x14e: {  	s0 =	smax.f32 s0, s11  }
0x14f: {  	p2 =	slt.f32 s0, $5.000000000e-01  }
.Ltmp8:
0x150: {  	_ = 	snop;
	(pc) =	sbr.rel @!p2 .LBB2_14-.Ltmp8, $1  }
0x151: {  	_ =	sdelay $0x3  }
0x152: {  	s0 =	simm.f32 $0.0e+00  }
0x153: {  	p2 =	slt.f32 s0, $5.000000000e-01;
	_ =	sdelay $0x1  }
0x154: {  	s2 =	simm.s32 @p2 $0x0;
	s11 =	simm.s32 @p2 $0x1EB00;
	s12 =	simm.s32 @p2 $0x7  }
0x155: {  	[tilespmem:s11], [sflag:$0x7] =	stream.linear.gather @p2 [hbm4b:s5+s2], $0x10, $0x38;
	[tilespmem:$0x1EB80] =	vst v63  }
0x156: {  	_ =	swait.ge @p2 [sflag:s12], $0x10  }
0x157: {  	[sflag:s12] =	ssyncset.done @p2 $0x0  }
0x158: {  	[sflag:s12] =	ssyncadd.s32 @p2 $0xFFFFFFF0  }
0x159: {  	v2 =	vld [tilespmem:$0x1EB00];
	_ =	sdelay $0x4  }
0x15a: {  	(v2sf) =	vpush v2, $0x0;
	_ =	sdelay $0xe  }
0x15b: {  	s2 =	simm.s32 $0xFFF;
	s11 =	spop (v2sf)  }
.LBB2_13:
0x15c: {  	s2 =	sadd.s32 $0xFFFFFFFF, s2;
	s0 =	smax.f32 s0, s11  }
0x15d: {  	p3 =	slt.f32 s0, $5.000000000e-01;
	p2 =	sne.s32 s2, $0x0;
	_ =	sdelay $0x1  }
0x15e: {  	s11 =	simm.s32 @p3 $0x0;
	s12 =	simm.s32 @p3 $0x1EB00;
	s13 =	simm.s32 @p3 $0x7  }
0x15f: {  	[tilespmem:s12], [sflag:$0x7] =	stream.linear.gather @p3 [hbm4b:s5+s11], $0x10, $0x38;
	[tilespmem:$0x1EB80] =	vst v63  }
0x160: {  	_ =	swait.ge @p3 [sflag:s13], $0x10  }
0x161: {  	[sflag:s13] =	ssyncset.done @p3 $0x0  }
0x162: {  	[sflag:s13] =	ssyncadd.s32 @p3 $0xFFFFFFF0  }
0x163: {  	v2 =	vld [tilespmem:$0x1EB00];
	_ =	sdelay $0x4  }
0x164: {  	(v2sf) =	vpush v2, $0x0;
	_ =	sdelay $0xa  }
.Ltmp9:
0x165: {  	(pc) =	sbr.rel @p2 .LBB2_13-.Ltmp9, $2  }
0x166: {  	_ =	sdelay $0x2  }
0x167: {  	s11 =	spop (v2sf)  }
.LBB2_14:
0x168: {  	[bflag:$0x0] =	sbarrier.arrive $0xFFFF  }
0x169: {  	s2 =	simm.s32 $0x1E780;
	s0 =	rddreg [dreg:$0x19]  }
0x16a: {  	[tilespmem:s2], [sflag:$0x7] =	stream.linear.gather [spmem:s0], $0x140, $0x38;
	[tilespmem:$0x1EB80] =	vst v63  }
0x16b: {  	_ =	swait.ge [sflag:s29], $0x140  }
0x16c: {  	[sflag:s29] =	ssyncset.done $0x0  }
0x16d: {  	s14 =	simm.s32 $0x1E900;
	s13 =	rddreg [dreg:$0xa];
	[sflag:s29] =	ssyncadd.s32 $0xFFFFFEC0  }
0x16e: {  	[tilespmem:s14], [sflag:$0x7] =	stream.linear.gather [hbm4b:s13+s1], $0x140, $0x38;
	[tilespmem:$0x1EB80] =	vst v63  }
0x16f: {  	_ =	swait.ge [sflag:s29], $0x140  }
0x170: {  	[sflag:s29] =	ssyncset.done $0x0  }
0x171: {  	s24 =	rddreg [dreg:$0x1a];
	[sflag:s29] =	ssyncadd.s32 $0xFFFFFEC0  }
0x172: {  	[tilespmem:s28], [sflag:$0x3] =	stream.linear.gather [spmem:s24], $0x2800, $0x38;
	[tilespmem:$0x1EB80] =	vst v63  }
0x173: {  	s31 =	simm.s32 $0x16C80;
	s25 =	rddreg [dreg:$0xb]  }
0x174: {  	[tilespmem:s31], [sflag:$0x1] =	stream.linear.gather [hbm4b:s25+s1], $0x2800, $0x38;
	[tilespmem:$0x1EB80] =	vst v63  }
0x175: {  	_ =	swait.ge [sflag:s8], $0x2800  }
0x176: {  	[sflag:s8] =	ssyncset.done $0x0  }
0x177: {  	[sflag:s8] =	ssyncadd.s32 $0xFFFFD800  }
0x178: {  	_ =	swait.ge [sflag:s17], $0x2800  }
0x179: {  	[sflag:s17] =	ssyncset.done $0x0  }
0x17a: {  	s0 =	simm.s32 @!p0 $0x19480;
	s2 =	rddreg [dreg:$0x1b];
	[sflag:s17] =	ssyncadd.s32 $0xFFFFD800  }
0x17b: {  	[tilespmem:s0], [sflag:$0x4] =	stream.linear.gather @!p0 [spmem:s2], $0x2800, $0x38;
	[tilespmem:$0x1EB80] =	vst v63  }
0x17c: {  	s11 =	rddreg [dreg:$0xd];
	s0 =	simm.s32 @!p0 $0x0;
	s2 =	simm.s32 @!p0 $0x1BC80  }
0x17d: {  	[tilespmem:s2], [sflag:$0x2] =	stream.linear.gather @!p0 [hbm4b:s11+s0], $0x2800, $0x38;
	[tilespmem:$0x1EB80] =	vst v63  }
0x17e: {  	v2 =	vld [tilespmem:$0x1E780]  }
0x17f: {  	v3 =	vld [tilespmem:$0x1E900]  }
0x180: {  	v4 =	vld [tilespmem:$0x1E790]  }
0x181: {  	v5 =	vld [tilespmem:$0x1E910]  }
0x182: {  	v6 =	vld [tilespmem:$0x1E7A0]  }
0x183: {  	v7 =	vld [tilespmem:$0x1E920]  }
0x184: {  	v8 =	vld [tilespmem:$0x1E7B0]  }
0x185: {  	v9 =	vld [tilespmem:$0x1E930]  }
0x186: {  	v10 =	vld [tilespmem:$0x1E7C0]  }
0x187: {  	v11 =	vld [tilespmem:$0x1E940]  }
0x188: {  	v2 =	vadd.f32 v3, v2  }
0x189: {  	v3 =	vadd.f32 v5, v4  }
0x18a: {  	v4 =	vadd.f32 v7, v6;
	v2 =	vmax.f32 v2, $1.000000000e+00  }
0x18b: {  	(erf) = vrcp.f32 v2;
	v2 =	vmax.f32 v3, $1.000000000e+00;
	v3 =	vadd.f32 v9, v8  }
0x18c: {  	(erf) = vrcp.f32 v2;
	v2 =	vmax.f32 v4, $1.000000000e+00;
	v4 =	vadd.f32 v11, v10  }
0x18d: {  	(erf) = vrcp.f32 v2;
	v2 =	vmax.f32 v3, $1.000000000e+00  }
0x18e: {  	(erf) = vrcp.f32 v2;
	v2 =	vmax.f32 v4, $1.000000000e+00  }
0x18f: {  	(erf) = vrcp.f32 v2;
	_ =	sdelay $0x4  }
0x190: {  	[tilespmem:$0x1EAD0] =	vst v1;
	v2 =	vpop (erf)  }
0x191: {  	v3 =	vpop (erf);
	[tilespmem:$0x1EA80] =	vst v2  }
0x192: {  	v2 =	vpop (erf);
	[tilespmem:$0x1EA90] =	vst v3  }
0x193: {  	v3 =	vpop (erf);
	[tilespmem:$0x1EAA0] =	vst v2  }
0x194: {  	[tilespmem:$0x1EAB0] =	vst v3;
	v2 =	vpop (erf)  }
0x195: {  	s13 =	simm.s32 $0x0;
	[tilespmem:$0x1EAC0] =	vst v2  }
0x196: {  	v2 =	vld [tilespmem:s13+$0x16CD0]  }
0x197: {  	v9 =	vld [tilespmem:s13+$0x16CC0]  }
0x198: {  	v3 =	vld [tilespmem:s13+$0x16CB0]  }
0x199: {  	v6 =	vld [tilespmem:s13+$0x16CE0]  }
0x19a: {  	v7 =	vld [tilespmem:s13+$0x16CF0]  }
0x19b: {  	v11 =	vld [tilespmem:s13+$0x144C0]  }
0x19c: {  	v5 =	vld [tilespmem:s13+$0x16C80]  }
0x19d: {  	v15 =	vld [tilespmem:s13+$0x16CA0]  }
0x19e: {  	v16 =	vld [tilespmem:s13+$0x144A0]  }
0x19f: {  	v13 =	vld [tilespmem:s13+$0x144E0]  }
0x1a0: {  	v12 =	vld [tilespmem:s13+$0x144F0]  }
0x1a1: {  	s0 =	simm.s32 $0x1EA80;
	v10 =	vld [tilespmem:s13+$0x144D0]  }
0x1a2: {  	v4 =	vld.msk [tilespmem:s0+$0x0 ss:$0x0], $0xffff  }
0x1a3: {  	v8 =	vld [tilespmem:s13+$0x14480]  }
0x1a4: {  	v14 =	vld [tilespmem:s13+$0x144B0]  }
0x1a5: {  	s2 =	simm.s32 $0x200;
	v11 =	vadd.f32 v9, v11;
	v15 =	vadd.f32 v15, v16;
	v9 =	vld [tilespmem:s13+$0x14490]  }
.LBB2_15:
0x1a6: {  	s12 =	smov.u32 s2  }
0x1a7: {  	s11 =	sshra.s32 s2, $0x2;
	v16 =	vld [tilespmem:s13+$0x16C90];
	v6 =	vadd.f32 v6, v13;
	s0 =	sadd.s32 $0x1, s0;
	s12 =	sadd.s32 $0x200, s2  }
0x1a8: {  	p2 =	sne.s32 s2, $0x9E00;
	v10 =	vadd.f32 v2, v10;
	v7 =	vadd.f32 v7, v12;
	v2 =	vld [tilespmem:s11+$0x16CD0]  }
0x1a9: {  	v11 =	vmul.f32 v11, v4;
	v5 =	vadd.f32 v5, v8;
	v8 =	vmul.f32 v15, v4;
	v12 =	vld [tilespmem:s11+$0x16CC0]  }
0x1aa: {  	v10 =	vmul.f32 v10, v4;
	v13 =	vadd.f32 v3, v14;
	v14 =	vmul.f32 v6, v4;
	v3 =	vld [tilespmem:s11+$0x16CB0]  }
0x1ab: {  	v15 =	vmul.f32 v5, v4;
	v5 =	vmul.f32 v7, v4;
	v6 =	vld [tilespmem:s11+$0x16CE0];
	[tilespmem:s13+$0x144C0] =	vst v11  }
0x1ac: {  	v9 =	vadd.f32 v16, v9;
	v7 =	vld [tilespmem:s11+$0x16CF0];
	[tilespmem:s13+$0x144A0] =	vst v8;
	v8 =	vmul.f32 v13, v4  }
0x1ad: {  	v11 =	vld [tilespmem:s11+$0x144C0];
	[tilespmem:s13+$0x144F0] =	vst v5  }
0x1ae: {  	v4 =	vmul.f32 v9, v4;
	v5 =	vld [tilespmem:s11+$0x16C80];
	[tilespmem:s13+$0x144E0] =	vst v14  }
0x1af: {  	v9 =	vld [tilespmem:s11+$0x16CA0];
	[tilespmem:s13+$0x144B0] =	vst v8  }
0x1b0: {  	v14 =	vld [tilespmem:s11+$0x144A0];
	[tilespmem:s13+$0x14490] =	vst v4  }
0x1b1: {  	v13 =	vld [tilespmem:s11+$0x144E0];
	[tilespmem:s13+$0x144D0] =	vst v10  }
0x1b2: {  	v11 =	vadd.f32 v12, v11;
	v12 =	vld [tilespmem:s11+$0x144F0];
	[tilespmem:s13+$0x14480] =	vst v15;
	s13 =	smov.u32 s11  }
.Ltmp10:
0x1b3: {  	v10 =	vld [tilespmem:s13+$0x144D0];
	(pc) =	sbr.rel @p2 .LBB2_15-.Ltmp10, $4  }
0x1b4: {  	v4 =	vld.msk [tilespmem:s0+$0x0 ss:$0x0], $0xffff  }
0x1b5: {  	v8 =	vld [tilespmem:s13+$0x14480];
	v15 =	vadd.f32 v9, v14  }
0x1b6: {  	v14 =	vld [tilespmem:s13+$0x144B0]  }
0x1b7: {  	s2 =	smov.u32 s12;
	v9 =	vld [tilespmem:s13+$0x14490]  }
0x1b8: {  	v16 =	vld [tilespmem:s13+$0x16C90]  }
0x1b9: {  	v7 =	vadd.f32 v7, v12;
	v11 =	vmul.f32 v11, v4  }
0x1ba: {  	v6 =	vadd.f32 v6, v13;
	v62 =	vmul.f32 v15, v4  }
0x1bb: {  	v2 =	vadd.f32 v2, v10;
	v7 =	vmul.f32 v7, v4;
	[tilespmem:s13+$0x144C0] =	vst v11  }
0x1bc: {  	v6 =	vmul.f32 v6, v4;
	v3 =	vadd.f32 v3, v14;
	[tilespmem:s13+$0x144A0] =	vst v62  }
0x1bd: {  	v2 =	vmul.f32 v2, v4;
	[tilespmem:s13+$0x144F0] =	vst v7;
	v9 =	vadd.f32 v16, v9  }
0x1be: {  	v5 =	vadd.f32 v5, v8;
	[tilespmem:s13+$0x144E0] =	vst v6;
	v3 =	vmul.f32 v3, v4  }
0x1bf: {  	[tilespmem:s13+$0x144D0] =	vst v2;
	v63 =	vmul.f32 v9, v4  }
0x1c0: {  	[tilespmem:s13+$0x144B0] =	vst v3;
	v3 =	vmul.f32 v5, v4  }
0x1c1: {  	[tilespmem:s13+$0x14490] =	vst v63  }
.Ltmp11:
0x1c2: {  	s0 =	rddreg [dreg:$0xc];
	[tilespmem:s13+$0x14480] =	vst v3;
	(pc) =	sbr.rel @p0 .LBB2_24-.Ltmp11, $4  }
0x1c3: {  	[hbm4b:s0+s1] =	stream.linear.scatter [tilespmem:s28], [sflag:$0x7], $0x2800, $0x38;
	[tilespmem:$0x1EB80] =	vst v63  }
0x1c4: {  	_ =	swait.ge [sflag:s29], $0x2800  }
0x1c5: {  	[sflag:s29] =	ssyncset.done $0x0  }
0x1c6: {  	s2 =	sld [smem:$0x7EE];
	[sflag:s29] =	ssyncadd.s32 $0xFFFFD800  }
0x1c7: {  	_ =	swait.ge [sflag:s10], $0x2800  }
0x1c8: {  	[sflag:s10] =	ssyncset.done $0x0  }
0x1c9: {  	[sflag:s10] =	ssyncadd.s32 $0xFFFFD800  }
0x1ca: {  	_ =	swait.ge [sflag:s7], $0x2800  }
0x1cb: {  	[sflag:s7] =	ssyncset.done $0x0  }
0x1cc: {  	s0 =	rddreg [dreg:$0x1c];
	[sflag:s7] =	ssyncadd.s32 $0xFFFFD800  }
0x1cd: {  	[tilespmem:s28], [sflag:$0x3] =	stream.linear.gather [spmem:s0], $0x2800, $0x38;
	[tilespmem:$0x1EB80] =	vst v63  }
0x1ce: {  	s31 =	simm.s32 $0x0;
	s11 =	simm.s32 $0x16C80;
	s2 =	rddreg [dreg:$0xe]  }
0x1cf: {  	[tilespmem:s11], [sflag:$0x1] =	stream.linear.gather [hbm4b:s2+s31], $0x2800, $0x38;
	[tilespmem:$0x1EB80] =	vst v63  }
0x1d0: {  	v2 =	vld [tilespmem:$0x1E7D0]  }
0x1d1: {  	v3 =	vld [tilespmem:$0x1E950]  }
0x1d2: {  	v4 =	vld [tilespmem:$0x1E7E0]  }
0x1d3: {  	v5 =	vld [tilespmem:$0x1E960]  }
0x1d4: {  	v6 =	vld [tilespmem:$0x1E7F0]  }
0x1d5: {  	v7 =	vld [tilespmem:$0x1E970]  }
0x1d6: {  	v8 =	vld [tilespmem:$0x1E800]  }
0x1d7: {  	v9 =	vld [tilespmem:$0x1E980]  }
0x1d8: {  	v10 =	vld [tilespmem:$0x1E810]  }
0x1d9: {  	v11 =	vld [tilespmem:$0x1E990]  }
0x1da: {  	v2 =	vadd.f32 v3, v2  }
0x1db: {  	v3 =	vadd.f32 v5, v4  }
0x1dc: {  	v4 =	vadd.f32 v7, v6;
	v2 =	vmax.f32 v2, $1.000000000e+00  }
0x1dd: {  	(erf) = vrcp.f32 v2;
	v2 =	vmax.f32 v3, $1.000000000e+00;
	v3 =	vadd.f32 v9, v8  }
0x1de: {  	(erf) = vrcp.f32 v2;
	v2 =	vmax.f32 v4, $1.000000000e+00;
	v4 =	vadd.f32 v11, v10  }
0x1df: {  	(erf) = vrcp.f32 v2;
	v2 =	vmax.f32 v3, $1.000000000e+00  }
0x1e0: {  	(erf) = vrcp.f32 v2;
	v2 =	vmax.f32 v4, $1.000000000e+00  }
0x1e1: {  	(erf) = vrcp.f32 v2;
	_ =	sdelay $0x4  }
0x1e2: {  	[tilespmem:$0x1EAD0] =	vst v1;
	v2 =	vpop (erf)  }
0x1e3: {  	v3 =	vpop (erf);
	[tilespmem:$0x1EA80] =	vst v2  }
0x1e4: {  	v2 =	vpop (erf);
	[tilespmem:$0x1EA90] =	vst v3  }
0x1e5: {  	v3 =	vpop (erf);
	[tilespmem:$0x1EAA0] =	vst v2  }
0x1e6: {  	[tilespmem:$0x1EAB0] =	vst v3;
	v2 =	vpop (erf)  }
0x1e7: {  	s13 =	simm.s32 $0x0;
	[tilespmem:$0x1EAC0] =	vst v2  }
0x1e8: {  	v2 =	vld [tilespmem:s13+$0x1BCD0]  }
0x1e9: {  	v9 =	vld [tilespmem:s13+$0x1BCC0]  }
0x1ea: {  	v3 =	vld [tilespmem:s13+$0x1BCB0]  }
0x1eb: {  	v6 =	vld [tilespmem:s13+$0x1BCE0]  }
0x1ec: {  	v7 =	vld [tilespmem:s13+$0x1BCF0]  }
0x1ed: {  	v11 =	vld [tilespmem:s13+$0x194C0]  }
0x1ee: {  	v5 =	vld [tilespmem:s13+$0x1BC80]  }
0x1ef: {  	v15 =	vld [tilespmem:s13+$0x1BCA0]  }
0x1f0: {  	v16 =	vld [tilespmem:s13+$0x194A0]  }
0x1f1: {  	v13 =	vld [tilespmem:s13+$0x194E0]  }
0x1f2: {  	v12 =	vld [tilespmem:s13+$0x194F0]  }
0x1f3: {  	s0 =	simm.s32 $0x1EA80;
	v10 =	vld [tilespmem:s13+$0x194D0]  }
0x1f4: {  	v4 =	vld.msk [tilespmem:s0+$0x0 ss:$0x0], $0xffff  }
0x1f5: {  	v8 =	vld [tilespmem:s13+$0x19480]  }
0x1f6: {  	v14 =	vld [tilespmem:s13+$0x194B0]  }
0x1f7: {  	s2 =	simm.s32 $0x200;
	v11 =	vadd.f32 v9, v11;
	v15 =	vadd.f32 v15, v16;
	v9 =	vld [tilespmem:s13+$0x19490]  }
.LBB2_18:
0x1f8: {  	s12 =	smov.u32 s2  }
0x1f9: {  	s11 =	sshra.s32 s2, $0x2;
	v16 =	vld [tilespmem:s13+$0x1BC90];
	v6 =	vadd.f32 v6, v13;
	s0 =	sadd.s32 $0x1, s0;
	s12 =	sadd.s32 $0x200, s2  }
0x1fa: {  	p2 =	sne.s32 s2, $0x9E00;
	v10 =	vadd.f32 v2, v10;
	v7 =	vadd.f32 v7, v12;
	v2 =	vld [tilespmem:s11+$0x1BCD0]  }
0x1fb: {  	v11 =	vmul.f32 v11, v4;
	v5 =	vadd.f32 v5, v8;
	v8 =	vmul.f32 v15, v4;
	v12 =	vld [tilespmem:s11+$0x1BCC0]  }
0x1fc: {  	v10 =	vmul.f32 v10, v4;
	v13 =	vadd.f32 v3, v14;
	v14 =	vmul.f32 v6, v4;
	v3 =	vld [tilespmem:s11+$0x1BCB0]  }
0x1fd: {  	v15 =	vmul.f32 v5, v4;
	v5 =	vmul.f32 v7, v4;
	v6 =	vld [tilespmem:s11+$0x1BCE0];
	[tilespmem:s13+$0x194C0] =	vst v11  }
0x1fe: {  	v9 =	vadd.f32 v16, v9;
	v7 =	vld [tilespmem:s11+$0x1BCF0];
	[tilespmem:s13+$0x194A0] =	vst v8;
	v8 =	vmul.f32 v13, v4  }
0x1ff: {  	v11 =	vld [tilespmem:s11+$0x194C0];
	[tilespmem:s13+$0x194F0] =	vst v5  }
0x200: {  	v4 =	vmul.f32 v9, v4;
	v5 =	vld [tilespmem:s11+$0x1BC80];
	[tilespmem:s13+$0x194E0] =	vst v14  }
0x201: {  	v9 =	vld [tilespmem:s11+$0x1BCA0];
	[tilespmem:s13+$0x194B0] =	vst v8  }
0x202: {  	v14 =	vld [tilespmem:s11+$0x194A0];
	[tilespmem:s13+$0x19490] =	vst v4  }
0x203: {  	v13 =	vld [tilespmem:s11+$0x194E0];
	[tilespmem:s13+$0x194D0] =	vst v10  }
0x204: {  	v11 =	vadd.f32 v12, v11;
	v12 =	vld [tilespmem:s11+$0x194F0];
	[tilespmem:s13+$0x19480] =	vst v15;
	s13 =	smov.u32 s11  }
.Ltmp12:
0x205: {  	v10 =	vld [tilespmem:s13+$0x194D0];
	(pc) =	sbr.rel @p2 .LBB2_18-.Ltmp12, $4  }
0x206: {  	v4 =	vld.msk [tilespmem:s0+$0x0 ss:$0x0], $0xffff  }
0x207: {  	v8 =	vld [tilespmem:s13+$0x19480];
	v15 =	vadd.f32 v9, v14  }
0x208: {  	v14 =	vld [tilespmem:s13+$0x194B0]  }
0x209: {  	s2 =	smov.u32 s12;
	v9 =	vld [tilespmem:s13+$0x19490]  }
0x20a: {  	v16 =	vld [tilespmem:s13+$0x1BC90]  }
0x20b: {  	v7 =	vadd.f32 v7, v12;
	v11 =	vmul.f32 v11, v4  }
0x20c: {  	v6 =	vadd.f32 v6, v13;
	v12 =	vmul.f32 v15, v4  }
0x20d: {  	v2 =	vadd.f32 v2, v10;
	v7 =	vmul.f32 v7, v4;
	[tilespmem:s13+$0x194C0] =	vst v11  }
0x20e: {  	v6 =	vmul.f32 v6, v4;
	v3 =	vadd.f32 v3, v14;
	[tilespmem:s13+$0x194A0] =	vst v12  }
0x20f: {  	v2 =	vmul.f32 v2, v4;
	[tilespmem:s13+$0x194F0] =	vst v7;
	v9 =	vadd.f32 v16, v9  }
0x210: {  	v5 =	vadd.f32 v5, v8;
	[tilespmem:s13+$0x194E0] =	vst v6;
	v3 =	vmul.f32 v3, v4  }
0x211: {  	[tilespmem:s13+$0x194D0] =	vst v2;
	v7 =	vmul.f32 v9, v4  }
0x212: {  	[tilespmem:s13+$0x194B0] =	vst v3;
	v3 =	vmul.f32 v5, v4  }
0x213: {  	[tilespmem:s13+$0x19490] =	vst v7  }
0x214: {  	s0 =	simm.s32 $0x0;
	s2 =	rddreg [dreg:$0x1e];
	s11 =	simm.s32 $0x19480;
	[tilespmem:s13+$0x19480] =	vst v3  }
0x215: {  	[hbm4b:s2+s0] =	stream.linear.scatter [tilespmem:s11], [sflag:$0x7], $0x2800, $0x38;
	[tilespmem:$0x1EB80] =	vst v63  }
0x216: {  	_ =	swait.ge [sflag:s29], $0x2800  }
0x217: {  	[sflag:s29] =	ssyncset.done $0x0  }
0x218: {  	[sflag:s29] =	ssyncadd.s32 $0xFFFFD800  }
0x219: {  	_ =	swait.ge [sflag:s8], $0x2800  }
0x21a: {  	[sflag:s8] =	ssyncset.done $0x0  }
0x21b: {  	[sflag:s8] =	ssyncadd.s32 $0xFFFFD800  }
0x21c: {  	_ =	swait.ge [sflag:s17], $0x2800  }
0x21d: {  	[sflag:s17] =	ssyncset.done $0x0  }
0x21e: {  	s25 =	rddreg [dreg:$0x1d];
	[sflag:s17] =	ssyncadd.s32 $0xFFFFD800  }
0x21f: {  	[tilespmem:s11], [sflag:$0x4] =	stream.linear.gather [spmem:s25], $0x2800, $0x38;
	[tilespmem:$0x1EB80] =	vst v63  }
0x220: {  	s31 =	rddreg [dreg:$0xf]  }
0x221: {  	[tilespmem:s23], [sflag:$0x2] =	stream.linear.gather [hbm4b:s31+s0], $0x2800, $0x38;
	[tilespmem:$0x1EB80] =	vst v63  }
0x222: {  	v2 =	vld [tilespmem:$0x1E820]  }
0x223: {  	v3 =	vld [tilespmem:$0x1E9A0]  }
0x224: {  	v4 =	vld [tilespmem:$0x1E830]  }
0x225: {  	v5 =	vld [tilespmem:$0x1E9B0]  }
0x226: {  	v6 =	vld [tilespmem:$0x1E840]  }
0x227: {  	v7 =	vld [tilespmem:$0x1E9C0]  }
0x228: {  	v8 =	vld [tilespmem:$0x1E850]  }
0x229: {  	v9 =	vld [tilespmem:$0x1E9D0]  }
0x22a: {  	v10 =	vld [tilespmem:$0x1E860]  }
0x22b: {  	v11 =	vld [tilespmem:$0x1E9E0]  }
0x22c: {  	v2 =	vadd.f32 v3, v2  }
0x22d: {  	v3 =	vadd.f32 v5, v4  }
0x22e: {  	v4 =	vadd.f32 v7, v6;
	v2 =	vmax.f32 v2, $1.000000000e+00  }
0x22f: {  	(erf) = vrcp.f32 v2;
	v2 =	vmax.f32 v3, $1.000000000e+00;
	v3 =	vadd.f32 v9, v8  }
0x230: {  	(erf) = vrcp.f32 v2;
	v2 =	vmax.f32 v4, $1.000000000e+00;
	v4 =	vadd.f32 v11, v10  }
0x231: {  	(erf) = vrcp.f32 v2;
	v2 =	vmax.f32 v3, $1.000000000e+00  }
0x232: {  	(erf) = vrcp.f32 v2;
	v2 =	vmax.f32 v4, $1.000000000e+00  }
0x233: {  	(erf) = vrcp.f32 v2;
	_ =	sdelay $0x4  }
0x234: {  	[tilespmem:$0x1EAD0] =	vst v1;
	v2 =	vpop (erf)  }
0x235: {  	v3 =	vpop (erf);
	[tilespmem:$0x1EA80] =	vst v2  }
0x236: {  	v2 =	vpop (erf);
	[tilespmem:$0x1EA90] =	vst v3  }
0x237: {  	v3 =	vpop (erf);
	[tilespmem:$0x1EAA0] =	vst v2  }
0x238: {  	[tilespmem:$0x1EAB0] =	vst v3;
	v2 =	vpop (erf)  }
0x239: {  	s13 =	simm.s32 $0x0;
	[tilespmem:$0x1EAC0] =	vst v2  }
0x23a: {  	v2 =	vld [tilespmem:s13+$0x16CD0]  }
0x23b: {  	v9 =	vld [tilespmem:s13+$0x16CC0]  }
0x23c: {  	v3 =	vld [tilespmem:s13+$0x16CB0]  }
0x23d: {  	v6 =	vld [tilespmem:s13+$0x16CE0]  }
0x23e: {  	v7 =	vld [tilespmem:s13+$0x16CF0]  }
0x23f: {  	v12 =	vld [tilespmem:s13+$0x144C0]  }
0x240: {  	v5 =	vld [tilespmem:s13+$0x16C80]  }
0x241: {  	v15 =	vld [tilespmem:s13+$0x16CA0]  }
0x242: {  	v16 =	vld [tilespmem:s13+$0x144A0]  }
0x243: {  	v13 =	vld [tilespmem:s13+$0x144E0]  }
0x244: {  	v11 =	vld [tilespmem:s13+$0x144F0]  }
0x245: {  	s0 =	simm.s32 $0x1EA80;
	v10 =	vld [tilespmem:s13+$0x144D0]  }
0x246: {  	v4 =	vld.msk [tilespmem:s0+$0x0 ss:$0x0], $0xffff  }
0x247: {  	v8 =	vld [tilespmem:s13+$0x14480]  }
0x248: {  	v14 =	vld [tilespmem:s13+$0x144B0]  }
0x249: {  	s21 =	simm.s32 $0x19480;
	s2 =	simm.s32 $0x200;
	v12 =	vadd.f32 v9, v12;
	v15 =	vadd.f32 v15, v16;
	v9 =	vld [tilespmem:s13+$0x14490]  }
.LBB2_20:
0x24a: {  	s12 =	smov.u32 s2  }
0x24b: {  	s11 =	sshra.s32 s2, $0x2;
	v16 =	vld [tilespmem:s13+$0x16C90];
	v6 =	vadd.f32 v6, v13;
	s0 =	sadd.s32 $0x1, s0;
	s12 =	sadd.s32 $0x200, s2  }
0x24c: {  	p2 =	sne.s32 s2, $0x9E00;
	v10 =	vadd.f32 v2, v10;
	v7 =	vadd.f32 v7, v11;
	v2 =	vld [tilespmem:s11+$0x16CD0]  }
0x24d: {  	v12 =	vmul.f32 v12, v4;
	v5 =	vadd.f32 v5, v8;
	v8 =	vmul.f32 v15, v4;
	v11 =	vld [tilespmem:s11+$0x16CC0]  }
0x24e: {  	v10 =	vmul.f32 v10, v4;
	v13 =	vadd.f32 v3, v14;
	v14 =	vmul.f32 v6, v4;
	v3 =	vld [tilespmem:s11+$0x16CB0]  }
0x24f: {  	v15 =	vmul.f32 v5, v4;
	v5 =	vmul.f32 v7, v4;
	v6 =	vld [tilespmem:s11+$0x16CE0];
	[tilespmem:s13+$0x144C0] =	vst v12  }
0x250: {  	v9 =	vadd.f32 v16, v9;
	v7 =	vld [tilespmem:s11+$0x16CF0];
	[tilespmem:s13+$0x144A0] =	vst v8;
	v8 =	vmul.f32 v13, v4  }
0x251: {  	v12 =	vld [tilespmem:s11+$0x144C0];
	[tilespmem:s13+$0x144F0] =	vst v5  }
0x252: {  	v4 =	vmul.f32 v9, v4;
	v5 =	vld [tilespmem:s11+$0x16C80];
	[tilespmem:s13+$0x144E0] =	vst v14  }
0x253: {  	v9 =	vld [tilespmem:s11+$0x16CA0];
	[tilespmem:s13+$0x144B0] =	vst v8  }
0x254: {  	v14 =	vld [tilespmem:s11+$0x144A0];
	[tilespmem:s13+$0x14490] =	vst v4  }
0x255: {  	v13 =	vld [tilespmem:s11+$0x144E0];
	[tilespmem:s13+$0x144D0] =	vst v10  }
0x256: {  	v12 =	vadd.f32 v11, v12;
	v11 =	vld [tilespmem:s11+$0x144F0];
	[tilespmem:s13+$0x14480] =	vst v15;
	s13 =	smov.u32 s11  }
.Ltmp13:
0x257: {  	v10 =	vld [tilespmem:s13+$0x144D0];
	(pc) =	sbr.rel @p2 .LBB2_20-.Ltmp13, $4  }
0x258: {  	v4 =	vld.msk [tilespmem:s0+$0x0 ss:$0x0], $0xffff  }
0x259: {  	v8 =	vld [tilespmem:s13+$0x14480];
	v15 =	vadd.f32 v9, v14  }
0x25a: {  	v14 =	vld [tilespmem:s13+$0x144B0]  }
0x25b: {  	s2 =	smov.u32 s12;
	v9 =	vld [tilespmem:s13+$0x14490]  }
0x25c: {  	v16 =	vld [tilespmem:s13+$0x16C90]  }
0x25d: {  	v7 =	vadd.f32 v7, v11;
	v11 =	vmul.f32 v12, v4  }
0x25e: {  	v6 =	vadd.f32 v6, v13;
	v12 =	vmul.f32 v15, v4  }
0x25f: {  	v2 =	vadd.f32 v2, v10;
	v7 =	vmul.f32 v7, v4;
	[tilespmem:s13+$0x144C0] =	vst v11  }
0x260: {  	v6 =	vmul.f32 v6, v4;
	v3 =	vadd.f32 v3, v14;
	[tilespmem:s13+$0x144A0] =	vst v12  }
0x261: {  	v2 =	vmul.f32 v2, v4;
	[tilespmem:s13+$0x144F0] =	vst v7;
	v9 =	vadd.f32 v16, v9  }
0x262: {  	v5 =	vadd.f32 v5, v8;
	[tilespmem:s13+$0x144E0] =	vst v6;
	v3 =	vmul.f32 v3, v4  }
0x263: {  	[tilespmem:s13+$0x144D0] =	vst v2;
	v7 =	vmul.f32 v9, v4  }
0x264: {  	[tilespmem:s13+$0x144B0] =	vst v3;
	v3 =	vmul.f32 v5, v4  }
0x265: {  	[tilespmem:s13+$0x14490] =	vst v7  }
0x266: {  	s0 =	simm.s32 $0x0;
	s2 =	rddreg [dreg:$0x1f];
	[tilespmem:s13+$0x14480] =	vst v3  }
0x267: {  	[hbm4b:s2+s0] =	stream.linear.scatter [tilespmem:s28], [sflag:$0x7], $0x2800, $0x38;
	[tilespmem:$0x1EB80] =	vst v63  }
0x268: {  	_ =	swait.ge [sflag:s29], $0x2800  }
0x269: {  	[sflag:s29] =	ssyncset.done $0x0  }
0x26a: {  	[sflag:s29] =	ssyncadd.s32 $0xFFFFD800  }
0x26b: {  	_ =	swait.ge [sflag:s10], $0x2800  }
0x26c: {  	[sflag:s10] =	ssyncset.done $0x0  }
0x26d: {  	[sflag:s10] =	ssyncadd.s32 $0xFFFFD800  }
0x26e: {  	_ =	swait.ge [sflag:s7], $0x2800  }
0x26f: {  	[sflag:s7] =	ssyncset.done $0x0  }
0x270: {  	[sflag:s7] =	ssyncadd.s32 $0xFFFFD800  }
0x271: {  	v2 =	vld [tilespmem:$0x1E870]  }
0x272: {  	v3 =	vld [tilespmem:$0x1E9F0]  }
0x273: {  	v4 =	vld [tilespmem:$0x1E880]  }
0x274: {  	v5 =	vld [tilespmem:$0x1EA00]  }
0x275: {  	v6 =	vld [tilespmem:$0x1E890]  }
0x276: {  	v7 =	vld [tilespmem:$0x1EA10]  }
0x277: {  	v8 =	vld [tilespmem:$0x1E8A0]  }
0x278: {  	v9 =	vld [tilespmem:$0x1EA20]  }
0x279: {  	v10 =	vld [tilespmem:$0x1E8B0]  }
0x27a: {  	v11 =	vld [tilespmem:$0x1EA30]  }
0x27b: {  	v2 =	vadd.f32 v3, v2  }
0x27c: {  	v3 =	vadd.f32 v5, v4  }
0x27d: {  	v4 =	vadd.f32 v7, v6;
	v2 =	vmax.f32 v2, $1.000000000e+00  }
0x27e: {  	(erf) = vrcp.f32 v2;
	v2 =	vmax.f32 v3, $1.000000000e+00;
	v3 =	vadd.f32 v9, v8  }
0x27f: {  	(erf) = vrcp.f32 v2;
	v2 =	vmax.f32 v4, $1.000000000e+00;
	v4 =	vadd.f32 v11, v10  }
0x280: {  	(erf) = vrcp.f32 v2;
	v2 =	vmax.f32 v3, $1.000000000e+00  }
0x281: {  	(erf) = vrcp.f32 v2;
	v2 =	vmax.f32 v4, $1.000000000e+00  }
0x282: {  	(erf) = vrcp.f32 v2;
	_ =	sdelay $0x4  }
0x283: {  	[tilespmem:$0x1EAD0] =	vst v1;
	v2 =	vpop (erf)  }
0x284: {  	v3 =	vpop (erf);
	[tilespmem:$0x1EA80] =	vst v2  }
0x285: {  	v2 =	vpop (erf);
	[tilespmem:$0x1EA90] =	vst v3  }
0x286: {  	v3 =	vpop (erf);
	[tilespmem:$0x1EAA0] =	vst v2  }
0x287: {  	[tilespmem:$0x1EAB0] =	vst v3;
	v2 =	vpop (erf)  }
0x288: {  	s13 =	simm.s32 $0x0;
	[tilespmem:$0x1EAC0] =	vst v2  }
0x289: {  	v2 =	vld [tilespmem:s13+$0x1BCD0]  }
0x28a: {  	v9 =	vld [tilespmem:s13+$0x1BCC0]  }
0x28b: {  	v3 =	vld [tilespmem:s13+$0x1BCB0]  }
0x28c: {  	v6 =	vld [tilespmem:s13+$0x1BCE0]  }
0x28d: {  	v7 =	vld [tilespmem:s13+$0x1BCF0]  }
0x28e: {  	v12 =	vld [tilespmem:s13+$0x194C0]  }
0x28f: {  	v5 =	vld [tilespmem:s13+$0x1BC80]  }
0x290: {  	v15 =	vld [tilespmem:s13+$0x1BCA0]  }
0x291: {  	v16 =	vld [tilespmem:s13+$0x194A0]  }
0x292: {  	v13 =	vld [tilespmem:s13+$0x194E0]  }
0x293: {  	v11 =	vld [tilespmem:s13+$0x194F0]  }
0x294: {  	s0 =	simm.s32 $0x1EA80;
	v10 =	vld [tilespmem:s13+$0x194D0]  }
0x295: {  	v4 =	vld.msk [tilespmem:s0+$0x0 ss:$0x0], $0xffff  }
0x296: {  	v8 =	vld [tilespmem:s13+$0x19480]  }
0x297: {  	v14 =	vld [tilespmem:s13+$0x194B0]  }
0x298: {  	s2 =	simm.s32 $0x200;
	v12 =	vadd.f32 v9, v12;
	v15 =	vadd.f32 v15, v16;
	v9 =	vld [tilespmem:s13+$0x19490]  }
.LBB2_22:
0x299: {  	s12 =	smov.u32 s2  }
0x29a: {  	s11 =	sshra.s32 s2, $0x2;
	v16 =	vld [tilespmem:s13+$0x1BC90];
	v6 =	vadd.f32 v6, v13;
	s0 =	sadd.s32 $0x1, s0;
	s12 =	sadd.s32 $0x200, s2  }
0x29b: {  	p2 =	sne.s32 s2, $0x9E00;
	v10 =	vadd.f32 v2, v10;
	v7 =	vadd.f32 v7, v11;
	v2 =	vld [tilespmem:s11+$0x1BCD0]  }
0x29c: {  	v5 =	vadd.f32 v5, v8;
	v8 =	vmul.f32 v15, v4;
	v12 =	vmul.f32 v12, v4;
	v11 =	vld [tilespmem:s11+$0x1BCC0]  }
0x29d: {  	v13 =	vadd.f32 v3, v14;
	v10 =	vmul.f32 v10, v4;
	v14 =	vmul.f32 v6, v4;
	v3 =	vld [tilespmem:s11+$0x1BCB0]  }
0x29e: {  	v15 =	vmul.f32 v5, v4;
	v5 =	vmul.f32 v7, v4;
	v6 =	vld [tilespmem:s11+$0x1BCE0];
	[tilespmem:s13+$0x194C0] =	vst v12  }
0x29f: {  	v9 =	vadd.f32 v16, v9;
	v7 =	vld [tilespmem:s11+$0x1BCF0];
	[tilespmem:s13+$0x194A0] =	vst v8;
	v8 =	vmul.f32 v13, v4  }
0x2a0: {  	v12 =	vld [tilespmem:s11+$0x194C0];
	[tilespmem:s13+$0x194F0] =	vst v5  }
0x2a1: {  	v4 =	vmul.f32 v9, v4;
	v5 =	vld [tilespmem:s11+$0x1BC80];
	[tilespmem:s13+$0x194E0] =	vst v14  }
0x2a2: {  	v9 =	vld [tilespmem:s11+$0x1BCA0];
	[tilespmem:s13+$0x194B0] =	vst v8  }
0x2a3: {  	v14 =	vld [tilespmem:s11+$0x194A0];
	[tilespmem:s13+$0x19490] =	vst v4  }
0x2a4: {  	v13 =	vld [tilespmem:s11+$0x194E0];
	[tilespmem:s13+$0x194D0] =	vst v10  }
0x2a5: {  	v12 =	vadd.f32 v11, v12;
	v11 =	vld [tilespmem:s11+$0x194F0];
	[tilespmem:s13+$0x19480] =	vst v15;
	s13 =	smov.u32 s11  }
.Ltmp14:
0x2a6: {  	v10 =	vld [tilespmem:s13+$0x194D0];
	(pc) =	sbr.rel @p2 .LBB2_22-.Ltmp14, $4  }
0x2a7: {  	v4 =	vld.msk [tilespmem:s0+$0x0 ss:$0x0], $0xffff  }
0x2a8: {  	v8 =	vld [tilespmem:s13+$0x19480];
	v15 =	vadd.f32 v9, v14  }
0x2a9: {  	v14 =	vld [tilespmem:s13+$0x194B0]  }
0x2aa: {  	s2 =	smov.u32 s12;
	v9 =	vld [tilespmem:s13+$0x19490]  }
.Ltmp15:
0x2ab: {  	_ = 	snop;
	(pc) =	sbr.rel .LBB2_23-.Ltmp15, $1  }
0x2ac: {  	_ =	sdelay $0x3  }
.LBB2_25:
0x2ad: {  	_ =	sfence.sel $0x180000  }
0x2ae: {  	[bflag:$0x0] =	sbarrier.arrive $0xFFFF  }
0x2af: {  	_ =	strace $0x90000047  }
0x2b0: {  	[bflag:$0x2] =	sbarrier.arrive $0xFFFF  }
0x2b1: {  	s0 =	rddreg [dreg:$0x6]  }
0x2b2: {  	s0 =	sadd.s32 @!p1 $0x100000, s0  }
0x2b3: {  	[sflag:s0] =	ssyncadd.tile.s32 @!p1 $0x1;
	_ =	shalt  }
.Lfunc_end2:
_tile_overlayer_lowered:
.L_overlay_start_2:
0x2b4: {  	(tag) =	ssettag $0x2  }
0x2b5: {  	s0 =	rddreg [dreg:$0x0];
	s2 =	stileid.u32  }
0x2b6: {  	s1 =	rddreg [dreg:$0x1];
	p0 =	sne.s32 s2, $0x0  }
0x2b7: {  	s3 =	rddreg [dreg:$0x2];
	[bflag:$0x3] =	sbarrier.arrive $0xFFFF;
	s2 =	simm.s32 @!p0 $0x1C07  }
0x2b8: {  	[timem:s3], [sflag:s2] =	dma.local @!p0 [hbm:s0], s1  }
0x2b9: {  	s0 =	simm.s32 @!p0 $0x7  }
0x2ba: {  	_ =	swait.ge @!p0 [sflag:s0], s1  }
0x2bb: {  	s1 =	ssub.s32 @!p0 $0x0, s1;
	[sflag:s0] =	ssyncset.done @!p0 $0x0  }
0x2bc: {  	[sflag:s0] =	ssyncadd.s32 @!p0 s1  }
0x2bd: {  	[bflag:$0x3] =	sbarrier.arrive $0xFFFF  }
0x2be: {  	_ =	shalt  }

</sc_bundles>
